<compile_context>
chip_gen: v7x
topology: tpu7x:2x2x1
jax: 0.10.2.dev20260603
libtpu: 0.0.44.dev20260713+nightly
codegen_flags: <defaults>
</compile_context>

<pallas_src>
import functools

import jax
import jax.numpy as jnp
from jax import lax
from jax.experimental import pallas as pl
from jax.experimental.pallas import tpu as pltpu
from jax.experimental.pallas import tpu_sc as plsc

N = 10000
E = 320000
HID = 128
D1 = 16
DH = 64

NC, NS = 2, 16
NPAD = 10240
EPAD = 327680
EPT = EPAD // (NC * NS)
CH = 128
NCHUNK = EPT // CH
RPT = NPAD // NS

_mesh = functools.partial(
    plsc.VectorSubcoreMesh, core_axis_name="c", subcore_axis_name="s",
    num_cores=NC, num_subcores=NS)


RB2, GD2 = 3, 2


def _sc_agg2():
  scratch = [
      pltpu.VMEM((NCHUNK, CH), jnp.int32),
      pltpu.VMEM((NCHUNK, CH), jnp.int32),
      pltpu.VMEM((RB2, CH, DH), jnp.float32),
      pltpu.VMEM_SHARED((NPAD, DH), jnp.float32),
      pltpu.VMEM_SHARED((NPAD, DH), jnp.float32),
      pltpu.SemaphoreType.DMA((RB2,)),
      pltpu.SemaphoreType.DMA((RB2,)),
  ]

  def body(ga, gb, src3, dst3, outa, outb,
           src_v, dst_v, rows_v, accum, table_sp, ssem, gsem):
    c = lax.axis_index("c")
    s = lax.axis_index("s")
    wid = c * NS + s
    r0 = pl.multiple_of(s * RPT, RPT)

    def zero_fill(r, carry):
      for j in range(DH // 16):
        rows_v[0, r, pl.ds(j * 16, 16)] = jnp.zeros((16,), jnp.float32)
      return carry

    def scat_wait(b):
      pltpu.make_async_copy(
          rows_v.at[0], accum.at[dst_v.at[0]], ssem.at[b]).wait()

    def gath_wait(b):
      pltpu.make_async_copy(
          table_sp.at[src_v.at[0]], rows_v.at[0], gsem.at[b]).wait()

    def gath_start(i):
      b = lax.rem(i, RB2)
      pltpu.async_copy(table_sp.at[src_v.at[i]], rows_v.at[b], gsem.at[b])

    pltpu.sync_copy(src3.at[wid], src_v)
    pltpu.sync_copy(dst3.at[wid], dst_v)

    for table, out in ((ga, outa), (gb, outb)):
      lax.fori_loop(0, CH, zero_fill, 0)
      for k in range(RPT // CH):
        pltpu.sync_copy(rows_v.at[0], accum.at[pl.ds(r0 + k * CH, CH)])
      pltpu.sync_copy(table.at[pl.ds(r0, RPT)], table_sp.at[pl.ds(r0, RPT)])
      plsc.subcore_barrier()

      for j in range(GD2):
        gath_start(j)

      def step(i, carry):
        b = lax.rem(i, RB2)
        gath_wait(b)
        pltpu.async_copy(
            rows_v.at[b], accum.at[dst_v.at[i]], ssem.at[b], add=True)
        j = i + GD2

        @pl.when(j < NCHUNK)
        def _():
          @pl.when(j >= RB2)
          def _():
            scat_wait(lax.rem(j, RB2))
          gath_start(j)
        return carry

      lax.fori_loop(0, NCHUNK, step, 0)
      for b in range(RB2):
        scat_wait(b)
      plsc.subcore_barrier()
      pltpu.sync_copy(accum.at[pl.ds(r0, RPT)], out.at[c, pl.ds(r0, RPT)])

  return pl.kernel(
      body,
      out_type=(jax.ShapeDtypeStruct((NC, NPAD, DH), jnp.float32),
                jax.ShapeDtypeStruct((NC, NPAD, DH), jnp.float32)),
      mesh=_mesh(),
      scratch_types=scratch,
      compiler_params=pltpu.CompilerParams(use_tc_tiling_on_sc=False),
  )


NCHUNK_ALL = EPAD // NS // CH


def _sc_deg_agg1():
  rb, gd = 8, 5
  scratch = [
      pltpu.VMEM((NCHUNK_ALL, CH), jnp.int32),
      pltpu.VMEM((NCHUNK, CH), jnp.int32),
      pltpu.VMEM((NCHUNK, CH), jnp.int32),
      pltpu.VMEM((rb, CH, D1), jnp.float32),
      pltpu.VMEM((RPT, D1), jnp.float32),
      pltpu.VMEM((RPT, D1), jnp.float32),
      pltpu.VMEM_SHARED((NPAD, D1), jnp.float32),
      pltpu.VMEM_SHARED((NPAD, D1), jnp.float32),
      pltpu.VMEM_SHARED((NPAD, D1), jnp.float32),
      pltpu.SemaphoreType.DMA((rb,)),
      pltpu.SemaphoreType.DMA((rb,)),
  ]

  def body(x16, src3, dst3, g1_out, s1_out, dsta_v, src_v, dst_v,
           rows_v, work_v, deg_v, degacc, table, s1acc, ssem, gsem):
    c = lax.axis_index("c")
    s = lax.axis_index("s")
    wid = c * NS + s
    r0 = pl.multiple_of(s * RPT, RPT)

    def make_fill(val):
      def fill_row(r, carry):
        rows_v[0, r, :] = jnp.full((16,), val, jnp.float32)
        return carry
      return fill_row

    lax.fori_loop(0, CH, make_fill(0.0), 0)
    for k in range(RPT // CH):
      pltpu.sync_copy(rows_v.at[0], degacc.at[pl.ds(r0 + k * CH, CH)])
      pltpu.sync_copy(rows_v.at[0], s1acc.at[pl.ds(r0 + k * CH, CH)])
    lax.fori_loop(0, CH, make_fill(1.0), 0)
    pltpu.sync_copy(dst3.at[2 * s], dsta_v.at[pl.ds(0, NCHUNK)])
    pltpu.sync_copy(dst3.at[2 * s + 1], dsta_v.at[pl.ds(NCHUNK, NCHUNK)])
    pltpu.sync_copy(src3.at[wid], src_v)
    pltpu.sync_copy(dst3.at[wid], dst_v)
    pltpu.sync_copy(x16.at[pl.ds(r0, RPT)], work_v)
    plsc.subcore_barrier()

    def scat_wait(b):
      pltpu.make_async_copy(
          rows_v.at[0], s1acc.at[pl.ds(0, CH)], ssem.at[b]).wait()

    def deg_step(i, carry):
      b = lax.rem(i, rb)

      @pl.when(i >= rb)
      def _():
        scat_wait(b)
      pltpu.async_copy(
          rows_v.at[0], degacc.at[dsta_v.at[i]], ssem.at[b], add=True)
      return carry

    lax.fori_loop(0, NCHUNK_ALL, deg_step, 0)
    for b in range(rb):
      scat_wait(b)
    plsc.subcore_barrier()

    pltpu.sync_copy(degacc.at[pl.ds(r0, RPT)], deg_v)
    lane = lax.iota(jnp.int32, 16)
    magic = jnp.full((16,), 0x5F3759DF, jnp.int32)

    def norm_row(r, carry):
      d1 = deg_v[r, :] + 1.0
      y = plsc.bitcast(
          magic - lax.shift_right_logical(plsc.bitcast(d1, jnp.int32), 1),
          jnp.float32)
      for _ in range(3):
        y = y * (1.5 - 0.5 * d1 * y * y)
      y = jnp.where(r0 + r < N, y, 0.0)
      work_v[r, :] = jnp.where(lane == 4, y, work_v[r, :] * y)
      return carry

    lax.fori_loop(0, RPT, norm_row, 0)
    pltpu.sync_copy(work_v, table.at[pl.ds(r0, RPT)])

    @pl.when(c == 0)
    def _():
      pltpu.sync_copy(work_v, g1_out.at[pl.ds(r0, RPT)])
    plsc.subcore_barrier()

    def gath_start(i):
      b = lax.rem(i, rb)
      pltpu.async_copy(table.at[src_v.at[i]], rows_v.at[b], gsem.at[b])

    def gath_wait(b):
      pltpu.make_async_copy(
          table.at[pl.ds(0, CH)], rows_v.at[0], gsem.at[b]).wait()

    for j in range(gd):
      gath_start(j)

    def step(i, carry):
      b = lax.rem(i, rb)
      gath_wait(b)
      pltpu.async_copy(
          rows_v.at[b], s1acc.at[dst_v.at[i]], ssem.at[b], add=True)
      j = i + gd

      @pl.when(j < NCHUNK)
      def _():
        @pl.when(j >= rb)
        def _():
          scat_wait(lax.rem(j, rb))
        gath_start(j)
      return carry

    lax.fori_loop(0, NCHUNK, step, 0)
    for b in range(min(rb, NCHUNK)):
      scat_wait(b)
    plsc.subcore_barrier()
    pltpu.sync_copy(s1acc.at[pl.ds(r0, RPT)], s1_out.at[c, pl.ds(r0, RPT)])

  return pl.kernel(
      body,
      out_type=(jax.ShapeDtypeStruct((NPAD, D1), jnp.float32),
                jax.ShapeDtypeStruct((NC, NPAD, D1), jnp.float32)),
      mesh=_mesh(),
      scratch_types=scratch,
      compiler_params=pltpu.CompilerParams(
          use_tc_tiling_on_sc=False, needs_layout_passes=False),
  )



BR = 512
_GRID = NPAD // BR


def _layer1_body(g1_ref, s1_ref, x_ref, w_ref, b_ref, g2a_ref, g2b_ref):
  dinv = g1_ref[:, 4:5]
  a1 = (s1_ref[0] + s1_ref[1]) * dinv + x_ref[...] * (dinv * dinv)
  h1 = jnp.maximum(
      jnp.dot(a1, w_ref[...], preferred_element_type=jnp.float32)
      + b_ref[...], 0.0)
  g2 = h1 * dinv
  g2a_ref[...] = g2[:, :DH]
  g2b_ref[...] = g2[:, DH:]


def _tc_layer1(g1, s1_parts, x16, w1p, b1):
  return pl.pallas_call(
      _layer1_body,
      grid=(_GRID,),
      in_specs=[
          pl.BlockSpec((BR, D1), lambda i: (i, 0)),
          pl.BlockSpec((NC, BR, D1), lambda i: (0, i, 0)),
          pl.BlockSpec((BR, D1), lambda i: (i, 0)),
          pl.BlockSpec((D1, HID), lambda i: (0, 0)),
          pl.BlockSpec((1, HID), lambda i: (0, 0)),
      ],
      out_specs=[
          pl.BlockSpec((BR, DH), lambda i: (i, 0)),
          pl.BlockSpec((BR, DH), lambda i: (i, 0)),
      ],
      out_shape=[
          jax.ShapeDtypeStruct((NPAD, DH), jnp.float32),
          jax.ShapeDtypeStruct((NPAD, DH), jnp.float32),
      ],
  )(g1, s1_parts, x16, w1p, b1)


def _layer2_body(g1_ref, s2a_ref, s2b_ref, g2a_ref, g2b_ref, w_ref, b_ref,
                 y_ref):
  dinv = g1_ref[:, 4:5]
  a2 = jnp.concatenate(
      [s2a_ref[0] + s2a_ref[1] + g2a_ref[...],
       s2b_ref[0] + s2b_ref[1] + g2b_ref[...]], axis=1) * dinv
  y_ref[...] = jnp.maximum(
      jnp.dot(a2, w_ref[...], preferred_element_type=jnp.float32)
      + b_ref[...], 0.0)


BR2 = 400


def _tc_layer2(g1, s2a_parts, s2b_parts, g2a, g2b, w2, b2):
  return pl.pallas_call(
      _layer2_body,
      grid=(N // BR2,),
      in_specs=[
          pl.BlockSpec((BR2, D1), lambda i: (i, 0)),
          pl.BlockSpec((NC, BR2, DH), lambda i: (0, i, 0)),
          pl.BlockSpec((NC, BR2, DH), lambda i: (0, i, 0)),
          pl.BlockSpec((BR2, DH), lambda i: (i, 0)),
          pl.BlockSpec((BR2, DH), lambda i: (i, 0)),
          pl.BlockSpec((HID, HID), lambda i: (0, 0)),
          pl.BlockSpec((1, HID), lambda i: (0, 0)),
      ],
      out_specs=pl.BlockSpec((BR2, HID), lambda i: (i, 0)),
      out_shape=jax.ShapeDtypeStruct((N, HID), jnp.float32),
  )(g1, s2a_parts, s2b_parts, g2a, g2b, w2, b2)


@jax.jit
def _run(x, edge_index, w1, b1, w2, b2):
  pad = jnp.full((EPAD - E,), N, dtype=jnp.int32)
  srcf = jnp.concatenate([edge_index[0].astype(jnp.int32), pad])
  dstf = jnp.concatenate([edge_index[1].astype(jnp.int32), pad])
  srcp = srcf.reshape(NC * NS, NCHUNK, CH)
  dstp = dstf.reshape(NC * NS, NCHUNK, CH)
  x16 = jnp.zeros((NPAD, D1), jnp.float32).at[:N, :4].set(x)
  w1p = jnp.zeros((D1, HID), jnp.float32).at[:4].set(w1)

  g1, s1_parts = _sc_deg_agg1()(x16, srcp, dstp)
  g2a, g2b = _tc_layer1(g1, s1_parts, x16, w1p, b1.reshape(1, HID))
  s2a_parts, s2b_parts = _sc_agg2()(g2a, g2b, srcp, dstp)
  return _tc_layer2(g1, s2a_parts, s2b_parts, g2a, g2b, w2,
                    b2.reshape(1, HID))


def kernel(x, edge_index, W1, b1, W2, b2):
  return _run(x, edge_index, W1, b1, W2, b2)

# --- scband reference (transcript-rebuilt; emitter-appended) ---
"""Pipeline reference for scband-polyline-subgraph-encoder-21397527068864 (READ-ONLY COPY).

The authoritative reference and input builder live on the scoring server;
editing this copy changes nothing except your own understanding.
"""

import jax, jax.numpy as jnp
import numpy as np

N = 10000
E = 320000
IN_DIM = 4
HIDDEN = 128


def setup_inputs(seed: int = 0) -> dict:
    key = jax.random.key(seed)
    k1, k2, k3, k4 = jax.random.split(key, 4)
    x = jax.random.normal(k1, (N, IN_DIM), dtype=jnp.float32)
    edge_index = jax.random.randint(k2, (2, E), 0, N, dtype=jnp.int32)
    W1 = jax.random.normal(k3, (IN_DIM, HIDDEN), dtype=jnp.float32) / jnp.sqrt(IN_DIM)
    b1 = jnp.zeros((HIDDEN,), dtype=jnp.float32)
    W2 = jax.random.normal(k4, (HIDDEN, HIDDEN), dtype=jnp.float32) / jnp.sqrt(HIDDEN)
    b2 = jnp.zeros((HIDDEN,), dtype=jnp.float32)
    return {"x": x, "edge_index": edge_index, "W1": W1, "b1": b1, "W2": W2, "b2": b2}


def gcn_conv(x, edge_index, W, b):
    # PyG GCNConv: h = x @ W; add self loops; sym-normalize; scatter-add; + bias
    h = x @ W
    src = edge_index[0]
    dst = edge_index[1]
    loop = jnp.arange(N, dtype=src.dtype)
    src = jnp.concatenate([src, loop])
    dst = jnp.concatenate([dst, loop])
    deg = jax.ops.segment_sum(jnp.ones(src.shape, dtype=h.dtype), dst, num_segments=N)
    dinv = jnp.where(deg > 0, jax.lax.rsqrt(deg), 0.0)
    norm = dinv[src] * dinv[dst]
    msg = h[src] * norm[:, None]
    out = jax.ops.segment_sum(msg, dst, num_segments=N)
    return out + b


def reference(x, edge_index, W1, b1, W2, b2):
    h = jax.nn.relu(gcn_conv(x, edge_index, W1, b1))
    h = jax.nn.relu(gcn_conv(h, edge_index, W2, b2))
    return h

if __name__ == "__main__":
    import jax
    _d = setup_inputs()
    print(jax.jit(kernel)(*tuple(_d.values())))

</pallas_src>

<mosaic_0001>
#map = affine_map<(d0, d1) -> (0, 0)>
#map1 = affine_map<(d0, d1) -> (0, 0, 0)>
module attributes {stable_mosaic.version = 14 : i64} {
  func.func @body(%arg0: i32, %arg1: i32, %arg2: memref<10240x16xf32, #tpu.memory_space<hbm>>, %arg3: memref<32x80x128xi32, #tpu.memory_space<hbm>>, %arg4: memref<32x80x128xi32, #tpu.memory_space<hbm>>, %arg5: memref<10240x16xf32, #tpu.memory_space<hbm>>, %arg6: memref<2x10240x16xf32, #tpu.memory_space<hbm>>, %arg7: memref<160x128xi32, #tpu.memory_space<vmem>>, %arg8: memref<80x128xi32, #tpu.memory_space<vmem>>, %arg9: memref<80x128xi32, #tpu.memory_space<vmem>>, %arg10: memref<8x128x16xf32, #tpu.memory_space<vmem>>, %arg11: memref<640x16xf32, #tpu.memory_space<vmem>>, %arg12: memref<640x16xf32, #tpu.memory_space<vmem>>, %arg13: memref<10240x16xf32, #tpu.memory_space<vmem_shared>>, %arg14: memref<10240x16xf32, #tpu.memory_space<vmem_shared>>, %arg15: memref<10240x16xf32, #tpu.memory_space<vmem_shared>>, %arg16: memref<8x!tpu.dma_semaphore, #tpu.memory_space<semaphore_mem>>, %arg17: memref<8x!tpu.dma_semaphore, #tpu.memory_space<semaphore_mem>>) attributes {dimension_semantics = [#tpu.dimension_semantics<core_parallel>, #tpu.dimension_semantics<subcore_parallel>], iteration_bounds = array<i64: 2, 16>, scalar_prefetch = 0 : i64, scratch_operands = 11 : i64, tpu.core_type = #tpu.core_type<sc_vector_subcore>, window_params = [{transform_indices = #map}, {transform_indices = #map1}, {transform_indices = #map1}, {transform_indices = #map}, {transform_indices = #map1}]} {
    %mul3A = arith.constant 16 : i32
    %mul3A_0 = arith.muli %arg0, %mul3A : i32
    %add3A = arith.addi %mul3A_0, %arg1 : i32
    %mul3A_1 = arith.constant 640 : i32
    %mul3A_2 = arith.muli %arg1, %mul3A_1 : i32
    %multiple_of3A = tpu.assume_multiple %mul3A_2, 640 : i32
    %scan3A = arith.constant 0 : i32
    %scan3A_3 = arith.constant 0 : i32
    %scan3A_4 = arith.constant 128 : i32
    %scan3A_5 = arith.addi %scan3A_3, %scan3A_4 : i32
    %scan3A_6 = arith.constant 1 : i32
    scf.for %scan3A_438 = %scan3A_3 to %scan3A_5 step %scan3A_6  : i32 {
      %broadcast_in_dim3A_439 = arith.constant 0.000000e+00 : f32
      %broadcast_in_dim3A_440 = vector.broadcast %broadcast_in_dim3A_439 : f32 to vector<16xf32>
      %swap3A = arith.constant 0 : i32
      %swap3A_441 = arith.index_cast %swap3A : i32 to index
      %swap3A_442 = arith.index_cast %scan3A_438 : i32 to index
      %swap3A_443 = arith.constant 0 : index
      %swap3A_444 = tpu.vector_load %arg10[%swap3A_441, %swap3A_442, %swap3A_443] {strides = array<i32>} : memref<8x128x16xf32, #tpu.memory_space<vmem>>, vector<16xf32>,
      tpu.vector_store %arg10[%swap3A_441, %swap3A_442, %swap3A_443], %broadcast_in_dim3A_440 {strides = array<i32>} : memref<8x128x16xf32, #tpu.memory_space<vmem>>, vector<16xf32>,
    }
    %scan3A_7 = arith.constant 128 : i32
    %add3A_8 = arith.constant 0 : i32
    %add3A_9 = arith.addi %multiple_of3A, %add3A_8 : i32
    %run_scoped3A = arith.constant 0 : i32
    "tpu.region"() ({
      %run_scoped3A_438 = tpu.sem_alloc : memref<!tpu.dma_semaphore, #tpu.memory_space<semaphore_mem>>
      %dma_start3A_439 = arith.constant 0 : i32
      %dma_start3A_440 = arith.constant 0 : i32
      %dma_start3A_441 = tpu.memref_slice %arg10[%run_scoped3A, %dma_start3A_439, %dma_start3A_440] : memref<8x128x16xf32, #tpu.memory_space<vmem>> -> memref<1x128x16xf32, #tpu.memory_space<vmem>>
      %dma_start3A_442 = tpu.memref_squeeze %dma_start3A_441 : memref<1x128x16xf32, #tpu.memory_space<vmem>> -> memref<128x16xf32, #tpu.memory_space<vmem>>
      %dma_start3A_443 = arith.constant 0 : i32
      %dma_start3A_444 = tpu.memref_slice %arg13[%add3A_9, %dma_start3A_443] : memref<10240x16xf32, #tpu.memory_space<vmem_shared>> -> memref<128x16xf32, #tpu.memory_space<vmem_shared>>
      %dma_start3A_445 = arith.constant 0 : i32
      %dma_start3A_446 = tpu.memref_slice %arg13[%add3A_9, %dma_start3A_445] : memref<10240x16xf32, #tpu.memory_space<vmem_shared>> -> memref<128x16xf32, #tpu.memory_space<vmem_shared>>
      %dma_start3A_447 = arith.constant 0 : i32
      %dma_start3A_448 = arith.constant 0 : i32
      %dma_start3A_449 = tpu.memref_slice %arg10[%run_scoped3A, %dma_start3A_447, %dma_start3A_448] : memref<8x128x16xf32, #tpu.memory_space<vmem>> -> memref<1x128x16xf32, #tpu.memory_space<vmem>>
      %dma_start3A_450 = tpu.memref_squeeze %dma_start3A_449 : memref<1x128x16xf32, #tpu.memory_space<vmem>> -> memref<128x16xf32, #tpu.memory_space<vmem>>
      tpu.enqueue_dma source(%dma_start3A_450 : memref<128x16xf32, #tpu.memory_space<vmem>>) target(%dma_start3A_446 : memref<128x16xf32, #tpu.memory_space<vmem_shared>>) target_semaphore(%run_scoped3A_438 : memref<!tpu.dma_semaphore, #tpu.memory_space<semaphore_mem>>)
      %dma_wait3A_451 = arith.constant 0 : i32
      %dma_wait3A_452 = arith.constant 0 : i32
      %dma_wait3A_453 = tpu.memref_slice %arg10[%run_scoped3A, %dma_wait3A_451, %dma_wait3A_452] : memref<8x128x16xf32, #tpu.memory_space<vmem>> -> memref<1x128x16xf32, #tpu.memory_space<vmem>>
      %dma_wait3A_454 = tpu.memref_squeeze %dma_wait3A_453 : memref<1x128x16xf32, #tpu.memory_space<vmem>> -> memref<128x16xf32, #tpu.memory_space<vmem>>
      %dma_wait3A_455 = arith.constant 0 : i32
      %dma_wait3A_456 = tpu.memref_slice %arg13[%add3A_9, %dma_wait3A_455] : memref<10240x16xf32, #tpu.memory_space<vmem_shared>> -> memref<128x16xf32, #tpu.memory_space<vmem_shared>>
      %dma_wait3A_457 = arith.constant 0 : i32
      %dma_wait3A_458 = tpu.memref_slice %arg13[%add3A_9, %dma_wait3A_457] : memref<10240x16xf32, #tpu.memory_space<vmem_shared>> -> memref<128x16xf32, #tpu.memory_space<vmem_shared>>
      %dma_wait3A_459 = arith.constant 0 : i32
      %dma_wait3A_460 = arith.constant 0 : i32
      %dma_wait3A_461 = tpu.memref_slice %arg10[%run_scoped3A, %dma_wait3A_459, %dma_wait3A_460] : memref<8x128x16xf32, #tpu.memory_space<vmem>> -> memref<1x128x16xf32, #tpu.memory_space<vmem>>
      %dma_wait3A_462 = tpu.memref_squeeze %dma_wait3A_461 : memref<1x128x16xf32, #tpu.memory_space<vmem>> -> memref<128x16xf32, #tpu.memory_space<vmem>>
      tpu.wait_dma2 semaphore(%run_scoped3A_438 : memref<!tpu.dma_semaphore, #tpu.memory_space<semaphore_mem>>) src(%dma_wait3A_462 : memref<128x16xf32, #tpu.memory_space<vmem>>) dst(%dma_wait3A_458 : memref<128x16xf32, #tpu.memory_space<vmem_shared>>)
      tpu.yield
    }) : () -> ()
    %add3A_10 = arith.constant 0 : i32
    %add3A_11 = arith.addi %multiple_of3A, %add3A_10 : i32
    %run_scoped3A_12 = arith.constant 0 : i32
    "tpu.region"() ({
      %run_scoped3A_438 = tpu.sem_alloc : memref<!tpu.dma_semaphore, #tpu.memory_space<semaphore_mem>>
      %dma_start3A_439 = arith.constant 0 : i32
      %dma_start3A_440 = arith.constant 0 : i32
      %dma_start3A_441 = tpu.memref_slice %arg10[%run_scoped3A_12, %dma_start3A_439, %dma_start3A_440] : memref<8x128x16xf32, #tpu.memory_space<vmem>> -> memref<1x128x16xf32, #tpu.memory_space<vmem>>
      %dma_start3A_442 = tpu.memref_squeeze %dma_start3A_441 : memref<1x128x16xf32, #tpu.memory_space<vmem>> -> memref<128x16xf32, #tpu.memory_space<vmem>>
      %dma_start3A_443 = arith.constant 0 : i32
      %dma_start3A_444 = tpu.memref_slice %arg15[%add3A_11, %dma_start3A_443] : memref<10240x16xf32, #tpu.memory_space<vmem_shared>> -> memref<128x16xf32, #tpu.memory_space<vmem_shared>>
      %dma_start3A_445 = arith.constant 0 : i32
      %dma_start3A_446 = tpu.memref_slice %arg15[%add3A_11, %dma_start3A_445] : memref<10240x16xf32, #tpu.memory_space<vmem_shared>> -> memref<128x16xf32, #tpu.memory_space<vmem_shared>>
      %dma_start3A_447 = arith.constant 0 : i32
      %dma_start3A_448 = arith.constant 0 : i32
      %dma_start3A_449 = tpu.memref_slice %arg10[%run_scoped3A_12, %dma_start3A_447, %dma_start3A_448] : memref<8x128x16xf32, #tpu.memory_space<vmem>> -> memref<1x128x16xf32, #tpu.memory_space<vmem>>
      %dma_start3A_450 = tpu.memref_squeeze %dma_start3A_449 : memref<1x128x16xf32, #tpu.memory_space<vmem>> -> memref<128x16xf32, #tpu.memory_space<vmem>>
      tpu.enqueue_dma source(%dma_start3A_450 : memref<128x16xf32, #tpu.memory_space<vmem>>) target(%dma_start3A_446 : memref<128x16xf32, #tpu.memory_space<vmem_shared>>) target_semaphore(%run_scoped3A_438 : memref<!tpu.dma_semaphore, #tpu.memory_space<semaphore_mem>>)
      %dma_wait3A_451 = arith.constant 0 : i32
      %dma_wait3A_452 = arith.constant 0 : i32
      %dma_wait3A_453 = tpu.memref_slice %arg10[%run_scoped3A_12, %dma_wait3A_451, %dma_wait3A_452] : memref<8x128x16xf32, #tpu.memory_space<vmem>> -> memref<1x128x16xf32, #tpu.memory_space<vmem>>
      %dma_wait3A_454 = tpu.memref_squeeze %dma_wait3A_453 : memref<1x128x16xf32, #tpu.memory_space<vmem>> -> memref<128x16xf32, #tpu.memory_space<vmem>>
      %dma_wait3A_455 = arith.constant 0 : i32
      %dma_wait3A_456 = tpu.memref_slice %arg15[%add3A_11, %dma_wait3A_455] : memref<10240x16xf32, #tpu.memory_space<vmem_shared>> -> memref<128x16xf32, #tpu.memory_space<vmem_shared>>
      %dma_wait3A_457 = arith.constant 0 : i32
      %dma_wait3A_458 = tpu.memref_slice %arg15[%add3A_11, %dma_wait3A_457] : memref<10240x16xf32, #tpu.memory_space<vmem_shared>> -> memref<128x16xf32, #tpu.memory_space<vmem_shared>>
      %dma_wait3A_459 = arith.constant 0 : i32
      %dma_wait3A_460 = arith.constant 0 : i32
      %dma_wait3A_461 = tpu.memref_slice %arg10[%run_scoped3A_12, %dma_wait3A_459, %dma_wait3A_460] : memref<8x128x16xf32, #tpu.memory_space<vmem>> -> memref<1x128x16xf32, #tpu.memory_space<vmem>>
      %dma_wait3A_462 = tpu.memref_squeeze %dma_wait3A_461 : memref<1x128x16xf32, #tpu.memory_space<vmem>> -> memref<128x16xf32, #tpu.memory_space<vmem>>
      tpu.wait_dma2 semaphore(%run_scoped3A_438 : memref<!tpu.dma_semaphore, #tpu.memory_space<semaphore_mem>>) src(%dma_wait3A_462 : memref<128x16xf32, #tpu.memory_space<vmem>>) dst(%dma_wait3A_458 : memref<128x16xf32, #tpu.memory_space<vmem_shared>>)
      tpu.yield
    }) : () -> ()
    %add3A_13 = arith.constant 128 : i32
    %add3A_14 = arith.addi %multiple_of3A, %add3A_13 : i32
    %run_scoped3A_15 = arith.constant 0 : i32
    "tpu.region"() ({
      %run_scoped3A_438 = tpu.sem_alloc : memref<!tpu.dma_semaphore, #tpu.memory_space<semaphore_mem>>
      %dma_start3A_439 = arith.constant 0 : i32
      %dma_start3A_440 = arith.constant 0 : i32
      %dma_start3A_441 = tpu.memref_slice %arg10[%run_scoped3A_15, %dma_start3A_439, %dma_start3A_440] : memref<8x128x16xf32, #tpu.memory_space<vmem>> -> memref<1x128x16xf32, #tpu.memory_space<vmem>>
      %dma_start3A_442 = tpu.memref_squeeze %dma_start3A_441 : memref<1x128x16xf32, #tpu.memory_space<vmem>> -> memref<128x16xf32, #tpu.memory_space<vmem>>
      %dma_start3A_443 = arith.constant 0 : i32
      %dma_start3A_444 = tpu.memref_slice %arg13[%add3A_14, %dma_start3A_443] : memref<10240x16xf32, #tpu.memory_space<vmem_shared>> -> memref<128x16xf32, #tpu.memory_space<vmem_shared>>
      %dma_start3A_445 = arith.constant 0 : i32
      %dma_start3A_446 = tpu.memref_slice %arg13[%add3A_14, %dma_start3A_445] : memref<10240x16xf32, #tpu.memory_space<vmem_shared>> -> memref<128x16xf32, #tpu.memory_space<vmem_shared>>
      %dma_start3A_447 = arith.constant 0 : i32
      %dma_start3A_448 = arith.constant 0 : i32
      %dma_start3A_449 = tpu.memref_slice %arg10[%run_scoped3A_15, %dma_start3A_447, %dma_start3A_448] : memref<8x128x16xf32, #tpu.memory_space<vmem>> -> memref<1x128x16xf32, #tpu.memory_space<vmem>>
      %dma_start3A_450 = tpu.memref_squeeze %dma_start3A_449 : memref<1x128x16xf32, #tpu.memory_space<vmem>> -> memref<128x16xf32, #tpu.memory_space<vmem>>
      tpu.enqueue_dma source(%dma_start3A_450 : memref<128x16xf32, #tpu.memory_space<vmem>>) target(%dma_start3A_446 : memref<128x16xf32, #tpu.memory_space<vmem_shared>>) target_semaphore(%run_scoped3A_438 : memref<!tpu.dma_semaphore, #tpu.memory_space<semaphore_mem>>)
      %dma_wait3A_451 = arith.constant 0 : i32
      %dma_wait3A_452 = arith.constant 0 : i32
      %dma_wait3A_453 = tpu.memref_slice %arg10[%run_scoped3A_15, %dma_wait3A_451, %dma_wait3A_452] : memref<8x128x16xf32, #tpu.memory_space<vmem>> -> memref<1x128x16xf32, #tpu.memory_space<vmem>>
      %dma_wait3A_454 = tpu.memref_squeeze %dma_wait3A_453 : memref<1x128x16xf32, #tpu.memory_space<vmem>> -> memref<128x16xf32, #tpu.memory_space<vmem>>
      %dma_wait3A_455 = arith.constant 0 : i32
      %dma_wait3A_456 = tpu.memref_slice %arg13[%add3A_14, %dma_wait3A_455] : memref<10240x16xf32, #tpu.memory_space<vmem_shared>> -> memref<128x16xf32, #tpu.memory_space<vmem_shared>>
      %dma_wait3A_457 = arith.constant 0 : i32
      %dma_wait3A_458 = tpu.memref_slice %arg13[%add3A_14, %dma_wait3A_457] : memref<10240x16xf32, #tpu.memory_space<vmem_shared>> -> memref<128x16xf32, #tpu.memory_space<vmem_shared>>
      %dma_wait3A_459 = arith.constant 0 : i32
      %dma_wait3A_460 = arith.constant 0 : i32
      %dma_wait3A_461 = tpu.memref_slice %arg10[%run_scoped3A_15, %dma_wait3A_459, %dma_wait3A_460] : memref<8x128x16xf32, #tpu.memory_space<vmem>> -> memref<1x128x16xf32, #tpu.memory_space<vmem>>
      %dma_wait3A_462 = tpu.memref_squeeze %dma_wait3A_461 : memref<1x128x16xf32, #tpu.memory_space<vmem>> -> memref<128x16xf32, #tpu.memory_space<vmem>>
      tpu.wait_dma2 semaphore(%run_scoped3A_438 : memref<!tpu.dma_semaphore, #tpu.memory_space<semaphore_mem>>) src(%dma_wait3A_462 : memref<128x16xf32, #tpu.memory_space<vmem>>) dst(%dma_wait3A_458 : memref<128x16xf32, #tpu.memory_space<vmem_shared>>)
      tpu.yield
    }) : () -> ()
    %add3A_16 = arith.constant 128 : i32
    %add3A_17 = arith.addi %multiple_of3A, %add3A_16 : i32
    %run_scoped3A_18 = arith.constant 0 : i32
    "tpu.region"() ({
      %run_scoped3A_438 = tpu.sem_alloc : memref<!tpu.dma_semaphore, #tpu.memory_space<semaphore_mem>>
      %dma_start3A_439 = arith.constant 0 : i32
      %dma_start3A_440 = arith.constant 0 : i32
      %dma_start3A_441 = tpu.memref_slice %arg10[%run_scoped3A_18, %dma_start3A_439, %dma_start3A_440] : memref<8x128x16xf32, #tpu.memory_space<vmem>> -> memref<1x128x16xf32, #tpu.memory_space<vmem>>
      %dma_start3A_442 = tpu.memref_squeeze %dma_start3A_441 : memref<1x128x16xf32, #tpu.memory_space<vmem>> -> memref<128x16xf32, #tpu.memory_space<vmem>>
      %dma_start3A_443 = arith.constant 0 : i32
      %dma_start3A_444 = tpu.memref_slice %arg15[%add3A_17, %dma_start3A_443] : memref<10240x16xf32, #tpu.memory_space<vmem_shared>> -> memref<128x16xf32, #tpu.memory_space<vmem_shared>>
      %dma_start3A_445 = arith.constant 0 : i32
      %dma_start3A_446 = tpu.memref_slice %arg15[%add3A_17, %dma_start3A_445] : memref<10240x16xf32, #tpu.memory_space<vmem_shared>> -> memref<128x16xf32, #tpu.memory_space<vmem_shared>>
      %dma_start3A_447 = arith.constant 0 : i32
      %dma_start3A_448 = arith.constant 0 : i32
      %dma_start3A_449 = tpu.memref_slice %arg10[%run_scoped3A_18, %dma_start3A_447, %dma_start3A_448] : memref<8x128x16xf32, #tpu.memory_space<vmem>> -> memref<1x128x16xf32, #tpu.memory_space<vmem>>
      %dma_start3A_450 = tpu.memref_squeeze %dma_start3A_449 : memref<1x128x16xf32, #tpu.memory_space<vmem>> -> memref<128x16xf32, #tpu.memory_space<vmem>>
      tpu.enqueue_dma source(%dma_start3A_450 : memref<128x16xf32, #tpu.memory_space<vmem>>) target(%dma_start3A_446 : memref<128x16xf32, #tpu.memory_space<vmem_shared>>) target_semaphore(%run_scoped3A_438 : memref<!tpu.dma_semaphore, #tpu.memory_space<semaphore_mem>>)
      %dma_wait3A_451 = arith.constant 0 : i32
      %dma_wait3A_452 = arith.constant 0 : i32
      %dma_wait3A_453 = tpu.memref_slice %arg10[%run_scoped3A_18, %dma_wait3A_451, %dma_wait3A_452] : memref<8x128x16xf32, #tpu.memory_space<vmem>> -> memref<1x128x16xf32, #tpu.memory_space<vmem>>
      %dma_wait3A_454 = tpu.memref_squeeze %dma_wait3A_453 : memref<1x128x16xf32, #tpu.memory_space<vmem>> -> memref<128x16xf32, #tpu.memory_space<vmem>>
      %dma_wait3A_455 = arith.constant 0 : i32
      %dma_wait3A_456 = tpu.memref_slice %arg15[%add3A_17, %dma_wait3A_455] : memref<10240x16xf32, #tpu.memory_space<vmem_shared>> -> memref<128x16xf32, #tpu.memory_space<vmem_shared>>
      %dma_wait3A_457 = arith.constant 0 : i32
      %dma_wait3A_458 = tpu.memref_slice %arg15[%add3A_17, %dma_wait3A_457] : memref<10240x16xf32, #tpu.memory_space<vmem_shared>> -> memref<128x16xf32, #tpu.memory_space<vmem_shared>>
      %dma_wait3A_459 = arith.constant 0 : i32
      %dma_wait3A_460 = arith.constant 0 : i32
      %dma_wait3A_461 = tpu.memref_slice %arg10[%run_scoped3A_18, %dma_wait3A_459, %dma_wait3A_460] : memref<8x128x16xf32, #tpu.memory_space<vmem>> -> memref<1x128x16xf32, #tpu.memory_space<vmem>>
      %dma_wait3A_462 = tpu.memref_squeeze %dma_wait3A_461 : memref<1x128x16xf32, #tpu.memory_space<vmem>> -> memref<128x16xf32, #tpu.memory_space<vmem>>
      tpu.wait_dma2 semaphore(%run_scoped3A_438 : memref<!tpu.dma_semaphore, #tpu.memory_space<semaphore_mem>>) src(%dma_wait3A_462 : memref<128x16xf32, #tpu.memory_space<vmem>>) dst(%dma_wait3A_458 : memref<128x16xf32, #tpu.memory_space<vmem_shared>>)
      tpu.yield
    }) : () -> ()
    %add3A_19 = arith.constant 256 : i32
    %add3A_20 = arith.addi %multiple_of3A, %add3A_19 : i32
    %run_scoped3A_21 = arith.constant 0 : i32
    "tpu.region"() ({
      %run_scoped3A_438 = tpu.sem_alloc : memref<!tpu.dma_semaphore, #tpu.memory_space<semaphore_mem>>
      %dma_start3A_439 = arith.constant 0 : i32
      %dma_start3A_440 = arith.constant 0 : i32
      %dma_start3A_441 = tpu.memref_slice %arg10[%run_scoped3A_21, %dma_start3A_439, %dma_start3A_440] : memref<8x128x16xf32, #tpu.memory_space<vmem>> -> memref<1x128x16xf32, #tpu.memory_space<vmem>>
      %dma_start3A_442 = tpu.memref_squeeze %dma_start3A_441 : memref<1x128x16xf32, #tpu.memory_space<vmem>> -> memref<128x16xf32, #tpu.memory_space<vmem>>
      %dma_start3A_443 = arith.constant 0 : i32
      %dma_start3A_444 = tpu.memref_slice %arg13[%add3A_20, %dma_start3A_443] : memref<10240x16xf32, #tpu.memory_space<vmem_shared>> -> memref<128x16xf32, #tpu.memory_space<vmem_shared>>
      %dma_start3A_445 = arith.constant 0 : i32
      %dma_start3A_446 = tpu.memref_slice %arg13[%add3A_20, %dma_start3A_445] : memref<10240x16xf32, #tpu.memory_space<vmem_shared>> -> memref<128x16xf32, #tpu.memory_space<vmem_shared>>
      %dma_start3A_447 = arith.constant 0 : i32
      %dma_start3A_448 = arith.constant 0 : i32
      %dma_start3A_449 = tpu.memref_slice %arg10[%run_scoped3A_21, %dma_start3A_447, %dma_start3A_448] : memref<8x128x16xf32, #tpu.memory_space<vmem>> -> memref<1x128x16xf32, #tpu.memory_space<vmem>>
      %dma_start3A_450 = tpu.memref_squeeze %dma_start3A_449 : memref<1x128x16xf32, #tpu.memory_space<vmem>> -> memref<128x16xf32, #tpu.memory_space<vmem>>
      tpu.enqueue_dma source(%dma_start3A_450 : memref<128x16xf32, #tpu.memory_space<vmem>>) target(%dma_start3A_446 : memref<128x16xf32, #tpu.memory_space<vmem_shared>>) target_semaphore(%run_scoped3A_438 : memref<!tpu.dma_semaphore, #tpu.memory_space<semaphore_mem>>)
      %dma_wait3A_451 = arith.constant 0 : i32
      %dma_wait3A_452 = arith.constant 0 : i32
      %dma_wait3A_453 = tpu.memref_slice %arg10[%run_scoped3A_21, %dma_wait3A_451, %dma_wait3A_452] : memref<8x128x16xf32, #tpu.memory_space<vmem>> -> memref<1x128x16xf32, #tpu.memory_space<vmem>>
      %dma_wait3A_454 = tpu.memref_squeeze %dma_wait3A_453 : memref<1x128x16xf32, #tpu.memory_space<vmem>> -> memref<128x16xf32, #tpu.memory_space<vmem>>
      %dma_wait3A_455 = arith.constant 0 : i32
      %dma_wait3A_456 = tpu.memref_slice %arg13[%add3A_20, %dma_wait3A_455] : memref<10240x16xf32, #tpu.memory_space<vmem_shared>> -> memref<128x16xf32, #tpu.memory_space<vmem_shared>>
      %dma_wait3A_457 = arith.constant 0 : i32
      %dma_wait3A_458 = tpu.memref_slice %arg13[%add3A_20, %dma_wait3A_457] : memref<10240x16xf32, #tpu.memory_space<vmem_shared>> -> memref<128x16xf32, #tpu.memory_space<vmem_shared>>
      %dma_wait3A_459 = arith.constant 0 : i32
      %dma_wait3A_460 = arith.constant 0 : i32
      %dma_wait3A_461 = tpu.memref_slice %arg10[%run_scoped3A_21, %dma_wait3A_459, %dma_wait3A_460] : memref<8x128x16xf32, #tpu.memory_space<vmem>> -> memref<1x128x16xf32, #tpu.memory_space<vmem>>
      %dma_wait3A_462 = tpu.memref_squeeze %dma_wait3A_461 : memref<1x128x16xf32, #tpu.memory_space<vmem>> -> memref<128x16xf32, #tpu.memory_space<vmem>>
      tpu.wait_dma2 semaphore(%run_scoped3A_438 : memref<!tpu.dma_semaphore, #tpu.memory_space<semaphore_mem>>) src(%dma_wait3A_462 : memref<128x16xf32, #tpu.memory_space<vmem>>) dst(%dma_wait3A_458 : memref<128x16xf32, #tpu.memory_space<vmem_shared>>)
      tpu.yield
    }) : () -> ()
    %add3A_22 = arith.constant 256 : i32
    %add3A_23 = arith.addi %multiple_of3A, %add3A_22 : i32
    %run_scoped3A_24 = arith.constant 0 : i32
    "tpu.region"() ({
      %run_scoped3A_438 = tpu.sem_alloc : memref<!tpu.dma_semaphore, #tpu.memory_space<semaphore_mem>>
      %dma_start3A_439 = arith.constant 0 : i32
      %dma_start3A_440 = arith.constant 0 : i32
      %dma_start3A_441 = tpu.memref_slice %arg10[%run_scoped3A_24, %dma_start3A_439, %dma_start3A_440] : memref<8x128x16xf32, #tpu.memory_space<vmem>> -> memref<1x128x16xf32, #tpu.memory_space<vmem>>
      %dma_start3A_442 = tpu.memref_squeeze %dma_start3A_441 : memref<1x128x16xf32, #tpu.memory_space<vmem>> -> memref<128x16xf32, #tpu.memory_space<vmem>>
      %dma_start3A_443 = arith.constant 0 : i32
      %dma_start3A_444 = tpu.memref_slice %arg15[%add3A_23, %dma_start3A_443] : memref<10240x16xf32, #tpu.memory_space<vmem_shared>> -> memref<128x16xf32, #tpu.memory_space<vmem_shared>>
      %dma_start3A_445 = arith.constant 0 : i32
      %dma_start3A_446 = tpu.memref_slice %arg15[%add3A_23, %dma_start3A_445] : memref<10240x16xf32, #tpu.memory_space<vmem_shared>> -> memref<128x16xf32, #tpu.memory_space<vmem_shared>>
      %dma_start3A_447 = arith.constant 0 : i32
      %dma_start3A_448 = arith.constant 0 : i32
      %dma_start3A_449 = tpu.memref_slice %arg10[%run_scoped3A_24, %dma_start3A_447, %dma_start3A_448] : memref<8x128x16xf32, #tpu.memory_space<vmem>> -> memref<1x128x16xf32, #tpu.memory_space<vmem>>
      %dma_start3A_450 = tpu.memref_squeeze %dma_start3A_449 : memref<1x128x16xf32, #tpu.memory_space<vmem>> -> memref<128x16xf32, #tpu.memory_space<vmem>>
      tpu.enqueue_dma source(%dma_start3A_450 : memref<128x16xf32, #tpu.memory_space<vmem>>) target(%dma_start3A_446 : memref<128x16xf32, #tpu.memory_space<vmem_shared>>) target_semaphore(%run_scoped3A_438 : memref<!tpu.dma_semaphore, #tpu.memory_space<semaphore_mem>>)
      %dma_wait3A_451 = arith.constant 0 : i32
      %dma_wait3A_452 = arith.constant 0 : i32
      %dma_wait3A_453 = tpu.memref_slice %arg10[%run_scoped3A_24, %dma_wait3A_451, %dma_wait3A_452] : memref<8x128x16xf32, #tpu.memory_space<vmem>> -> memref<1x128x16xf32, #tpu.memory_space<vmem>>
      %dma_wait3A_454 = tpu.memref_squeeze %dma_wait3A_453 : memref<1x128x16xf32, #tpu.memory_space<vmem>> -> memref<128x16xf32, #tpu.memory_space<vmem>>
      %dma_wait3A_455 = arith.constant 0 : i32
      %dma_wait3A_456 = tpu.memref_slice %arg15[%add3A_23, %dma_wait3A_455] : memref<10240x16xf32, #tpu.memory_space<vmem_shared>> -> memref<128x16xf32, #tpu.memory_space<vmem_shared>>
      %dma_wait3A_457 = arith.constant 0 : i32
      %dma_wait3A_458 = tpu.memref_slice %arg15[%add3A_23, %dma_wait3A_457] : memref<10240x16xf32, #tpu.memory_space<vmem_shared>> -> memref<128x16xf32, #tpu.memory_space<vmem_shared>>
      %dma_wait3A_459 = arith.constant 0 : i32
      %dma_wait3A_460 = arith.constant 0 : i32
      %dma_wait3A_461 = tpu.memref_slice %arg10[%run_scoped3A_24, %dma_wait3A_459, %dma_wait3A_460] : memref<8x128x16xf32, #tpu.memory_space<vmem>> -> memref<1x128x16xf32, #tpu.memory_space<vmem>>
      %dma_wait3A_462 = tpu.memref_squeeze %dma_wait3A_461 : memref<1x128x16xf32, #tpu.memory_space<vmem>> -> memref<128x16xf32, #tpu.memory_space<vmem>>
      tpu.wait_dma2 semaphore(%run_scoped3A_438 : memref<!tpu.dma_semaphore, #tpu.memory_space<semaphore_mem>>) src(%dma_wait3A_462 : memref<128x16xf32, #tpu.memory_space<vmem>>) dst(%dma_wait3A_458 : memref<128x16xf32, #tpu.memory_space<vmem_shared>>)
      tpu.yield
    }) : () -> ()
    %add3A_25 = arith.constant 384 : i32
    %add3A_26 = arith.addi %multiple_of3A, %add3A_25 : i32
    %run_scoped3A_27 = arith.constant 0 : i32
    "tpu.region"() ({
      %run_scoped3A_438 = tpu.sem_alloc : memref<!tpu.dma_semaphore, #tpu.memory_space<semaphore_mem>>
      %dma_start3A_439 = arith.constant 0 : i32
      %dma_start3A_440 = arith.constant 0 : i32
      %dma_start3A_441 = tpu.memref_slice %arg10[%run_scoped3A_27, %dma_start3A_439, %dma_start3A_440] : memref<8x128x16xf32, #tpu.memory_space<vmem>> -> memref<1x128x16xf32, #tpu.memory_space<vmem>>
      %dma_start3A_442 = tpu.memref_squeeze %dma_start3A_441 : memref<1x128x16xf32, #tpu.memory_space<vmem>> -> memref<128x16xf32, #tpu.memory_space<vmem>>
      %dma_start3A_443 = arith.constant 0 : i32
      %dma_start3A_444 = tpu.memref_slice %arg13[%add3A_26, %dma_start3A_443] : memref<10240x16xf32, #tpu.memory_space<vmem_shared>> -> memref<128x16xf32, #tpu.memory_space<vmem_shared>>
      %dma_start3A_445 = arith.constant 0 : i32
      %dma_start3A_446 = tpu.memref_slice %arg13[%add3A_26, %dma_start3A_445] : memref<10240x16xf32, #tpu.memory_space<vmem_shared>> -> memref<128x16xf32, #tpu.memory_space<vmem_shared>>
      %dma_start3A_447 = arith.constant 0 : i32
      %dma_start3A_448 = arith.constant 0 : i32
      %dma_start3A_449 = tpu.memref_slice %arg10[%run_scoped3A_27, %dma_start3A_447, %dma_start3A_448] : memref<8x128x16xf32, #tpu.memory_space<vmem>> -> memref<1x128x16xf32, #tpu.memory_space<vmem>>
      %dma_start3A_450 = tpu.memref_squeeze %dma_start3A_449 : memref<1x128x16xf32, #tpu.memory_space<vmem>> -> memref<128x16xf32, #tpu.memory_space<vmem>>
      tpu.enqueue_dma source(%dma_start3A_450 : memref<128x16xf32, #tpu.memory_space<vmem>>) target(%dma_start3A_446 : memref<128x16xf32, #tpu.memory_space<vmem_shared>>) target_semaphore(%run_scoped3A_438 : memref<!tpu.dma_semaphore, #tpu.memory_space<semaphore_mem>>)
      %dma_wait3A_451 = arith.constant 0 : i32
      %dma_wait3A_452 = arith.constant 0 : i32
      %dma_wait3A_453 = tpu.memref_slice %arg10[%run_scoped3A_27, %dma_wait3A_451, %dma_wait3A_452] : memref<8x128x16xf32, #tpu.memory_space<vmem>> -> memref<1x128x16xf32, #tpu.memory_space<vmem>>
      %dma_wait3A_454 = tpu.memref_squeeze %dma_wait3A_453 : memref<1x128x16xf32, #tpu.memory_space<vmem>> -> memref<128x16xf32, #tpu.memory_space<vmem>>
      %dma_wait3A_455 = arith.constant 0 : i32
      %dma_wait3A_456 = tpu.memref_slice %arg13[%add3A_26, %dma_wait3A_455] : memref<10240x16xf32, #tpu.memory_space<vmem_shared>> -> memref<128x16xf32, #tpu.memory_space<vmem_shared>>
      %dma_wait3A_457 = arith.constant 0 : i32
      %dma_wait3A_458 = tpu.memref_slice %arg13[%add3A_26, %dma_wait3A_457] : memref<10240x16xf32, #tpu.memory_space<vmem_shared>> -> memref<128x16xf32, #tpu.memory_space<vmem_shared>>
      %dma_wait3A_459 = arith.constant 0 : i32
      %dma_wait3A_460 = arith.constant 0 : i32
      %dma_wait3A_461 = tpu.memref_slice %arg10[%run_scoped3A_27, %dma_wait3A_459, %dma_wait3A_460] : memref<8x128x16xf32, #tpu.memory_space<vmem>> -> memref<1x128x16xf32, #tpu.memory_space<vmem>>
      %dma_wait3A_462 = tpu.memref_squeeze %dma_wait3A_461 : memref<1x128x16xf32, #tpu.memory_space<vmem>> -> memref<128x16xf32, #tpu.memory_space<vmem>>
      tpu.wait_dma2 semaphore(%run_scoped3A_438 : memref<!tpu.dma_semaphore, #tpu.memory_space<semaphore_mem>>) src(%dma_wait3A_462 : memref<128x16xf32, #tpu.memory_space<vmem>>) dst(%dma_wait3A_458 : memref<128x16xf32, #tpu.memory_space<vmem_shared>>)
      tpu.yield
    }) : () -> ()
    %add3A_28 = arith.constant 384 : i32
    %add3A_29 = arith.addi %multiple_of3A, %add3A_28 : i32
    %run_scoped3A_30 = arith.constant 0 : i32
    "tpu.region"() ({
      %run_scoped3A_438 = tpu.sem_alloc : memref<!tpu.dma_semaphore, #tpu.memory_space<semaphore_mem>>
      %dma_start3A_439 = arith.constant 0 : i32
      %dma_start3A_440 = arith.constant 0 : i32
      %dma_start3A_441 = tpu.memref_slice %arg10[%run_scoped3A_30, %dma_start3A_439, %dma_start3A_440] : memref<8x128x16xf32, #tpu.memory_space<vmem>> -> memref<1x128x16xf32, #tpu.memory_space<vmem>>
      %dma_start3A_442 = tpu.memref_squeeze %dma_start3A_441 : memref<1x128x16xf32, #tpu.memory_space<vmem>> -> memref<128x16xf32, #tpu.memory_space<vmem>>
      %dma_start3A_443 = arith.constant 0 : i32
      %dma_start3A_444 = tpu.memref_slice %arg15[%add3A_29, %dma_start3A_443] : memref<10240x16xf32, #tpu.memory_space<vmem_shared>> -> memref<128x16xf32, #tpu.memory_space<vmem_shared>>
      %dma_start3A_445 = arith.constant 0 : i32
      %dma_start3A_446 = tpu.memref_slice %arg15[%add3A_29, %dma_start3A_445] : memref<10240x16xf32, #tpu.memory_space<vmem_shared>> -> memref<128x16xf32, #tpu.memory_space<vmem_shared>>
      %dma_start3A_447 = arith.constant 0 : i32
      %dma_start3A_448 = arith.constant 0 : i32
      %dma_start3A_449 = tpu.memref_slice %arg10[%run_scoped3A_30, %dma_start3A_447, %dma_start3A_448] : memref<8x128x16xf32, #tpu.memory_space<vmem>> -> memref<1x128x16xf32, #tpu.memory_space<vmem>>
      %dma_start3A_450 = tpu.memref_squeeze %dma_start3A_449 : memref<1x128x16xf32, #tpu.memory_space<vmem>> -> memref<128x16xf32, #tpu.memory_space<vmem>>
      tpu.enqueue_dma source(%dma_start3A_450 : memref<128x16xf32, #tpu.memory_space<vmem>>) target(%dma_start3A_446 : memref<128x16xf32, #tpu.memory_space<vmem_shared>>) target_semaphore(%run_scoped3A_438 : memref<!tpu.dma_semaphore, #tpu.memory_space<semaphore_mem>>)
      %dma_wait3A_451 = arith.constant 0 : i32
      %dma_wait3A_452 = arith.constant 0 : i32
      %dma_wait3A_453 = tpu.memref_slice %arg10[%run_scoped3A_30, %dma_wait3A_451, %dma_wait3A_452] : memref<8x128x16xf32, #tpu.memory_space<vmem>> -> memref<1x128x16xf32, #tpu.memory_space<vmem>>
      %dma_wait3A_454 = tpu.memref_squeeze %dma_wait3A_453 : memref<1x128x16xf32, #tpu.memory_space<vmem>> -> memref<128x16xf32, #tpu.memory_space<vmem>>
      %dma_wait3A_455 = arith.constant 0 : i32
      %dma_wait3A_456 = tpu.memref_slice %arg15[%add3A_29, %dma_wait3A_455] : memref<10240x16xf32, #tpu.memory_space<vmem_shared>> -> memref<128x16xf32, #tpu.memory_space<vmem_shared>>
      %dma_wait3A_457 = arith.constant 0 : i32
      %dma_wait3A_458 = tpu.memref_slice %arg15[%add3A_29, %dma_wait3A_457] : memref<10240x16xf32, #tpu.memory_space<vmem_shared>> -> memref<128x16xf32, #tpu.memory_space<vmem_shared>>
      %dma_wait3A_459 = arith.constant 0 : i32
      %dma_wait3A_460 = arith.constant 0 : i32
      %dma_wait3A_461 = tpu.memref_slice %arg10[%run_scoped3A_30, %dma_wait3A_459, %dma_wait3A_460] : memref<8x128x16xf32, #tpu.memory_space<vmem>> -> memref<1x128x16xf32, #tpu.memory_space<vmem>>
      %dma_wait3A_462 = tpu.memref_squeeze %dma_wait3A_461 : memref<1x128x16xf32, #tpu.memory_space<vmem>> -> memref<128x16xf32, #tpu.memory_space<vmem>>
      tpu.wait_dma2 semaphore(%run_scoped3A_438 : memref<!tpu.dma_semaphore, #tpu.memory_space<semaphore_mem>>) src(%dma_wait3A_462 : memref<128x16xf32, #tpu.memory_space<vmem>>) dst(%dma_wait3A_458 : memref<128x16xf32, #tpu.memory_space<vmem_shared>>)
      tpu.yield
    }) : () -> ()
    %add3A_31 = arith.constant 512 : i32
    %add3A_32 = arith.addi %multiple_of3A, %add3A_31 : i32
    %run_scoped3A_33 = arith.constant 0 : i32
    "tpu.region"() ({
      %run_scoped3A_438 = tpu.sem_alloc : memref<!tpu.dma_semaphore, #tpu.memory_space<semaphore_mem>>
      %dma_start3A_439 = arith.constant 0 : i32
      %dma_start3A_440 = arith.constant 0 : i32
      %dma_start3A_441 = tpu.memref_slice %arg10[%run_scoped3A_33, %dma_start3A_439, %dma_start3A_440] : memref<8x128x16xf32, #tpu.memory_space<vmem>> -> memref<1x128x16xf32, #tpu.memory_space<vmem>>
      %dma_start3A_442 = tpu.memref_squeeze %dma_start3A_441 : memref<1x128x16xf32, #tpu.memory_space<vmem>> -> memref<128x16xf32, #tpu.memory_space<vmem>>
      %dma_start3A_443 = arith.constant 0 : i32
      %dma_start3A_444 = tpu.memref_slice %arg13[%add3A_32, %dma_start3A_443] : memref<10240x16xf32, #tpu.memory_space<vmem_shared>> -> memref<128x16xf32, #tpu.memory_space<vmem_shared>>
      %dma_start3A_445 = arith.constant 0 : i32
      %dma_start3A_446 = tpu.memref_slice %arg13[%add3A_32, %dma_start3A_445] : memref<10240x16xf32, #tpu.memory_space<vmem_shared>> -> memref<128x16xf32, #tpu.memory_space<vmem_shared>>
      %dma_start3A_447 = arith.constant 0 : i32
      %dma_start3A_448 = arith.constant 0 : i32
      %dma_start3A_449 = tpu.memref_slice %arg10[%run_scoped3A_33, %dma_start3A_447, %dma_start3A_448] : memref<8x128x16xf32, #tpu.memory_space<vmem>> -> memref<1x128x16xf32, #tpu.memory_space<vmem>>
      %dma_start3A_450 = tpu.memref_squeeze %dma_start3A_449 : memref<1x128x16xf32, #tpu.memory_space<vmem>> -> memref<128x16xf32, #tpu.memory_space<vmem>>
      tpu.enqueue_dma source(%dma_start3A_450 : memref<128x16xf32, #tpu.memory_space<vmem>>) target(%dma_start3A_446 : memref<128x16xf32, #tpu.memory_space<vmem_shared>>) target_semaphore(%run_scoped3A_438 : memref<!tpu.dma_semaphore, #tpu.memory_space<semaphore_mem>>)
      %dma_wait3A_451 = arith.constant 0 : i32
      %dma_wait3A_452 = arith.constant 0 : i32
      %dma_wait3A_453 = tpu.memref_slice %arg10[%run_scoped3A_33, %dma_wait3A_451, %dma_wait3A_452] : memref<8x128x16xf32, #tpu.memory_space<vmem>> -> memref<1x128x16xf32, #tpu.memory_space<vmem>>
      %dma_wait3A_454 = tpu.memref_squeeze %dma_wait3A_453 : memref<1x128x16xf32, #tpu.memory_space<vmem>> -> memref<128x16xf32, #tpu.memory_space<vmem>>
      %dma_wait3A_455 = arith.constant 0 : i32
      %dma_wait3A_456 = tpu.memref_slice %arg13[%add3A_32, %dma_wait3A_455] : memref<10240x16xf32, #tpu.memory_space<vmem_shared>> -> memref<128x16xf32, #tpu.memory_space<vmem_shared>>
      %dma_wait3A_457 = arith.constant 0 : i32
      %dma_wait3A_458 = tpu.memref_slice %arg13[%add3A_32, %dma_wait3A_457] : memref<10240x16xf32, #tpu.memory_space<vmem_shared>> -> memref<128x16xf32, #tpu.memory_space<vmem_shared>>
      %dma_wait3A_459 = arith.constant 0 : i32
      %dma_wait3A_460 = arith.constant 0 : i32
      %dma_wait3A_461 = tpu.memref_slice %arg10[%run_scoped3A_33, %dma_wait3A_459, %dma_wait3A_460] : memref<8x128x16xf32, #tpu.memory_space<vmem>> -> memref<1x128x16xf32, #tpu.memory_space<vmem>>
      %dma_wait3A_462 = tpu.memref_squeeze %dma_wait3A_461 : memref<1x128x16xf32, #tpu.memory_space<vmem>> -> memref<128x16xf32, #tpu.memory_space<vmem>>
      tpu.wait_dma2 semaphore(%run_scoped3A_438 : memref<!tpu.dma_semaphore, #tpu.memory_space<semaphore_mem>>) src(%dma_wait3A_462 : memref<128x16xf32, #tpu.memory_space<vmem>>) dst(%dma_wait3A_458 : memref<128x16xf32, #tpu.memory_space<vmem_shared>>)
      tpu.yield
    }) : () -> ()
    %add3A_34 = arith.constant 512 : i32
    %add3A_35 = arith.addi %multiple_of3A, %add3A_34 : i32
    %run_scoped3A_36 = arith.constant 0 : i32
    "tpu.region"() ({
      %run_scoped3A_438 = tpu.sem_alloc : memref<!tpu.dma_semaphore, #tpu.memory_space<semaphore_mem>>
      %dma_start3A_439 = arith.constant 0 : i32
      %dma_start3A_440 = arith.constant 0 : i32
      %dma_start3A_441 = tpu.memref_slice %arg10[%run_scoped3A_36, %dma_start3A_439, %dma_start3A_440] : memref<8x128x16xf32, #tpu.memory_space<vmem>> -> memref<1x128x16xf32, #tpu.memory_space<vmem>>
      %dma_start3A_442 = tpu.memref_squeeze %dma_start3A_441 : memref<1x128x16xf32, #tpu.memory_space<vmem>> -> memref<128x16xf32, #tpu.memory_space<vmem>>
      %dma_start3A_443 = arith.constant 0 : i32
      %dma_start3A_444 = tpu.memref_slice %arg15[%add3A_35, %dma_start3A_443] : memref<10240x16xf32, #tpu.memory_space<vmem_shared>> -> memref<128x16xf32, #tpu.memory_space<vmem_shared>>
      %dma_start3A_445 = arith.constant 0 : i32
      %dma_start3A_446 = tpu.memref_slice %arg15[%add3A_35, %dma_start3A_445] : memref<10240x16xf32, #tpu.memory_space<vmem_shared>> -> memref<128x16xf32, #tpu.memory_space<vmem_shared>>
      %dma_start3A_447 = arith.constant 0 : i32
      %dma_start3A_448 = arith.constant 0 : i32
      %dma_start3A_449 = tpu.memref_slice %arg10[%run_scoped3A_36, %dma_start3A_447, %dma_start3A_448] : memref<8x128x16xf32, #tpu.memory_space<vmem>> -> memref<1x128x16xf32, #tpu.memory_space<vmem>>
      %dma_start3A_450 = tpu.memref_squeeze %dma_start3A_449 : memref<1x128x16xf32, #tpu.memory_space<vmem>> -> memref<128x16xf32, #tpu.memory_space<vmem>>
      tpu.enqueue_dma source(%dma_start3A_450 : memref<128x16xf32, #tpu.memory_space<vmem>>) target(%dma_start3A_446 : memref<128x16xf32, #tpu.memory_space<vmem_shared>>) target_semaphore(%run_scoped3A_438 : memref<!tpu.dma_semaphore, #tpu.memory_space<semaphore_mem>>)
      %dma_wait3A_451 = arith.constant 0 : i32
      %dma_wait3A_452 = arith.constant 0 : i32
      %dma_wait3A_453 = tpu.memref_slice %arg10[%run_scoped3A_36, %dma_wait3A_451, %dma_wait3A_452] : memref<8x128x16xf32, #tpu.memory_space<vmem>> -> memref<1x128x16xf32, #tpu.memory_space<vmem>>
      %dma_wait3A_454 = tpu.memref_squeeze %dma_wait3A_453 : memref<1x128x16xf32, #tpu.memory_space<vmem>> -> memref<128x16xf32, #tpu.memory_space<vmem>>
      %dma_wait3A_455 = arith.constant 0 : i32
      %dma_wait3A_456 = tpu.memref_slice %arg15[%add3A_35, %dma_wait3A_455] : memref<10240x16xf32, #tpu.memory_space<vmem_shared>> -> memref<128x16xf32, #tpu.memory_space<vmem_shared>>
      %dma_wait3A_457 = arith.constant 0 : i32
      %dma_wait3A_458 = tpu.memref_slice %arg15[%add3A_35, %dma_wait3A_457] : memref<10240x16xf32, #tpu.memory_space<vmem_shared>> -> memref<128x16xf32, #tpu.memory_space<vmem_shared>>
      %dma_wait3A_459 = arith.constant 0 : i32
      %dma_wait3A_460 = arith.constant 0 : i32
      %dma_wait3A_461 = tpu.memref_slice %arg10[%run_scoped3A_36, %dma_wait3A_459, %dma_wait3A_460] : memref<8x128x16xf32, #tpu.memory_space<vmem>> -> memref<1x128x16xf32, #tpu.memory_space<vmem>>
      %dma_wait3A_462 = tpu.memref_squeeze %dma_wait3A_461 : memref<1x128x16xf32, #tpu.memory_space<vmem>> -> memref<128x16xf32, #tpu.memory_space<vmem>>
      tpu.wait_dma2 semaphore(%run_scoped3A_438 : memref<!tpu.dma_semaphore, #tpu.memory_space<semaphore_mem>>) src(%dma_wait3A_462 : memref<128x16xf32, #tpu.memory_space<vmem>>) dst(%dma_wait3A_458 : memref<128x16xf32, #tpu.memory_space<vmem_shared>>)
      tpu.yield
    }) : () -> ()
    %scan3A_37 = arith.constant 0 : i32
    %scan3A_38 = arith.constant 0 : i32
    %scan3A_39 = arith.constant 128 : i32
    %scan3A_40 = arith.addi %scan3A_38, %scan3A_39 : i32
    %scan3A_41 = arith.constant 1 : i32
    scf.for %scan3A_438 = %scan3A_38 to %scan3A_40 step %scan3A_41  : i32 {
      %broadcast_in_dim3A_439 = arith.constant 1.000000e+00 : f32
      %broadcast_in_dim3A_440 = vector.broadcast %broadcast_in_dim3A_439 : f32 to vector<16xf32>
      %swap3A = arith.constant 0 : i32
      %swap3A_441 = arith.index_cast %swap3A : i32 to index
      %swap3A_442 = arith.index_cast %scan3A_438 : i32 to index
      %swap3A_443 = arith.constant 0 : index
      %swap3A_444 = tpu.vector_load %arg10[%swap3A_441, %swap3A_442, %swap3A_443] {strides = array<i32>} : memref<8x128x16xf32, #tpu.memory_space<vmem>>, vector<16xf32>,
      tpu.vector_store %arg10[%swap3A_441, %swap3A_442, %swap3A_443], %broadcast_in_dim3A_440 {strides = array<i32>} : memref<8x128x16xf32, #tpu.memory_space<vmem>>, vector<16xf32>,
    }
    %scan3A_42 = arith.constant 128 : i32
    %mul3A_43 = arith.constant 2 : i32
    %mul3A_44 = arith.muli %mul3A_43, %arg1 : i32
    "tpu.region"() ({
      %run_scoped3A_438 = tpu.sem_alloc : memref<!tpu.dma_semaphore, #tpu.memory_space<semaphore_mem>>
      %dma_start3A_439 = arith.constant 0 : i32
      %dma_start3A_440 = arith.constant 0 : i32
      %dma_start3A_441 = tpu.memref_slice %arg7[%dma_start3A_439, %dma_start3A_440] : memref<160x128xi32, #tpu.memory_space<vmem>> -> memref<80x128xi32, #tpu.memory_space<vmem>>
      %dma_start3A_442 = arith.constant 0 : i32
      %dma_start3A_443 = arith.constant 0 : i32
      %dma_start3A_444 = tpu.memref_slice %arg4[%mul3A_44, %dma_start3A_442, %dma_start3A_443] : memref<32x80x128xi32, #tpu.memory_space<hbm>> -> memref<1x80x128xi32, #tpu.memory_space<hbm>>
      %dma_start3A_445 = tpu.memref_squeeze %dma_start3A_444 : memref<1x80x128xi32, #tpu.memory_space<hbm>> -> memref<80x128xi32, #tpu.memory_space<hbm>>
      %dma_start3A_446 = arith.constant 0 : i32
      %dma_start3A_447 = arith.constant 0 : i32
      %dma_start3A_448 = tpu.memref_slice %arg7[%dma_start3A_446, %dma_start3A_447] : memref<160x128xi32, #tpu.memory_space<vmem>> -> memref<80x128xi32, #tpu.memory_space<vmem>>
      %dma_start3A_449 = arith.constant 0 : i32
      %dma_start3A_450 = arith.constant 0 : i32
      %dma_start3A_451 = tpu.memref_slice %arg4[%mul3A_44, %dma_start3A_449, %dma_start3A_450] : memref<32x80x128xi32, #tpu.memory_space<hbm>> -> memref<1x80x128xi32, #tpu.memory_space<hbm>>
      %dma_start3A_452 = tpu.memref_squeeze %dma_start3A_451 : memref<1x80x128xi32, #tpu.memory_space<hbm>> -> memref<80x128xi32, #tpu.memory_space<hbm>>
      tpu.enqueue_dma source(%dma_start3A_452 : memref<80x128xi32, #tpu.memory_space<hbm>>) target(%dma_start3A_448 : memref<80x128xi32, #tpu.memory_space<vmem>>) target_semaphore(%run_scoped3A_438 : memref<!tpu.dma_semaphore, #tpu.memory_space<semaphore_mem>>)
      %dma_wait3A_453 = arith.constant 0 : i32
      %dma_wait3A_454 = arith.constant 0 : i32
      %dma_wait3A_455 = tpu.memref_slice %arg7[%dma_wait3A_453, %dma_wait3A_454] : memref<160x128xi32, #tpu.memory_space<vmem>> -> memref<80x128xi32, #tpu.memory_space<vmem>>
      %dma_wait3A_456 = arith.constant 0 : i32
      %dma_wait3A_457 = arith.constant 0 : i32
      %dma_wait3A_458 = tpu.memref_slice %arg4[%mul3A_44, %dma_wait3A_456, %dma_wait3A_457] : memref<32x80x128xi32, #tpu.memory_space<hbm>> -> memref<1x80x128xi32, #tpu.memory_space<hbm>>
      %dma_wait3A_459 = tpu.memref_squeeze %dma_wait3A_458 : memref<1x80x128xi32, #tpu.memory_space<hbm>> -> memref<80x128xi32, #tpu.memory_space<hbm>>
      %dma_wait3A_460 = arith.constant 0 : i32
      %dma_wait3A_461 = arith.constant 0 : i32
      %dma_wait3A_462 = tpu.memref_slice %arg7[%dma_wait3A_460, %dma_wait3A_461] : memref<160x128xi32, #tpu.memory_space<vmem>> -> memref<80x128xi32, #tpu.memory_space<vmem>>
      %dma_wait3A_463 = arith.constant 0 : i32
      %dma_wait3A_464 = arith.constant 0 : i32
      %dma_wait3A_465 = tpu.memref_slice %arg4[%mul3A_44, %dma_wait3A_463, %dma_wait3A_464] : memref<32x80x128xi32, #tpu.memory_space<hbm>> -> memref<1x80x128xi32, #tpu.memory_space<hbm>>
      %dma_wait3A_466 = tpu.memref_squeeze %dma_wait3A_465 : memref<1x80x128xi32, #tpu.memory_space<hbm>> -> memref<80x128xi32, #tpu.memory_space<hbm>>
      tpu.wait_dma2 semaphore(%run_scoped3A_438 : memref<!tpu.dma_semaphore, #tpu.memory_space<semaphore_mem>>) src(%dma_wait3A_466 : memref<80x128xi32, #tpu.memory_space<hbm>>) dst(%dma_wait3A_462 : memref<80x128xi32, #tpu.memory_space<vmem>>)
      tpu.yield
    }) : () -> ()
    %mul3A_45 = arith.constant 2 : i32
    %mul3A_46 = arith.muli %mul3A_45, %arg1 : i32
    %add3A_47 = arith.constant 1 : i32
    %add3A_48 = arith.addi %mul3A_46, %add3A_47 : i32
    "tpu.region"() ({
      %run_scoped3A_438 = tpu.sem_alloc : memref<!tpu.dma_semaphore, #tpu.memory_space<semaphore_mem>>
      %dma_start3A_439 = arith.constant 80 : i32
      %dma_start3A_440 = arith.constant 0 : i32
      %dma_start3A_441 = tpu.memref_slice %arg7[%dma_start3A_439, %dma_start3A_440] : memref<160x128xi32, #tpu.memory_space<vmem>> -> memref<80x128xi32, #tpu.memory_space<vmem>>
      %dma_start3A_442 = arith.constant 0 : i32
      %dma_start3A_443 = arith.constant 0 : i32
      %dma_start3A_444 = tpu.memref_slice %arg4[%add3A_48, %dma_start3A_442, %dma_start3A_443] : memref<32x80x128xi32, #tpu.memory_space<hbm>> -> memref<1x80x128xi32, #tpu.memory_space<hbm>>
      %dma_start3A_445 = tpu.memref_squeeze %dma_start3A_444 : memref<1x80x128xi32, #tpu.memory_space<hbm>> -> memref<80x128xi32, #tpu.memory_space<hbm>>
      %dma_start3A_446 = arith.constant 80 : i32
      %dma_start3A_447 = arith.constant 0 : i32
      %dma_start3A_448 = tpu.memref_slice %arg7[%dma_start3A_446, %dma_start3A_447] : memref<160x128xi32, #tpu.memory_space<vmem>> -> memref<80x128xi32, #tpu.memory_space<vmem>>
      %dma_start3A_449 = arith.constant 0 : i32
      %dma_start3A_450 = arith.constant 0 : i32
      %dma_start3A_451 = tpu.memref_slice %arg4[%add3A_48, %dma_start3A_449, %dma_start3A_450] : memref<32x80x128xi32, #tpu.memory_space<hbm>> -> memref<1x80x128xi32, #tpu.memory_space<hbm>>
      %dma_start3A_452 = tpu.memref_squeeze %dma_start3A_451 : memref<1x80x128xi32, #tpu.memory_space<hbm>> -> memref<80x128xi32, #tpu.memory_space<hbm>>
      tpu.enqueue_dma source(%dma_start3A_452 : memref<80x128xi32, #tpu.memory_space<hbm>>) target(%dma_start3A_448 : memref<80x128xi32, #tpu.memory_space<vmem>>) target_semaphore(%run_scoped3A_438 : memref<!tpu.dma_semaphore, #tpu.memory_space<semaphore_mem>>)
      %dma_wait3A_453 = arith.constant 80 : i32
      %dma_wait3A_454 = arith.constant 0 : i32
      %dma_wait3A_455 = tpu.memref_slice %arg7[%dma_wait3A_453, %dma_wait3A_454] : memref<160x128xi32, #tpu.memory_space<vmem>> -> memref<80x128xi32, #tpu.memory_space<vmem>>
      %dma_wait3A_456 = arith.constant 0 : i32
      %dma_wait3A_457 = arith.constant 0 : i32
      %dma_wait3A_458 = tpu.memref_slice %arg4[%add3A_48, %dma_wait3A_456, %dma_wait3A_457] : memref<32x80x128xi32, #tpu.memory_space<hbm>> -> memref<1x80x128xi32, #tpu.memory_space<hbm>>
      %dma_wait3A_459 = tpu.memref_squeeze %dma_wait3A_458 : memref<1x80x128xi32, #tpu.memory_space<hbm>> -> memref<80x128xi32, #tpu.memory_space<hbm>>
      %dma_wait3A_460 = arith.constant 80 : i32
      %dma_wait3A_461 = arith.constant 0 : i32
      %dma_wait3A_462 = tpu.memref_slice %arg7[%dma_wait3A_460, %dma_wait3A_461] : memref<160x128xi32, #tpu.memory_space<vmem>> -> memref<80x128xi32, #tpu.memory_space<vmem>>
      %dma_wait3A_463 = arith.constant 0 : i32
      %dma_wait3A_464 = arith.constant 0 : i32
      %dma_wait3A_465 = tpu.memref_slice %arg4[%add3A_48, %dma_wait3A_463, %dma_wait3A_464] : memref<32x80x128xi32, #tpu.memory_space<hbm>> -> memref<1x80x128xi32, #tpu.memory_space<hbm>>
      %dma_wait3A_466 = tpu.memref_squeeze %dma_wait3A_465 : memref<1x80x128xi32, #tpu.memory_space<hbm>> -> memref<80x128xi32, #tpu.memory_space<hbm>>
      tpu.wait_dma2 semaphore(%run_scoped3A_438 : memref<!tpu.dma_semaphore, #tpu.memory_space<semaphore_mem>>) src(%dma_wait3A_466 : memref<80x128xi32, #tpu.memory_space<hbm>>) dst(%dma_wait3A_462 : memref<80x128xi32, #tpu.memory_space<vmem>>)
      tpu.yield
    }) : () -> ()
    "tpu.region"() ({
      %run_scoped3A_438 = tpu.sem_alloc : memref<!tpu.dma_semaphore, #tpu.memory_space<semaphore_mem>>
      %dma_start3A_439 = arith.constant 0 : i32
      %dma_start3A_440 = arith.constant 0 : i32
      %dma_start3A_441 = tpu.memref_slice %arg3[%add3A, %dma_start3A_439, %dma_start3A_440] : memref<32x80x128xi32, #tpu.memory_space<hbm>> -> memref<1x80x128xi32, #tpu.memory_space<hbm>>
      %dma_start3A_442 = tpu.memref_squeeze %dma_start3A_441 : memref<1x80x128xi32, #tpu.memory_space<hbm>> -> memref<80x128xi32, #tpu.memory_space<hbm>>
      %dma_start3A_443 = arith.constant 0 : i32
      %dma_start3A_444 = arith.constant 0 : i32
      %dma_start3A_445 = tpu.memref_slice %arg3[%add3A, %dma_start3A_443, %dma_start3A_444] : memref<32x80x128xi32, #tpu.memory_space<hbm>> -> memref<1x80x128xi32, #tpu.memory_space<hbm>>
      %dma_start3A_446 = tpu.memref_squeeze %dma_start3A_445 : memref<1x80x128xi32, #tpu.memory_space<hbm>> -> memref<80x128xi32, #tpu.memory_space<hbm>>
      tpu.enqueue_dma source(%dma_start3A_446 : memref<80x128xi32, #tpu.memory_space<hbm>>) target(%arg8 : memref<80x128xi32, #tpu.memory_space<vmem>>) target_semaphore(%run_scoped3A_438 : memref<!tpu.dma_semaphore, #tpu.memory_space<semaphore_mem>>)
      %dma_wait3A_447 = arith.constant 0 : i32
      %dma_wait3A_448 = arith.constant 0 : i32
      %dma_wait3A_449 = tpu.memref_slice %arg3[%add3A, %dma_wait3A_447, %dma_wait3A_448] : memref<32x80x128xi32, #tpu.memory_space<hbm>> -> memref<1x80x128xi32, #tpu.memory_space<hbm>>
      %dma_wait3A_450 = tpu.memref_squeeze %dma_wait3A_449 : memref<1x80x128xi32, #tpu.memory_space<hbm>> -> memref<80x128xi32, #tpu.memory_space<hbm>>
      %dma_wait3A_451 = arith.constant 0 : i32
      %dma_wait3A_452 = arith.constant 0 : i32
      %dma_wait3A_453 = tpu.memref_slice %arg3[%add3A, %dma_wait3A_451, %dma_wait3A_452] : memref<32x80x128xi32, #tpu.memory_space<hbm>> -> memref<1x80x128xi32, #tpu.memory_space<hbm>>
      %dma_wait3A_454 = tpu.memref_squeeze %dma_wait3A_453 : memref<1x80x128xi32, #tpu.memory_space<hbm>> -> memref<80x128xi32, #tpu.memory_space<hbm>>
      tpu.wait_dma2 semaphore(%run_scoped3A_438 : memref<!tpu.dma_semaphore, #tpu.memory_space<semaphore_mem>>) src(%dma_wait3A_454 : memref<80x128xi32, #tpu.memory_space<hbm>>) dst(%arg8 : memref<80x128xi32, #tpu.memory_space<vmem>>)
      tpu.yield
    }) : () -> ()
    "tpu.region"() ({
      %run_scoped3A_438 = tpu.sem_alloc : memref<!tpu.dma_semaphore, #tpu.memory_space<semaphore_mem>>
      %dma_start3A_439 = arith.constant 0 : i32
      %dma_start3A_440 = arith.constant 0 : i32
      %dma_start3A_441 = tpu.memref_slice %arg4[%add3A, %dma_start3A_439, %dma_start3A_440] : memref<32x80x128xi32, #tpu.memory_space<hbm>> -> memref<1x80x128xi32, #tpu.memory_space<hbm>>
      %dma_start3A_442 = tpu.memref_squeeze %dma_start3A_441 : memref<1x80x128xi32, #tpu.memory_space<hbm>> -> memref<80x128xi32, #tpu.memory_space<hbm>>
      %dma_start3A_443 = arith.constant 0 : i32
      %dma_start3A_444 = arith.constant 0 : i32
      %dma_start3A_445 = tpu.memref_slice %arg4[%add3A, %dma_start3A_443, %dma_start3A_444] : memref<32x80x128xi32, #tpu.memory_space<hbm>> -> memref<1x80x128xi32, #tpu.memory_space<hbm>>
      %dma_start3A_446 = tpu.memref_squeeze %dma_start3A_445 : memref<1x80x128xi32, #tpu.memory_space<hbm>> -> memref<80x128xi32, #tpu.memory_space<hbm>>
      tpu.enqueue_dma source(%dma_start3A_446 : memref<80x128xi32, #tpu.memory_space<hbm>>) target(%arg9 : memref<80x128xi32, #tpu.memory_space<vmem>>) target_semaphore(%run_scoped3A_438 : memref<!tpu.dma_semaphore, #tpu.memory_space<semaphore_mem>>)
      %dma_wait3A_447 = arith.constant 0 : i32
      %dma_wait3A_448 = arith.constant 0 : i32
      %dma_wait3A_449 = tpu.memref_slice %arg4[%add3A, %dma_wait3A_447, %dma_wait3A_448] : memref<32x80x128xi32, #tpu.memory_space<hbm>> -> memref<1x80x128xi32, #tpu.memory_space<hbm>>
      %dma_wait3A_450 = tpu.memref_squeeze %dma_wait3A_449 : memref<1x80x128xi32, #tpu.memory_space<hbm>> -> memref<80x128xi32, #tpu.memory_space<hbm>>
      %dma_wait3A_451 = arith.constant 0 : i32
      %dma_wait3A_452 = arith.constant 0 : i32
      %dma_wait3A_453 = tpu.memref_slice %arg4[%add3A, %dma_wait3A_451, %dma_wait3A_452] : memref<32x80x128xi32, #tpu.memory_space<hbm>> -> memref<1x80x128xi32, #tpu.memory_space<hbm>>
      %dma_wait3A_454 = tpu.memref_squeeze %dma_wait3A_453 : memref<1x80x128xi32, #tpu.memory_space<hbm>> -> memref<80x128xi32, #tpu.memory_space<hbm>>
      tpu.wait_dma2 semaphore(%run_scoped3A_438 : memref<!tpu.dma_semaphore, #tpu.memory_space<semaphore_mem>>) src(%dma_wait3A_454 : memref<80x128xi32, #tpu.memory_space<hbm>>) dst(%arg9 : memref<80x128xi32, #tpu.memory_space<vmem>>)
      tpu.yield
    }) : () -> ()
    "tpu.region"() ({
      %run_scoped3A_438 = tpu.sem_alloc : memref<!tpu.dma_semaphore, #tpu.memory_space<semaphore_mem>>
      %dma_start3A_439 = arith.constant 0 : i32
      %dma_start3A_440 = tpu.memref_slice %arg2[%multiple_of3A, %dma_start3A_439] : memref<10240x16xf32, #tpu.memory_space<hbm>> -> memref<640x16xf32, #tpu.memory_space<hbm>>
      %dma_start3A_441 = arith.constant 0 : i32
      %dma_start3A_442 = tpu.memref_slice %arg2[%multiple_of3A, %dma_start3A_441] : memref<10240x16xf32, #tpu.memory_space<hbm>> -> memref<640x16xf32, #tpu.memory_space<hbm>>
      tpu.enqueue_dma source(%dma_start3A_442 : memref<640x16xf32, #tpu.memory_space<hbm>>) target(%arg11 : memref<640x16xf32, #tpu.memory_space<vmem>>) target_semaphore(%run_scoped3A_438 : memref<!tpu.dma_semaphore, #tpu.memory_space<semaphore_mem>>)
      %dma_wait3A_443 = arith.constant 0 : i32
      %dma_wait3A_444 = tpu.memref_slice %arg2[%multiple_of3A, %dma_wait3A_443] : memref<10240x16xf32, #tpu.memory_space<hbm>> -> memref<640x16xf32, #tpu.memory_space<hbm>>
      %dma_wait3A_445 = arith.constant 0 : i32
      %dma_wait3A_446 = tpu.memref_slice %arg2[%multiple_of3A, %dma_wait3A_445] : memref<10240x16xf32, #tpu.memory_space<hbm>> -> memref<640x16xf32, #tpu.memory_space<hbm>>
      tpu.wait_dma2 semaphore(%run_scoped3A_438 : memref<!tpu.dma_semaphore, #tpu.memory_space<semaphore_mem>>) src(%dma_wait3A_446 : memref<640x16xf32, #tpu.memory_space<hbm>>) dst(%arg11 : memref<640x16xf32, #tpu.memory_space<vmem>>)
      tpu.yield
    }) : () -> ()
    %barrier3A = arith.constant 0 : index
    tpu.barrier barrier_id(%barrier3A)
    %scan3A_49 = arith.constant 0 : i32
    %scan3A_50 = arith.constant 0 : i32
    %scan3A_51 = arith.constant 160 : i32
    %scan3A_52 = arith.addi %scan3A_50, %scan3A_51 : i32
    %scan3A_53 = arith.constant 1 : i32
    scf.for %scan3A_438 = %scan3A_50 to %scan3A_52 step %scan3A_53  : i32 {
      %rem3A_439 = arith.constant 8 : i32
      %rem3A_440 = arith.remsi %scan3A_438, %rem3A_439 : i32
      %ge3A = arith.constant 8 : i32
      %ge3A_441 = arith.cmpi sge, %scan3A_438, %ge3A : i32
      %convert_element_type3A_442 = arith.extui %ge3A_441 : i1 to i32
      %cond3A_443 = arith.constant 0 : i32
      %cond3A_444 = arith.cmpi ne, %convert_element_type3A_442, %cond3A_443 : i32
      scf.if %cond3A_444 {
        %dma_wait3A_458 = arith.constant 0 : i32
        %dma_wait3A_459 = arith.constant 0 : i32
        %dma_wait3A_460 = arith.constant 0 : i32
        %dma_wait3A_461 = tpu.memref_slice %arg10[%dma_wait3A_458, %dma_wait3A_459, %dma_wait3A_460] : memref<8x128x16xf32, #tpu.memory_space<vmem>> -> memref<1x128x16xf32, #tpu.memory_space<vmem>>
        %dma_wait3A_462 = tpu.memref_squeeze %dma_wait3A_461 : memref<1x128x16xf32, #tpu.memory_space<vmem>> -> memref<128x16xf32, #tpu.memory_space<vmem>>
        %dma_wait3A_463 = arith.constant 0 : i32
        %dma_wait3A_464 = arith.constant 0 : i32
        %dma_wait3A_465 = tpu.memref_slice %arg15[%dma_wait3A_463, %dma_wait3A_464] : memref<10240x16xf32, #tpu.memory_space<vmem_shared>> -> memref<128x16xf32, #tpu.memory_space<vmem_shared>>
        %dma_wait3A_466 = tpu.memref_slice %arg16[%rem3A_440] : memref<8x!tpu.dma_semaphore, #tpu.memory_space<semaphore_mem>> -> memref<1x!tpu.dma_semaphore, #tpu.memory_space<semaphore_mem>>
        %dma_wait3A_467 = tpu.memref_squeeze %dma_wait3A_466 : memref<1x!tpu.dma_semaphore, #tpu.memory_space<semaphore_mem>> -> memref<!tpu.dma_semaphore, #tpu.memory_space<semaphore_mem>>
        %dma_wait3A_468 = arith.constant 0 : i32
        %dma_wait3A_469 = arith.constant 0 : i32
        %dma_wait3A_470 = tpu.memref_slice %arg15[%dma_wait3A_468, %dma_wait3A_469] : memref<10240x16xf32, #tpu.memory_space<vmem_shared>> -> memref<128x16xf32, #tpu.memory_space<vmem_shared>>
        %dma_wait3A_471 = arith.constant 0 : i32
        %dma_wait3A_472 = arith.constant 0 : i32
        %dma_wait3A_473 = tpu.memref_slice %arg10[%dma_wait3A_458, %dma_wait3A_471, %dma_wait3A_472] : memref<8x128x16xf32, #tpu.memory_space<vmem>> -> memref<1x128x16xf32, #tpu.memory_space<vmem>>
        %dma_wait3A_474 = tpu.memref_squeeze %dma_wait3A_473 : memref<1x128x16xf32, #tpu.memory_space<vmem>> -> memref<128x16xf32, #tpu.memory_space<vmem>>
        tpu.wait_dma2 semaphore(%dma_wait3A_467 : memref<!tpu.dma_semaphore, #tpu.memory_space<semaphore_mem>>) src(%dma_wait3A_474 : memref<128x16xf32, #tpu.memory_space<vmem>>) dst(%dma_wait3A_470 : memref<128x16xf32, #tpu.memory_space<vmem_shared>>)
      } else {
      }
      %dma_start3A_445 = arith.constant 0 : i32
      %dma_start3A_446 = arith.constant 0 : i32
      %dma_start3A_447 = arith.constant 0 : i32
      %dma_start3A_448 = tpu.memref_slice %arg10[%dma_start3A_445, %dma_start3A_446, %dma_start3A_447] : memref<8x128x16xf32, #tpu.memory_space<vmem>> -> memref<1x128x16xf32, #tpu.memory_space<vmem>>
      %dma_start3A_449 = tpu.memref_squeeze %dma_start3A_448 : memref<1x128x16xf32, #tpu.memory_space<vmem>> -> memref<128x16xf32, #tpu.memory_space<vmem>>
      %dma_start3A_450 = arith.constant 0 : i32
      %dma_start3A_451 = tpu.memref_slice %arg7[%scan3A_438, %dma_start3A_450] : memref<160x128xi32, #tpu.memory_space<vmem>> -> memref<1x128xi32, #tpu.memory_space<vmem>>
      %dma_start3A_452 = tpu.memref_squeeze %dma_start3A_451 : memref<1x128xi32, #tpu.memory_space<vmem>> -> memref<128xi32, #tpu.memory_space<vmem>>
      %dma_start3A_453 = arith.constant 0 : i32
      %dma_start3A_454 = arith.constant 0 : i32
      %dma_start3A_455 = tpu.memref_slice %arg13[%dma_start3A_453, %dma_start3A_454] : memref<10240x16xf32, #tpu.memory_space<vmem_shared>> -> memref<10240x16xf32, #tpu.memory_space<vmem_shared>>
      %dma_start3A_456 = tpu.memref_slice %arg16[%rem3A_440] : memref<8x!tpu.dma_semaphore, #tpu.memory_space<semaphore_mem>> -> memref<1x!tpu.dma_semaphore, #tpu.memory_space<semaphore_mem>>
      %dma_start3A_457 = tpu.memref_squeeze %dma_start3A_456 : memref<1x!tpu.dma_semaphore, #tpu.memory_space<semaphore_mem>> -> memref<!tpu.dma_semaphore, #tpu.memory_space<semaphore_mem>>
      tpu.enqueue_indirect_dma source(%dma_start3A_449 : memref<128x16xf32, #tpu.memory_space<vmem>>) target(%dma_start3A_455 : memref<10240x16xf32, #tpu.memory_space<vmem_shared>>) offsets(%dma_start3A_452 : memref<128xi32, #tpu.memory_space<vmem>>) semaphore(%dma_start3A_457 : memref<!tpu.dma_semaphore, #tpu.memory_space<semaphore_mem>>) {add = true}
    }
    %scan3A_54 = arith.constant 160 : i32
    %dma_wait3A = arith.constant 0 : i32
    %dma_wait3A_55 = arith.constant 0 : i32
    %dma_wait3A_56 = arith.constant 0 : i32
    %dma_wait3A_57 = arith.constant 0 : i32
    %dma_wait3A_58 = tpu.memref_slice %arg10[%dma_wait3A, %dma_wait3A_56, %dma_wait3A_57] : memref<8x128x16xf32, #tpu.memory_space<vmem>> -> memref<1x128x16xf32, #tpu.memory_space<vmem>>
    %dma_wait3A_59 = tpu.memref_squeeze %dma_wait3A_58 : memref<1x128x16xf32, #tpu.memory_space<vmem>> -> memref<128x16xf32, #tpu.memory_space<vmem>>
    %dma_wait3A_60 = arith.constant 0 : i32
    %dma_wait3A_61 = arith.constant 0 : i32
    %dma_wait3A_62 = tpu.memref_slice %arg15[%dma_wait3A_60, %dma_wait3A_61] : memref<10240x16xf32, #tpu.memory_space<vmem_shared>> -> memref<128x16xf32, #tpu.memory_space<vmem_shared>>
    %dma_wait3A_63 = tpu.memref_slice %arg16[%dma_wait3A_55] : memref<8x!tpu.dma_semaphore, #tpu.memory_space<semaphore_mem>> -> memref<1x!tpu.dma_semaphore, #tpu.memory_space<semaphore_mem>>
    %dma_wait3A_64 = tpu.memref_squeeze %dma_wait3A_63 : memref<1x!tpu.dma_semaphore, #tpu.memory_space<semaphore_mem>> -> memref<!tpu.dma_semaphore, #tpu.memory_space<semaphore_mem>>
    %dma_wait3A_65 = arith.constant 0 : i32
    %dma_wait3A_66 = arith.constant 0 : i32
    %dma_wait3A_67 = tpu.memref_slice %arg15[%dma_wait3A_65, %dma_wait3A_66] : memref<10240x16xf32, #tpu.memory_space<vmem_shared>> -> memref<128x16xf32, #tpu.memory_space<vmem_shared>>
    %dma_wait3A_68 = arith.constant 0 : i32
    %dma_wait3A_69 = arith.constant 0 : i32
    %dma_wait3A_70 = tpu.memref_slice %arg10[%dma_wait3A, %dma_wait3A_68, %dma_wait3A_69] : memref<8x128x16xf32, #tpu.memory_space<vmem>> -> memref<1x128x16xf32, #tpu.memory_space<vmem>>
    %dma_wait3A_71 = tpu.memref_squeeze %dma_wait3A_70 : memref<1x128x16xf32, #tpu.memory_space<vmem>> -> memref<128x16xf32, #tpu.memory_space<vmem>>
    tpu.wait_dma2 semaphore(%dma_wait3A_64 : memref<!tpu.dma_semaphore, #tpu.memory_space<semaphore_mem>>) src(%dma_wait3A_71 : memref<128x16xf32, #tpu.memory_space<vmem>>) dst(%dma_wait3A_67 : memref<128x16xf32, #tpu.memory_space<vmem_shared>>)
    %dma_wait3A_72 = arith.constant 0 : i32
    %dma_wait3A_73 = arith.constant 1 : i32
    %dma_wait3A_74 = arith.constant 0 : i32
    %dma_wait3A_75 = arith.constant 0 : i32
    %dma_wait3A_76 = tpu.memref_slice %arg10[%dma_wait3A_72, %dma_wait3A_74, %dma_wait3A_75] : memref<8x128x16xf32, #tpu.memory_space<vmem>> -> memref<1x128x16xf32, #tpu.memory_space<vmem>>
    %dma_wait3A_77 = tpu.memref_squeeze %dma_wait3A_76 : memref<1x128x16xf32, #tpu.memory_space<vmem>> -> memref<128x16xf32, #tpu.memory_space<vmem>>
    %dma_wait3A_78 = arith.constant 0 : i32
    %dma_wait3A_79 = arith.constant 0 : i32
    %dma_wait3A_80 = tpu.memref_slice %arg15[%dma_wait3A_78, %dma_wait3A_79] : memref<10240x16xf32, #tpu.memory_space<vmem_shared>> -> memref<128x16xf32, #tpu.memory_space<vmem_shared>>
    %dma_wait3A_81 = tpu.memref_slice %arg16[%dma_wait3A_73] : memref<8x!tpu.dma_semaphore, #tpu.memory_space<semaphore_mem>> -> memref<1x!tpu.dma_semaphore, #tpu.memory_space<semaphore_mem>>
    %dma_wait3A_82 = tpu.memref_squeeze %dma_wait3A_81 : memref<1x!tpu.dma_semaphore, #tpu.memory_space<semaphore_mem>> -> memref<!tpu.dma_semaphore, #tpu.memory_space<semaphore_mem>>
    %dma_wait3A_83 = arith.constant 0 : i32
    %dma_wait3A_84 = arith.constant 0 : i32
    %dma_wait3A_85 = tpu.memref_slice %arg15[%dma_wait3A_83, %dma_wait3A_84] : memref<10240x16xf32, #tpu.memory_space<vmem_shared>> -> memref<128x16xf32, #tpu.memory_space<vmem_shared>>
    %dma_wait3A_86 = arith.constant 0 : i32
    %dma_wait3A_87 = arith.constant 0 : i32
    %dma_wait3A_88 = tpu.memref_slice %arg10[%dma_wait3A_72, %dma_wait3A_86, %dma_wait3A_87] : memref<8x128x16xf32, #tpu.memory_space<vmem>> -> memref<1x128x16xf32, #tpu.memory_space<vmem>>
    %dma_wait3A_89 = tpu.memref_squeeze %dma_wait3A_88 : memref<1x128x16xf32, #tpu.memory_space<vmem>> -> memref<128x16xf32, #tpu.memory_space<vmem>>
    tpu.wait_dma2 semaphore(%dma_wait3A_82 : memref<!tpu.dma_semaphore, #tpu.memory_space<semaphore_mem>>) src(%dma_wait3A_89 : memref<128x16xf32, #tpu.memory_space<vmem>>) dst(%dma_wait3A_85 : memref<128x16xf32, #tpu.memory_space<vmem_shared>>)
    %dma_wait3A_90 = arith.constant 0 : i32
    %dma_wait3A_91 = arith.constant 2 : i32
    %dma_wait3A_92 = arith.constant 0 : i32
    %dma_wait3A_93 = arith.constant 0 : i32
    %dma_wait3A_94 = tpu.memref_slice %arg10[%dma_wait3A_90, %dma_wait3A_92, %dma_wait3A_93] : memref<8x128x16xf32, #tpu.memory_space<vmem>> -> memref<1x128x16xf32, #tpu.memory_space<vmem>>
    %dma_wait3A_95 = tpu.memref_squeeze %dma_wait3A_94 : memref<1x128x16xf32, #tpu.memory_space<vmem>> -> memref<128x16xf32, #tpu.memory_space<vmem>>
    %dma_wait3A_96 = arith.constant 0 : i32
    %dma_wait3A_97 = arith.constant 0 : i32
    %dma_wait3A_98 = tpu.memref_slice %arg15[%dma_wait3A_96, %dma_wait3A_97] : memref<10240x16xf32, #tpu.memory_space<vmem_shared>> -> memref<128x16xf32, #tpu.memory_space<vmem_shared>>
    %dma_wait3A_99 = tpu.memref_slice %arg16[%dma_wait3A_91] : memref<8x!tpu.dma_semaphore, #tpu.memory_space<semaphore_mem>> -> memref<1x!tpu.dma_semaphore, #tpu.memory_space<semaphore_mem>>
    %dma_wait3A_100 = tpu.memref_squeeze %dma_wait3A_99 : memref<1x!tpu.dma_semaphore, #tpu.memory_space<semaphore_mem>> -> memref<!tpu.dma_semaphore, #tpu.memory_space<semaphore_mem>>
    %dma_wait3A_101 = arith.constant 0 : i32
    %dma_wait3A_102 = arith.constant 0 : i32
    %dma_wait3A_103 = tpu.memref_slice %arg15[%dma_wait3A_101, %dma_wait3A_102] : memref<10240x16xf32, #tpu.memory_space<vmem_shared>> -> memref<128x16xf32, #tpu.memory_space<vmem_shared>>
    %dma_wait3A_104 = arith.constant 0 : i32
    %dma_wait3A_105 = arith.constant 0 : i32
    %dma_wait3A_106 = tpu.memref_slice %arg10[%dma_wait3A_90, %dma_wait3A_104, %dma_wait3A_105] : memref<8x128x16xf32, #tpu.memory_space<vmem>> -> memref<1x128x16xf32, #tpu.memory_space<vmem>>
    %dma_wait3A_107 = tpu.memref_squeeze %dma_wait3A_106 : memref<1x128x16xf32, #tpu.memory_space<vmem>> -> memref<128x16xf32, #tpu.memory_space<vmem>>
    tpu.wait_dma2 semaphore(%dma_wait3A_100 : memref<!tpu.dma_semaphore, #tpu.memory_space<semaphore_mem>>) src(%dma_wait3A_107 : memref<128x16xf32, #tpu.memory_space<vmem>>) dst(%dma_wait3A_103 : memref<128x16xf32, #tpu.memory_space<vmem_shared>>)
    %dma_wait3A_108 = arith.constant 0 : i32
    %dma_wait3A_109 = arith.constant 3 : i32
    %dma_wait3A_110 = arith.constant 0 : i32
    %dma_wait3A_111 = arith.constant 0 : i32
    %dma_wait3A_112 = tpu.memref_slice %arg10[%dma_wait3A_108, %dma_wait3A_110, %dma_wait3A_111] : memref<8x128x16xf32, #tpu.memory_space<vmem>> -> memref<1x128x16xf32, #tpu.memory_space<vmem>>
    %dma_wait3A_113 = tpu.memref_squeeze %dma_wait3A_112 : memref<1x128x16xf32, #tpu.memory_space<vmem>> -> memref<128x16xf32, #tpu.memory_space<vmem>>
    %dma_wait3A_114 = arith.constant 0 : i32
    %dma_wait3A_115 = arith.constant 0 : i32
    %dma_wait3A_116 = tpu.memref_slice %arg15[%dma_wait3A_114, %dma_wait3A_115] : memref<10240x16xf32, #tpu.memory_space<vmem_shared>> -> memref<128x16xf32, #tpu.memory_space<vmem_shared>>
    %dma_wait3A_117 = tpu.memref_slice %arg16[%dma_wait3A_109] : memref<8x!tpu.dma_semaphore, #tpu.memory_space<semaphore_mem>> -> memref<1x!tpu.dma_semaphore, #tpu.memory_space<semaphore_mem>>
    %dma_wait3A_118 = tpu.memref_squeeze %dma_wait3A_117 : memref<1x!tpu.dma_semaphore, #tpu.memory_space<semaphore_mem>> -> memref<!tpu.dma_semaphore, #tpu.memory_space<semaphore_mem>>
    %dma_wait3A_119 = arith.constant 0 : i32
    %dma_wait3A_120 = arith.constant 0 : i32
    %dma_wait3A_121 = tpu.memref_slice %arg15[%dma_wait3A_119, %dma_wait3A_120] : memref<10240x16xf32, #tpu.memory_space<vmem_shared>> -> memref<128x16xf32, #tpu.memory_space<vmem_shared>>
    %dma_wait3A_122 = arith.constant 0 : i32
    %dma_wait3A_123 = arith.constant 0 : i32
    %dma_wait3A_124 = tpu.memref_slice %arg10[%dma_wait3A_108, %dma_wait3A_122, %dma_wait3A_123] : memref<8x128x16xf32, #tpu.memory_space<vmem>> -> memref<1x128x16xf32, #tpu.memory_space<vmem>>
    %dma_wait3A_125 = tpu.memref_squeeze %dma_wait3A_124 : memref<1x128x16xf32, #tpu.memory_space<vmem>> -> memref<128x16xf32, #tpu.memory_space<vmem>>
    tpu.wait_dma2 semaphore(%dma_wait3A_118 : memref<!tpu.dma_semaphore, #tpu.memory_space<semaphore_mem>>) src(%dma_wait3A_125 : memref<128x16xf32, #tpu.memory_space<vmem>>) dst(%dma_wait3A_121 : memref<128x16xf32, #tpu.memory_space<vmem_shared>>)
    %dma_wait3A_126 = arith.constant 0 : i32
    %dma_wait3A_127 = arith.constant 4 : i32
    %dma_wait3A_128 = arith.constant 0 : i32
    %dma_wait3A_129 = arith.constant 0 : i32
    %dma_wait3A_130 = tpu.memref_slice %arg10[%dma_wait3A_126, %dma_wait3A_128, %dma_wait3A_129] : memref<8x128x16xf32, #tpu.memory_space<vmem>> -> memref<1x128x16xf32, #tpu.memory_space<vmem>>
    %dma_wait3A_131 = tpu.memref_squeeze %dma_wait3A_130 : memref<1x128x16xf32, #tpu.memory_space<vmem>> -> memref<128x16xf32, #tpu.memory_space<vmem>>
    %dma_wait3A_132 = arith.constant 0 : i32
    %dma_wait3A_133 = arith.constant 0 : i32
    %dma_wait3A_134 = tpu.memref_slice %arg15[%dma_wait3A_132, %dma_wait3A_133] : memref<10240x16xf32, #tpu.memory_space<vmem_shared>> -> memref<128x16xf32, #tpu.memory_space<vmem_shared>>
    %dma_wait3A_135 = tpu.memref_slice %arg16[%dma_wait3A_127] : memref<8x!tpu.dma_semaphore, #tpu.memory_space<semaphore_mem>> -> memref<1x!tpu.dma_semaphore, #tpu.memory_space<semaphore_mem>>
    %dma_wait3A_136 = tpu.memref_squeeze %dma_wait3A_135 : memref<1x!tpu.dma_semaphore, #tpu.memory_space<semaphore_mem>> -> memref<!tpu.dma_semaphore, #tpu.memory_space<semaphore_mem>>
    %dma_wait3A_137 = arith.constant 0 : i32
    %dma_wait3A_138 = arith.constant 0 : i32
    %dma_wait3A_139 = tpu.memref_slice %arg15[%dma_wait3A_137, %dma_wait3A_138] : memref<10240x16xf32, #tpu.memory_space<vmem_shared>> -> memref<128x16xf32, #tpu.memory_space<vmem_shared>>
    %dma_wait3A_140 = arith.constant 0 : i32
    %dma_wait3A_141 = arith.constant 0 : i32
    %dma_wait3A_142 = tpu.memref_slice %arg10[%dma_wait3A_126, %dma_wait3A_140, %dma_wait3A_141] : memref<8x128x16xf32, #tpu.memory_space<vmem>> -> memref<1x128x16xf32, #tpu.memory_space<vmem>>
    %dma_wait3A_143 = tpu.memref_squeeze %dma_wait3A_142 : memref<1x128x16xf32, #tpu.memory_space<vmem>> -> memref<128x16xf32, #tpu.memory_space<vmem>>
    tpu.wait_dma2 semaphore(%dma_wait3A_136 : memref<!tpu.dma_semaphore, #tpu.memory_space<semaphore_mem>>) src(%dma_wait3A_143 : memref<128x16xf32, #tpu.memory_space<vmem>>) dst(%dma_wait3A_139 : memref<128x16xf32, #tpu.memory_space<vmem_shared>>)
    %dma_wait3A_144 = arith.constant 0 : i32
    %dma_wait3A_145 = arith.constant 5 : i32
    %dma_wait3A_146 = arith.constant 0 : i32
    %dma_wait3A_147 = arith.constant 0 : i32
    %dma_wait3A_148 = tpu.memref_slice %arg10[%dma_wait3A_144, %dma_wait3A_146, %dma_wait3A_147] : memref<8x128x16xf32, #tpu.memory_space<vmem>> -> memref<1x128x16xf32, #tpu.memory_space<vmem>>
    %dma_wait3A_149 = tpu.memref_squeeze %dma_wait3A_148 : memref<1x128x16xf32, #tpu.memory_space<vmem>> -> memref<128x16xf32, #tpu.memory_space<vmem>>
    %dma_wait3A_150 = arith.constant 0 : i32
    %dma_wait3A_151 = arith.constant 0 : i32
    %dma_wait3A_152 = tpu.memref_slice %arg15[%dma_wait3A_150, %dma_wait3A_151] : memref<10240x16xf32, #tpu.memory_space<vmem_shared>> -> memref<128x16xf32, #tpu.memory_space<vmem_shared>>
    %dma_wait3A_153 = tpu.memref_slice %arg16[%dma_wait3A_145] : memref<8x!tpu.dma_semaphore, #tpu.memory_space<semaphore_mem>> -> memref<1x!tpu.dma_semaphore, #tpu.memory_space<semaphore_mem>>
    %dma_wait3A_154 = tpu.memref_squeeze %dma_wait3A_153 : memref<1x!tpu.dma_semaphore, #tpu.memory_space<semaphore_mem>> -> memref<!tpu.dma_semaphore, #tpu.memory_space<semaphore_mem>>
    %dma_wait3A_155 = arith.constant 0 : i32
    %dma_wait3A_156 = arith.constant 0 : i32
    %dma_wait3A_157 = tpu.memref_slice %arg15[%dma_wait3A_155, %dma_wait3A_156] : memref<10240x16xf32, #tpu.memory_space<vmem_shared>> -> memref<128x16xf32, #tpu.memory_space<vmem_shared>>
    %dma_wait3A_158 = arith.constant 0 : i32
    %dma_wait3A_159 = arith.constant 0 : i32
    %dma_wait3A_160 = tpu.memref_slice %arg10[%dma_wait3A_144, %dma_wait3A_158, %dma_wait3A_159] : memref<8x128x16xf32, #tpu.memory_space<vmem>> -> memref<1x128x16xf32, #tpu.memory_space<vmem>>
    %dma_wait3A_161 = tpu.memref_squeeze %dma_wait3A_160 : memref<1x128x16xf32, #tpu.memory_space<vmem>> -> memref<128x16xf32, #tpu.memory_space<vmem>>
    tpu.wait_dma2 semaphore(%dma_wait3A_154 : memref<!tpu.dma_semaphore, #tpu.memory_space<semaphore_mem>>) src(%dma_wait3A_161 : memref<128x16xf32, #tpu.memory_space<vmem>>) dst(%dma_wait3A_157 : memref<128x16xf32, #tpu.memory_space<vmem_shared>>)
    %dma_wait3A_162 = arith.constant 0 : i32
    %dma_wait3A_163 = arith.constant 6 : i32
    %dma_wait3A_164 = arith.constant 0 : i32
    %dma_wait3A_165 = arith.constant 0 : i32
    %dma_wait3A_166 = tpu.memref_slice %arg10[%dma_wait3A_162, %dma_wait3A_164, %dma_wait3A_165] : memref<8x128x16xf32, #tpu.memory_space<vmem>> -> memref<1x128x16xf32, #tpu.memory_space<vmem>>
    %dma_wait3A_167 = tpu.memref_squeeze %dma_wait3A_166 : memref<1x128x16xf32, #tpu.memory_space<vmem>> -> memref<128x16xf32, #tpu.memory_space<vmem>>
    %dma_wait3A_168 = arith.constant 0 : i32
    %dma_wait3A_169 = arith.constant 0 : i32
    %dma_wait3A_170 = tpu.memref_slice %arg15[%dma_wait3A_168, %dma_wait3A_169] : memref<10240x16xf32, #tpu.memory_space<vmem_shared>> -> memref<128x16xf32, #tpu.memory_space<vmem_shared>>
    %dma_wait3A_171 = tpu.memref_slice %arg16[%dma_wait3A_163] : memref<8x!tpu.dma_semaphore, #tpu.memory_space<semaphore_mem>> -> memref<1x!tpu.dma_semaphore, #tpu.memory_space<semaphore_mem>>
    %dma_wait3A_172 = tpu.memref_squeeze %dma_wait3A_171 : memref<1x!tpu.dma_semaphore, #tpu.memory_space<semaphore_mem>> -> memref<!tpu.dma_semaphore, #tpu.memory_space<semaphore_mem>>
    %dma_wait3A_173 = arith.constant 0 : i32
    %dma_wait3A_174 = arith.constant 0 : i32
    %dma_wait3A_175 = tpu.memref_slice %arg15[%dma_wait3A_173, %dma_wait3A_174] : memref<10240x16xf32, #tpu.memory_space<vmem_shared>> -> memref<128x16xf32, #tpu.memory_space<vmem_shared>>
    %dma_wait3A_176 = arith.constant 0 : i32
    %dma_wait3A_177 = arith.constant 0 : i32
    %dma_wait3A_178 = tpu.memref_slice %arg10[%dma_wait3A_162, %dma_wait3A_176, %dma_wait3A_177] : memref<8x128x16xf32, #tpu.memory_space<vmem>> -> memref<1x128x16xf32, #tpu.memory_space<vmem>>
    %dma_wait3A_179 = tpu.memref_squeeze %dma_wait3A_178 : memref<1x128x16xf32, #tpu.memory_space<vmem>> -> memref<128x16xf32, #tpu.memory_space<vmem>>
    tpu.wait_dma2 semaphore(%dma_wait3A_172 : memref<!tpu.dma_semaphore, #tpu.memory_space<semaphore_mem>>) src(%dma_wait3A_179 : memref<128x16xf32, #tpu.memory_space<vmem>>) dst(%dma_wait3A_175 : memref<128x16xf32, #tpu.memory_space<vmem_shared>>)
    %dma_wait3A_180 = arith.constant 0 : i32
    %dma_wait3A_181 = arith.constant 7 : i32
    %dma_wait3A_182 = arith.constant 0 : i32
    %dma_wait3A_183 = arith.constant 0 : i32
    %dma_wait3A_184 = tpu.memref_slice %arg10[%dma_wait3A_180, %dma_wait3A_182, %dma_wait3A_183] : memref<8x128x16xf32, #tpu.memory_space<vmem>> -> memref<1x128x16xf32, #tpu.memory_space<vmem>>
    %dma_wait3A_185 = tpu.memref_squeeze %dma_wait3A_184 : memref<1x128x16xf32, #tpu.memory_space<vmem>> -> memref<128x16xf32, #tpu.memory_space<vmem>>
    %dma_wait3A_186 = arith.constant 0 : i32
    %dma_wait3A_187 = arith.constant 0 : i32
    %dma_wait3A_188 = tpu.memref_slice %arg15[%dma_wait3A_186, %dma_wait3A_187] : memref<10240x16xf32, #tpu.memory_space<vmem_shared>> -> memref<128x16xf32, #tpu.memory_space<vmem_shared>>
    %dma_wait3A_189 = tpu.memref_slice %arg16[%dma_wait3A_181] : memref<8x!tpu.dma_semaphore, #tpu.memory_space<semaphore_mem>> -> memref<1x!tpu.dma_semaphore, #tpu.memory_space<semaphore_mem>>
    %dma_wait3A_190 = tpu.memref_squeeze %dma_wait3A_189 : memref<1x!tpu.dma_semaphore, #tpu.memory_space<semaphore_mem>> -> memref<!tpu.dma_semaphore, #tpu.memory_space<semaphore_mem>>
    %dma_wait3A_191 = arith.constant 0 : i32
    %dma_wait3A_192 = arith.constant 0 : i32
    %dma_wait3A_193 = tpu.memref_slice %arg15[%dma_wait3A_191, %dma_wait3A_192] : memref<10240x16xf32, #tpu.memory_space<vmem_shared>> -> memref<128x16xf32, #tpu.memory_space<vmem_shared>>
    %dma_wait3A_194 = arith.constant 0 : i32
    %dma_wait3A_195 = arith.constant 0 : i32
    %dma_wait3A_196 = tpu.memref_slice %arg10[%dma_wait3A_180, %dma_wait3A_194, %dma_wait3A_195] : memref<8x128x16xf32, #tpu.memory_space<vmem>> -> memref<1x128x16xf32, #tpu.memory_space<vmem>>
    %dma_wait3A_197 = tpu.memref_squeeze %dma_wait3A_196 : memref<1x128x16xf32, #tpu.memory_space<vmem>> -> memref<128x16xf32, #tpu.memory_space<vmem>>
    tpu.wait_dma2 semaphore(%dma_wait3A_190 : memref<!tpu.dma_semaphore, #tpu.memory_space<semaphore_mem>>) src(%dma_wait3A_197 : memref<128x16xf32, #tpu.memory_space<vmem>>) dst(%dma_wait3A_193 : memref<128x16xf32, #tpu.memory_space<vmem_shared>>)
    %barrier3A_198 = arith.constant 0 : index
    tpu.barrier barrier_id(%barrier3A_198)
    "tpu.region"() ({
      %run_scoped3A_438 = tpu.sem_alloc : memref<!tpu.dma_semaphore, #tpu.memory_space<semaphore_mem>>
      %dma_start3A_439 = arith.constant 0 : i32
      %dma_start3A_440 = tpu.memref_slice %arg13[%multiple_of3A, %dma_start3A_439] : memref<10240x16xf32, #tpu.memory_space<vmem_shared>> -> memref<640x16xf32, #tpu.memory_space<vmem_shared>>
      %dma_start3A_441 = arith.constant 0 : i32
      %dma_start3A_442 = tpu.memref_slice %arg13[%multiple_of3A, %dma_start3A_441] : memref<10240x16xf32, #tpu.memory_space<vmem_shared>> -> memref<640x16xf32, #tpu.memory_space<vmem_shared>>
      tpu.enqueue_dma source(%dma_start3A_442 : memref<640x16xf32, #tpu.memory_space<vmem_shared>>) target(%arg12 : memref<640x16xf32, #tpu.memory_space<vmem>>) target_semaphore(%run_scoped3A_438 : memref<!tpu.dma_semaphore, #tpu.memory_space<semaphore_mem>>)
      %dma_wait3A_443 = arith.constant 0 : i32
      %dma_wait3A_444 = tpu.memref_slice %arg13[%multiple_of3A, %dma_wait3A_443] : memref<10240x16xf32, #tpu.memory_space<vmem_shared>> -> memref<640x16xf32, #tpu.memory_space<vmem_shared>>
      %dma_wait3A_445 = arith.constant 0 : i32
      %dma_wait3A_446 = tpu.memref_slice %arg13[%multiple_of3A, %dma_wait3A_445] : memref<10240x16xf32, #tpu.memory_space<vmem_shared>> -> memref<640x16xf32, #tpu.memory_space<vmem_shared>>
      tpu.wait_dma2 semaphore(%run_scoped3A_438 : memref<!tpu.dma_semaphore, #tpu.memory_space<semaphore_mem>>) src(%dma_wait3A_446 : memref<640x16xf32, #tpu.memory_space<vmem_shared>>) dst(%arg12 : memref<640x16xf32, #tpu.memory_space<vmem>>)
      tpu.yield
    }) : () -> ()
    %iota3A = tpu.iota {dimensions = array<i32: 0>} : vector<16xi32>
    %broadcast_in_dim3A = arith.constant 1597463007 : i32
    %broadcast_in_dim3A_199 = vector.broadcast %broadcast_in_dim3A : i32 to vector<16xi32>
    %scan3A_200 = arith.constant 0 : i32
    %scan3A_201 = arith.constant 0 : i32
    %scan3A_202 = arith.constant 640 : i32
    %scan3A_203 = arith.addi %scan3A_201, %scan3A_202 : i32
    %scan3A_204 = arith.constant 1 : i32
    scf.for %scan3A_438 = %scan3A_201 to %scan3A_203 step %scan3A_204  : i32 {
      %get3A = arith.index_cast %scan3A_438 : i32 to index
      %get3A_439 = arith.constant 0 : index
      %get3A_440 = tpu.vector_load %arg12[%get3A, %get3A_439] {strides = array<i32>} : memref<640x16xf32, #tpu.memory_space<vmem>>, vector<16xf32>,
      %add3A_441 = arith.constant 1.000000e+00 : f32
      %add3A_442 = vector.broadcast %add3A_441 : f32 to vector<16xf32>
      %add3A_443 = arith.addf %get3A_440, %add3A_442 : vector<16xf32>
      %bitcast3A = vector.bitcast %add3A_443 : vector<16xf32> to vector<16xi32>
      %shift_right_logical3A = arith.constant 1 : i32
      %shift_right_logical3A_444 = vector.broadcast %shift_right_logical3A : i32 to vector<16xi32>
      %shift_right_logical3A_445 = arith.shrui %bitcast3A, %shift_right_logical3A_444 : vector<16xi32>
      %sub3A = arith.subi %broadcast_in_dim3A_199, %shift_right_logical3A_445 : vector<16xi32>
      %bitcast3A_446 = vector.bitcast %sub3A : vector<16xi32> to vector<16xf32>
      %mul3A_447 = arith.constant 5.000000e-01 : f32
      %mul3A_448 = vector.broadcast %mul3A_447 : f32 to vector<16xf32>
      %mul3A_449 = arith.mulf %mul3A_448, %add3A_443 : vector<16xf32>
      %mul3A_450 = arith.mulf %mul3A_449, %bitcast3A_446 : vector<16xf32>
      %mul3A_451 = arith.mulf %mul3A_450, %bitcast3A_446 : vector<16xf32>
      %sub3A_452 = arith.constant 1.500000e+00 : f32
      %sub3A_453 = vector.broadcast %sub3A_452 : f32 to vector<16xf32>
      %sub3A_454 = arith.subf %sub3A_453, %mul3A_451 : vector<16xf32>
      %mul3A_455 = arith.mulf %bitcast3A_446, %sub3A_454 : vector<16xf32>
      %mul3A_456 = arith.constant 5.000000e-01 : f32
      %mul3A_457 = vector.broadcast %mul3A_456 : f32 to vector<16xf32>
      %mul3A_458 = arith.mulf %mul3A_457, %add3A_443 : vector<16xf32>
      %mul3A_459 = arith.mulf %mul3A_458, %mul3A_455 : vector<16xf32>
      %mul3A_460 = arith.mulf %mul3A_459, %mul3A_455 : vector<16xf32>
      %sub3A_461 = arith.constant 1.500000e+00 : f32
      %sub3A_462 = vector.broadcast %sub3A_461 : f32 to vector<16xf32>
      %sub3A_463 = arith.subf %sub3A_462, %mul3A_460 : vector<16xf32>
      %mul3A_464 = arith.mulf %mul3A_455, %sub3A_463 : vector<16xf32>
      %mul3A_465 = arith.constant 5.000000e-01 : f32
      %mul3A_466 = vector.broadcast %mul3A_465 : f32 to vector<16xf32>
      %mul3A_467 = arith.mulf %mul3A_466, %add3A_443 : vector<16xf32>
      %mul3A_468 = arith.mulf %mul3A_467, %mul3A_464 : vector<16xf32>
      %mul3A_469 = arith.mulf %mul3A_468, %mul3A_464 : vector<16xf32>
      %sub3A_470 = arith.constant 1.500000e+00 : f32
      %sub3A_471 = vector.broadcast %sub3A_470 : f32 to vector<16xf32>
      %sub3A_472 = arith.subf %sub3A_471, %mul3A_469 : vector<16xf32>
      %mul3A_473 = arith.mulf %mul3A_464, %sub3A_472 : vector<16xf32>
      %add3A_474 = arith.addi %multiple_of3A, %scan3A_438 : i32
      %lt3A = arith.constant 10000 : i32
      %lt3A_475 = arith.cmpi slt, %add3A_474, %lt3A : i32
      %jit3A = arith.constant 0.000000e+00 : f32
      %broadcast_in_dim3A_476 = vector.broadcast %jit3A : f32 to vector<16xf32>
      %select_n3A = arith.select %lt3A_475, %mul3A_473, %broadcast_in_dim3A_476 : vector<16xf32>
      %eq3A_477 = arith.constant 4 : i32
      %eq3A_478 = vector.broadcast %eq3A_477 : i32 to vector<16xi32>
      %eq3A_479 = arith.cmpi eq, %iota3A, %eq3A_478 : vector<16xi32>
      %get3A_480 = arith.index_cast %scan3A_438 : i32 to index
      %get3A_481 = arith.constant 0 : index
      %get3A_482 = tpu.vector_load %arg11[%get3A_480, %get3A_481] {strides = array<i32>} : memref<640x16xf32, #tpu.memory_space<vmem>>, vector<16xf32>,
      %mul3A_483 = arith.mulf %get3A_482, %select_n3A : vector<16xf32>
      %select_n3A_484 = arith.select %eq3A_479, %select_n3A, %mul3A_483 : vector<16xi1>, vector<16xf32>
      %swap3A = arith.index_cast %scan3A_438 : i32 to index
      %swap3A_485 = arith.constant 0 : index
      %swap3A_486 = tpu.vector_load %arg11[%swap3A, %swap3A_485] {strides = array<i32>} : memref<640x16xf32, #tpu.memory_space<vmem>>, vector<16xf32>,
      tpu.vector_store %arg11[%swap3A, %swap3A_485], %select_n3A_484 {strides = array<i32>} : memref<640x16xf32, #tpu.memory_space<vmem>>, vector<16xf32>,
    }
    %scan3A_205 = arith.constant 640 : i32
    "tpu.region"() ({
      %run_scoped3A_438 = tpu.sem_alloc : memref<!tpu.dma_semaphore, #tpu.memory_space<semaphore_mem>>
      %dma_start3A_439 = arith.constant 0 : i32
      %dma_start3A_440 = tpu.memref_slice %arg14[%multiple_of3A, %dma_start3A_439] : memref<10240x16xf32, #tpu.memory_space<vmem_shared>> -> memref<640x16xf32, #tpu.memory_space<vmem_shared>>
      %dma_start3A_441 = arith.constant 0 : i32
      %dma_start3A_442 = tpu.memref_slice %arg14[%multiple_of3A, %dma_start3A_441] : memref<10240x16xf32, #tpu.memory_space<vmem_shared>> -> memref<640x16xf32, #tpu.memory_space<vmem_shared>>
      tpu.enqueue_dma source(%arg11 : memref<640x16xf32, #tpu.memory_space<vmem>>) target(%dma_start3A_442 : memref<640x16xf32, #tpu.memory_space<vmem_shared>>) target_semaphore(%run_scoped3A_438 : memref<!tpu.dma_semaphore, #tpu.memory_space<semaphore_mem>>)
      %dma_wait3A_443 = arith.constant 0 : i32
      %dma_wait3A_444 = tpu.memref_slice %arg14[%multiple_of3A, %dma_wait3A_443] : memref<10240x16xf32, #tpu.memory_space<vmem_shared>> -> memref<640x16xf32, #tpu.memory_space<vmem_shared>>
      %dma_wait3A_445 = arith.constant 0 : i32
      %dma_wait3A_446 = tpu.memref_slice %arg14[%multiple_of3A, %dma_wait3A_445] : memref<10240x16xf32, #tpu.memory_space<vmem_shared>> -> memref<640x16xf32, #tpu.memory_space<vmem_shared>>
      tpu.wait_dma2 semaphore(%run_scoped3A_438 : memref<!tpu.dma_semaphore, #tpu.memory_space<semaphore_mem>>) src(%arg11 : memref<640x16xf32, #tpu.memory_space<vmem>>) dst(%dma_wait3A_446 : memref<640x16xf32, #tpu.memory_space<vmem_shared>>)
      tpu.yield
    }) : () -> ()
    %eq3A = arith.constant 0 : i32
    %eq3A_206 = arith.cmpi eq, %arg0, %eq3A : i32
    %convert_element_type3A = arith.extui %eq3A_206 : i1 to i32
    %cond3A = arith.constant 0 : i32
    %cond3A_207 = arith.cmpi ne, %convert_element_type3A, %cond3A : i32
    scf.if %cond3A_207 {
      "tpu.region"() ({
        %run_scoped3A_438 = tpu.sem_alloc : memref<!tpu.dma_semaphore, #tpu.memory_space<semaphore_mem>>
        %dma_start3A_439 = arith.constant 0 : i32
        %dma_start3A_440 = tpu.memref_slice %arg5[%multiple_of3A, %dma_start3A_439] : memref<10240x16xf32, #tpu.memory_space<hbm>> -> memref<640x16xf32, #tpu.memory_space<hbm>>
        %dma_start3A_441 = arith.constant 0 : i32
        %dma_start3A_442 = tpu.memref_slice %arg5[%multiple_of3A, %dma_start3A_441] : memref<10240x16xf32, #tpu.memory_space<hbm>> -> memref<640x16xf32, #tpu.memory_space<hbm>>
        tpu.enqueue_dma source(%arg11 : memref<640x16xf32, #tpu.memory_space<vmem>>) target(%dma_start3A_442 : memref<640x16xf32, #tpu.memory_space<hbm>>) target_semaphore(%run_scoped3A_438 : memref<!tpu.dma_semaphore, #tpu.memory_space<semaphore_mem>>)
        %dma_wait3A_443 = arith.constant 0 : i32
        %dma_wait3A_444 = tpu.memref_slice %arg5[%multiple_of3A, %dma_wait3A_443] : memref<10240x16xf32, #tpu.memory_space<hbm>> -> memref<640x16xf32, #tpu.memory_space<hbm>>
        %dma_wait3A_445 = arith.constant 0 : i32
        %dma_wait3A_446 = tpu.memref_slice %arg5[%multiple_of3A, %dma_wait3A_445] : memref<10240x16xf32, #tpu.memory_space<hbm>> -> memref<640x16xf32, #tpu.memory_space<hbm>>
        tpu.wait_dma2 semaphore(%run_scoped3A_438 : memref<!tpu.dma_semaphore, #tpu.memory_space<semaphore_mem>>) src(%arg11 : memref<640x16xf32, #tpu.memory_space<vmem>>) dst(%dma_wait3A_446 : memref<640x16xf32, #tpu.memory_space<hbm>>)
        tpu.yield
      }) : () -> ()
    } else {
    }
    %barrier3A_208 = arith.constant 0 : index
    tpu.barrier barrier_id(%barrier3A_208)
    %rem3A = arith.constant 0 : i32
    %rem3A_209 = arith.constant 8 : i32
    %rem3A_210 = arith.remsi %rem3A, %rem3A_209 : i32
    %dma_start3A = arith.constant 0 : i32
    %dma_start3A_211 = arith.constant 0 : i32
    %dma_start3A_212 = arith.constant 0 : i32
    %dma_start3A_213 = tpu.memref_slice %arg10[%rem3A_210, %dma_start3A_211, %dma_start3A_212] : memref<8x128x16xf32, #tpu.memory_space<vmem>> -> memref<1x128x16xf32, #tpu.memory_space<vmem>>
    %dma_start3A_214 = tpu.memref_squeeze %dma_start3A_213 : memref<1x128x16xf32, #tpu.memory_space<vmem>> -> memref<128x16xf32, #tpu.memory_space<vmem>>
    %dma_start3A_215 = arith.constant 0 : i32
    %dma_start3A_216 = tpu.memref_slice %arg8[%dma_start3A, %dma_start3A_215] : memref<80x128xi32, #tpu.memory_space<vmem>> -> memref<1x128xi32, #tpu.memory_space<vmem>>
    %dma_start3A_217 = tpu.memref_squeeze %dma_start3A_216 : memref<1x128xi32, #tpu.memory_space<vmem>> -> memref<128xi32, #tpu.memory_space<vmem>>
    %dma_start3A_218 = arith.constant 0 : i32
    %dma_start3A_219 = arith.constant 0 : i32
    %dma_start3A_220 = tpu.memref_slice %arg14[%dma_start3A_218, %dma_start3A_219] : memref<10240x16xf32, #tpu.memory_space<vmem_shared>> -> memref<10240x16xf32, #tpu.memory_space<vmem_shared>>
    %dma_start3A_221 = tpu.memref_slice %arg17[%rem3A_210] : memref<8x!tpu.dma_semaphore, #tpu.memory_space<semaphore_mem>> -> memref<1x!tpu.dma_semaphore, #tpu.memory_space<semaphore_mem>>
    %dma_start3A_222 = tpu.memref_squeeze %dma_start3A_221 : memref<1x!tpu.dma_semaphore, #tpu.memory_space<semaphore_mem>> -> memref<!tpu.dma_semaphore, #tpu.memory_space<semaphore_mem>>
    tpu.enqueue_indirect_dma source(%dma_start3A_220 : memref<10240x16xf32, #tpu.memory_space<vmem_shared>>) target(%dma_start3A_214 : memref<128x16xf32, #tpu.memory_space<vmem>>) offsets(%dma_start3A_217 : memref<128xi32, #tpu.memory_space<vmem>>) semaphore(%dma_start3A_222 : memref<!tpu.dma_semaphore, #tpu.memory_space<semaphore_mem>>)
    %rem3A_223 = arith.constant 1 : i32
    %rem3A_224 = arith.constant 8 : i32
    %rem3A_225 = arith.remsi %rem3A_223, %rem3A_224 : i32
    %dma_start3A_226 = arith.constant 1 : i32
    %dma_start3A_227 = arith.constant 0 : i32
    %dma_start3A_228 = arith.constant 0 : i32
    %dma_start3A_229 = tpu.memref_slice %arg10[%rem3A_225, %dma_start3A_227, %dma_start3A_228] : memref<8x128x16xf32, #tpu.memory_space<vmem>> -> memref<1x128x16xf32, #tpu.memory_space<vmem>>
    %dma_start3A_230 = tpu.memref_squeeze %dma_start3A_229 : memref<1x128x16xf32, #tpu.memory_space<vmem>> -> memref<128x16xf32, #tpu.memory_space<vmem>>
    %dma_start3A_231 = arith.constant 0 : i32
    %dma_start3A_232 = tpu.memref_slice %arg8[%dma_start3A_226, %dma_start3A_231] : memref<80x128xi32, #tpu.memory_space<vmem>> -> memref<1x128xi32, #tpu.memory_space<vmem>>
    %dma_start3A_233 = tpu.memref_squeeze %dma_start3A_232 : memref<1x128xi32, #tpu.memory_space<vmem>> -> memref<128xi32, #tpu.memory_space<vmem>>
    %dma_start3A_234 = arith.constant 0 : i32
    %dma_start3A_235 = arith.constant 0 : i32
    %dma_start3A_236 = tpu.memref_slice %arg14[%dma_start3A_234, %dma_start3A_235] : memref<10240x16xf32, #tpu.memory_space<vmem_shared>> -> memref<10240x16xf32, #tpu.memory_space<vmem_shared>>
    %dma_start3A_237 = tpu.memref_slice %arg17[%rem3A_225] : memref<8x!tpu.dma_semaphore, #tpu.memory_space<semaphore_mem>> -> memref<1x!tpu.dma_semaphore, #tpu.memory_space<semaphore_mem>>
    %dma_start3A_238 = tpu.memref_squeeze %dma_start3A_237 : memref<1x!tpu.dma_semaphore, #tpu.memory_space<semaphore_mem>> -> memref<!tpu.dma_semaphore, #tpu.memory_space<semaphore_mem>>
    tpu.enqueue_indirect_dma source(%dma_start3A_236 : memref<10240x16xf32, #tpu.memory_space<vmem_shared>>) target(%dma_start3A_230 : memref<128x16xf32, #tpu.memory_space<vmem>>) offsets(%dma_start3A_233 : memref<128xi32, #tpu.memory_space<vmem>>) semaphore(%dma_start3A_238 : memref<!tpu.dma_semaphore, #tpu.memory_space<semaphore_mem>>)
    %rem3A_239 = arith.constant 2 : i32
    %rem3A_240 = arith.constant 8 : i32
    %rem3A_241 = arith.remsi %rem3A_239, %rem3A_240 : i32
    %dma_start3A_242 = arith.constant 2 : i32
    %dma_start3A_243 = arith.constant 0 : i32
    %dma_start3A_244 = arith.constant 0 : i32
    %dma_start3A_245 = tpu.memref_slice %arg10[%rem3A_241, %dma_start3A_243, %dma_start3A_244] : memref<8x128x16xf32, #tpu.memory_space<vmem>> -> memref<1x128x16xf32, #tpu.memory_space<vmem>>
    %dma_start3A_246 = tpu.memref_squeeze %dma_start3A_245 : memref<1x128x16xf32, #tpu.memory_space<vmem>> -> memref<128x16xf32, #tpu.memory_space<vmem>>
    %dma_start3A_247 = arith.constant 0 : i32
    %dma_start3A_248 = tpu.memref_slice %arg8[%dma_start3A_242, %dma_start3A_247] : memref<80x128xi32, #tpu.memory_space<vmem>> -> memref<1x128xi32, #tpu.memory_space<vmem>>
    %dma_start3A_249 = tpu.memref_squeeze %dma_start3A_248 : memref<1x128xi32, #tpu.memory_space<vmem>> -> memref<128xi32, #tpu.memory_space<vmem>>
    %dma_start3A_250 = arith.constant 0 : i32
    %dma_start3A_251 = arith.constant 0 : i32
    %dma_start3A_252 = tpu.memref_slice %arg14[%dma_start3A_250, %dma_start3A_251] : memref<10240x16xf32, #tpu.memory_space<vmem_shared>> -> memref<10240x16xf32, #tpu.memory_space<vmem_shared>>
    %dma_start3A_253 = tpu.memref_slice %arg17[%rem3A_241] : memref<8x!tpu.dma_semaphore, #tpu.memory_space<semaphore_mem>> -> memref<1x!tpu.dma_semaphore, #tpu.memory_space<semaphore_mem>>
    %dma_start3A_254 = tpu.memref_squeeze %dma_start3A_253 : memref<1x!tpu.dma_semaphore, #tpu.memory_space<semaphore_mem>> -> memref<!tpu.dma_semaphore, #tpu.memory_space<semaphore_mem>>
    tpu.enqueue_indirect_dma source(%dma_start3A_252 : memref<10240x16xf32, #tpu.memory_space<vmem_shared>>) target(%dma_start3A_246 : memref<128x16xf32, #tpu.memory_space<vmem>>) offsets(%dma_start3A_249 : memref<128xi32, #tpu.memory_space<vmem>>) semaphore(%dma_start3A_254 : memref<!tpu.dma_semaphore, #tpu.memory_space<semaphore_mem>>)
    %rem3A_255 = arith.constant 3 : i32
    %rem3A_256 = arith.constant 8 : i32
    %rem3A_257 = arith.remsi %rem3A_255, %rem3A_256 : i32
    %dma_start3A_258 = arith.constant 3 : i32
    %dma_start3A_259 = arith.constant 0 : i32
    %dma_start3A_260 = arith.constant 0 : i32
    %dma_start3A_261 = tpu.memref_slice %arg10[%rem3A_257, %dma_start3A_259, %dma_start3A_260] : memref<8x128x16xf32, #tpu.memory_space<vmem>> -> memref<1x128x16xf32, #tpu.memory_space<vmem>>
    %dma_start3A_262 = tpu.memref_squeeze %dma_start3A_261 : memref<1x128x16xf32, #tpu.memory_space<vmem>> -> memref<128x16xf32, #tpu.memory_space<vmem>>
    %dma_start3A_263 = arith.constant 0 : i32
    %dma_start3A_264 = tpu.memref_slice %arg8[%dma_start3A_258, %dma_start3A_263] : memref<80x128xi32, #tpu.memory_space<vmem>> -> memref<1x128xi32, #tpu.memory_space<vmem>>
    %dma_start3A_265 = tpu.memref_squeeze %dma_start3A_264 : memref<1x128xi32, #tpu.memory_space<vmem>> -> memref<128xi32, #tpu.memory_space<vmem>>
    %dma_start3A_266 = arith.constant 0 : i32
    %dma_start3A_267 = arith.constant 0 : i32
    %dma_start3A_268 = tpu.memref_slice %arg14[%dma_start3A_266, %dma_start3A_267] : memref<10240x16xf32, #tpu.memory_space<vmem_shared>> -> memref<10240x16xf32, #tpu.memory_space<vmem_shared>>
    %dma_start3A_269 = tpu.memref_slice %arg17[%rem3A_257] : memref<8x!tpu.dma_semaphore, #tpu.memory_space<semaphore_mem>> -> memref<1x!tpu.dma_semaphore, #tpu.memory_space<semaphore_mem>>
    %dma_start3A_270 = tpu.memref_squeeze %dma_start3A_269 : memref<1x!tpu.dma_semaphore, #tpu.memory_space<semaphore_mem>> -> memref<!tpu.dma_semaphore, #tpu.memory_space<semaphore_mem>>
    tpu.enqueue_indirect_dma source(%dma_start3A_268 : memref<10240x16xf32, #tpu.memory_space<vmem_shared>>) target(%dma_start3A_262 : memref<128x16xf32, #tpu.memory_space<vmem>>) offsets(%dma_start3A_265 : memref<128xi32, #tpu.memory_space<vmem>>) semaphore(%dma_start3A_270 : memref<!tpu.dma_semaphore, #tpu.memory_space<semaphore_mem>>)
    %rem3A_271 = arith.constant 4 : i32
    %rem3A_272 = arith.constant 8 : i32
    %rem3A_273 = arith.remsi %rem3A_271, %rem3A_272 : i32
    %dma_start3A_274 = arith.constant 4 : i32
    %dma_start3A_275 = arith.constant 0 : i32
    %dma_start3A_276 = arith.constant 0 : i32
    %dma_start3A_277 = tpu.memref_slice %arg10[%rem3A_273, %dma_start3A_275, %dma_start3A_276] : memref<8x128x16xf32, #tpu.memory_space<vmem>> -> memref<1x128x16xf32, #tpu.memory_space<vmem>>
    %dma_start3A_278 = tpu.memref_squeeze %dma_start3A_277 : memref<1x128x16xf32, #tpu.memory_space<vmem>> -> memref<128x16xf32, #tpu.memory_space<vmem>>
    %dma_start3A_279 = arith.constant 0 : i32
    %dma_start3A_280 = tpu.memref_slice %arg8[%dma_start3A_274, %dma_start3A_279] : memref<80x128xi32, #tpu.memory_space<vmem>> -> memref<1x128xi32, #tpu.memory_space<vmem>>
    %dma_start3A_281 = tpu.memref_squeeze %dma_start3A_280 : memref<1x128xi32, #tpu.memory_space<vmem>> -> memref<128xi32, #tpu.memory_space<vmem>>
    %dma_start3A_282 = arith.constant 0 : i32
    %dma_start3A_283 = arith.constant 0 : i32
    %dma_start3A_284 = tpu.memref_slice %arg14[%dma_start3A_282, %dma_start3A_283] : memref<10240x16xf32, #tpu.memory_space<vmem_shared>> -> memref<10240x16xf32, #tpu.memory_space<vmem_shared>>
    %dma_start3A_285 = tpu.memref_slice %arg17[%rem3A_273] : memref<8x!tpu.dma_semaphore, #tpu.memory_space<semaphore_mem>> -> memref<1x!tpu.dma_semaphore, #tpu.memory_space<semaphore_mem>>
    %dma_start3A_286 = tpu.memref_squeeze %dma_start3A_285 : memref<1x!tpu.dma_semaphore, #tpu.memory_space<semaphore_mem>> -> memref<!tpu.dma_semaphore, #tpu.memory_space<semaphore_mem>>
    tpu.enqueue_indirect_dma source(%dma_start3A_284 : memref<10240x16xf32, #tpu.memory_space<vmem_shared>>) target(%dma_start3A_278 : memref<128x16xf32, #tpu.memory_space<vmem>>) offsets(%dma_start3A_281 : memref<128xi32, #tpu.memory_space<vmem>>) semaphore(%dma_start3A_286 : memref<!tpu.dma_semaphore, #tpu.memory_space<semaphore_mem>>)
    %scan3A_287 = arith.constant 0 : i32
    %scan3A_288 = arith.constant 0 : i32
    %scan3A_289 = arith.constant 80 : i32
    %scan3A_290 = arith.addi %scan3A_288, %scan3A_289 : i32
    %scan3A_291 = arith.constant 1 : i32
    scf.for %scan3A_438 = %scan3A_288 to %scan3A_290 step %scan3A_291  : i32 {
      %rem3A_439 = arith.constant 8 : i32
      %rem3A_440 = arith.remsi %scan3A_438, %rem3A_439 : i32
      %dma_wait3A_441 = arith.constant 0 : i32
      %dma_wait3A_442 = arith.constant 0 : i32
      %dma_wait3A_443 = arith.constant 0 : i32
      %dma_wait3A_444 = tpu.memref_slice %arg10[%dma_wait3A_441, %dma_wait3A_442, %dma_wait3A_443] : memref<8x128x16xf32, #tpu.memory_space<vmem>> -> memref<1x128x16xf32, #tpu.memory_space<vmem>>
      %dma_wait3A_445 = tpu.memref_squeeze %dma_wait3A_444 : memref<1x128x16xf32, #tpu.memory_space<vmem>> -> memref<128x16xf32, #tpu.memory_space<vmem>>
      %dma_wait3A_446 = arith.constant 0 : i32
      %dma_wait3A_447 = arith.constant 0 : i32
      %dma_wait3A_448 = tpu.memref_slice %arg14[%dma_wait3A_446, %dma_wait3A_447] : memref<10240x16xf32, #tpu.memory_space<vmem_shared>> -> memref<128x16xf32, #tpu.memory_space<vmem_shared>>
      %dma_wait3A_449 = tpu.memref_slice %arg17[%rem3A_440] : memref<8x!tpu.dma_semaphore, #tpu.memory_space<semaphore_mem>> -> memref<1x!tpu.dma_semaphore, #tpu.memory_space<semaphore_mem>>
      %dma_wait3A_450 = tpu.memref_squeeze %dma_wait3A_449 : memref<1x!tpu.dma_semaphore, #tpu.memory_space<semaphore_mem>> -> memref<!tpu.dma_semaphore, #tpu.memory_space<semaphore_mem>>
      %dma_wait3A_451 = arith.constant 0 : i32
      %dma_wait3A_452 = arith.constant 0 : i32
      %dma_wait3A_453 = tpu.memref_slice %arg10[%dma_wait3A_441, %dma_wait3A_451, %dma_wait3A_452] : memref<8x128x16xf32, #tpu.memory_space<vmem>> -> memref<1x128x16xf32, #tpu.memory_space<vmem>>
      %dma_wait3A_454 = tpu.memref_squeeze %dma_wait3A_453 : memref<1x128x16xf32, #tpu.memory_space<vmem>> -> memref<128x16xf32, #tpu.memory_space<vmem>>
      %dma_wait3A_455 = arith.constant 0 : i32
      %dma_wait3A_456 = arith.constant 0 : i32
      %dma_wait3A_457 = tpu.memref_slice %arg14[%dma_wait3A_455, %dma_wait3A_456] : memref<10240x16xf32, #tpu.memory_space<vmem_shared>> -> memref<128x16xf32, #tpu.memory_space<vmem_shared>>
      tpu.wait_dma2 semaphore(%dma_wait3A_450 : memref<!tpu.dma_semaphore, #tpu.memory_space<semaphore_mem>>) src(%dma_wait3A_457 : memref<128x16xf32, #tpu.memory_space<vmem_shared>>) dst(%dma_wait3A_454 : memref<128x16xf32, #tpu.memory_space<vmem>>)
      %dma_start3A_458 = arith.constant 0 : i32
      %dma_start3A_459 = arith.constant 0 : i32
      %dma_start3A_460 = tpu.memref_slice %arg10[%rem3A_440, %dma_start3A_458, %dma_start3A_459] : memref<8x128x16xf32, #tpu.memory_space<vmem>> -> memref<1x128x16xf32, #tpu.memory_space<vmem>>
      %dma_start3A_461 = tpu.memref_squeeze %dma_start3A_460 : memref<1x128x16xf32, #tpu.memory_space<vmem>> -> memref<128x16xf32, #tpu.memory_space<vmem>>
      %dma_start3A_462 = arith.constant 0 : i32
      %dma_start3A_463 = tpu.memref_slice %arg9[%scan3A_438, %dma_start3A_462] : memref<80x128xi32, #tpu.memory_space<vmem>> -> memref<1x128xi32, #tpu.memory_space<vmem>>
      %dma_start3A_464 = tpu.memref_squeeze %dma_start3A_463 : memref<1x128xi32, #tpu.memory_space<vmem>> -> memref<128xi32, #tpu.memory_space<vmem>>
      %dma_start3A_465 = arith.constant 0 : i32
      %dma_start3A_466 = arith.constant 0 : i32
      %dma_start3A_467 = tpu.memref_slice %arg15[%dma_start3A_465, %dma_start3A_466] : memref<10240x16xf32, #tpu.memory_space<vmem_shared>> -> memref<10240x16xf32, #tpu.memory_space<vmem_shared>>
      %dma_start3A_468 = tpu.memref_slice %arg16[%rem3A_440] : memref<8x!tpu.dma_semaphore, #tpu.memory_space<semaphore_mem>> -> memref<1x!tpu.dma_semaphore, #tpu.memory_space<semaphore_mem>>
      %dma_start3A_469 = tpu.memref_squeeze %dma_start3A_468 : memref<1x!tpu.dma_semaphore, #tpu.memory_space<semaphore_mem>> -> memref<!tpu.dma_semaphore, #tpu.memory_space<semaphore_mem>>
      tpu.enqueue_indirect_dma source(%dma_start3A_461 : memref<128x16xf32, #tpu.memory_space<vmem>>) target(%dma_start3A_467 : memref<10240x16xf32, #tpu.memory_space<vmem_shared>>) offsets(%dma_start3A_464 : memref<128xi32, #tpu.memory_space<vmem>>) semaphore(%dma_start3A_469 : memref<!tpu.dma_semaphore, #tpu.memory_space<semaphore_mem>>) {add = true}
      %add3A_470 = arith.constant 5 : i32
      %add3A_471 = arith.addi %scan3A_438, %add3A_470 : i32
      %lt3A = arith.constant 80 : i32
      %lt3A_472 = arith.cmpi slt, %add3A_471, %lt3A : i32
      %convert_element_type3A_473 = arith.extui %lt3A_472 : i1 to i32
      %cond3A_474 = arith.constant 0 : i32
      %cond3A_475 = arith.cmpi ne, %convert_element_type3A_473, %cond3A_474 : i32
      scf.if %cond3A_475 {
        %ge3A = arith.constant 8 : i32
        %ge3A_476 = arith.cmpi sge, %add3A_471, %ge3A : i32
        %convert_element_type3A_477 = arith.extui %ge3A_476 : i1 to i32
        %cond3A_478 = arith.constant 0 : i32
        %cond3A_479 = arith.cmpi ne, %convert_element_type3A_477, %cond3A_478 : i32
        scf.if %cond3A_479 {
          %rem3A_494 = arith.constant 8 : i32
          %rem3A_495 = arith.remsi %add3A_471, %rem3A_494 : i32
          %dma_wait3A_496 = arith.constant 0 : i32
          %dma_wait3A_497 = arith.constant 0 : i32
          %dma_wait3A_498 = arith.constant 0 : i32
          %dma_wait3A_499 = tpu.memref_slice %arg10[%dma_wait3A_496, %dma_wait3A_497, %dma_wait3A_498] : memref<8x128x16xf32, #tpu.memory_space<vmem>> -> memref<1x128x16xf32, #tpu.memory_space<vmem>>
          %dma_wait3A_500 = tpu.memref_squeeze %dma_wait3A_499 : memref<1x128x16xf32, #tpu.memory_space<vmem>> -> memref<128x16xf32, #tpu.memory_space<vmem>>
          %dma_wait3A_501 = arith.constant 0 : i32
          %dma_wait3A_502 = arith.constant 0 : i32
          %dma_wait3A_503 = tpu.memref_slice %arg15[%dma_wait3A_501, %dma_wait3A_502] : memref<10240x16xf32, #tpu.memory_space<vmem_shared>> -> memref<128x16xf32, #tpu.memory_space<vmem_shared>>
          %dma_wait3A_504 = tpu.memref_slice %arg16[%rem3A_495] : memref<8x!tpu.dma_semaphore, #tpu.memory_space<semaphore_mem>> -> memref<1x!tpu.dma_semaphore, #tpu.memory_space<semaphore_mem>>
          %dma_wait3A_505 = tpu.memref_squeeze %dma_wait3A_504 : memref<1x!tpu.dma_semaphore, #tpu.memory_space<semaphore_mem>> -> memref<!tpu.dma_semaphore, #tpu.memory_space<semaphore_mem>>
          %dma_wait3A_506 = arith.constant 0 : i32
          %dma_wait3A_507 = arith.constant 0 : i32
          %dma_wait3A_508 = tpu.memref_slice %arg15[%dma_wait3A_506, %dma_wait3A_507] : memref<10240x16xf32, #tpu.memory_space<vmem_shared>> -> memref<128x16xf32, #tpu.memory_space<vmem_shared>>
          %dma_wait3A_509 = arith.constant 0 : i32
          %dma_wait3A_510 = arith.constant 0 : i32
          %dma_wait3A_511 = tpu.memref_slice %arg10[%dma_wait3A_496, %dma_wait3A_509, %dma_wait3A_510] : memref<8x128x16xf32, #tpu.memory_space<vmem>> -> memref<1x128x16xf32, #tpu.memory_space<vmem>>
          %dma_wait3A_512 = tpu.memref_squeeze %dma_wait3A_511 : memref<1x128x16xf32, #tpu.memory_space<vmem>> -> memref<128x16xf32, #tpu.memory_space<vmem>>
          tpu.wait_dma2 semaphore(%dma_wait3A_505 : memref<!tpu.dma_semaphore, #tpu.memory_space<semaphore_mem>>) src(%dma_wait3A_512 : memref<128x16xf32, #tpu.memory_space<vmem>>) dst(%dma_wait3A_508 : memref<128x16xf32, #tpu.memory_space<vmem_shared>>)
        } else {
        }
        %rem3A_480 = arith.constant 8 : i32
        %rem3A_481 = arith.remsi %add3A_471, %rem3A_480 : i32
        %dma_start3A_482 = arith.constant 0 : i32
        %dma_start3A_483 = arith.constant 0 : i32
        %dma_start3A_484 = tpu.memref_slice %arg10[%rem3A_481, %dma_start3A_482, %dma_start3A_483] : memref<8x128x16xf32, #tpu.memory_space<vmem>> -> memref<1x128x16xf32, #tpu.memory_space<vmem>>
        %dma_start3A_485 = tpu.memref_squeeze %dma_start3A_484 : memref<1x128x16xf32, #tpu.memory_space<vmem>> -> memref<128x16xf32, #tpu.memory_space<vmem>>
        %dma_start3A_486 = arith.constant 0 : i32
        %dma_start3A_487 = tpu.memref_slice %arg8[%add3A_471, %dma_start3A_486] : memref<80x128xi32, #tpu.memory_space<vmem>> -> memref<1x128xi32, #tpu.memory_space<vmem>>
        %dma_start3A_488 = tpu.memref_squeeze %dma_start3A_487 : memref<1x128xi32, #tpu.memory_space<vmem>> -> memref<128xi32, #tpu.memory_space<vmem>>
        %dma_start3A_489 = arith.constant 0 : i32
        %dma_start3A_490 = arith.constant 0 : i32
        %dma_start3A_491 = tpu.memref_slice %arg14[%dma_start3A_489, %dma_start3A_490] : memref<10240x16xf32, #tpu.memory_space<vmem_shared>> -> memref<10240x16xf32, #tpu.memory_space<vmem_shared>>
        %dma_start3A_492 = tpu.memref_slice %arg17[%rem3A_481] : memref<8x!tpu.dma_semaphore, #tpu.memory_space<semaphore_mem>> -> memref<1x!tpu.dma_semaphore, #tpu.memory_space<semaphore_mem>>
        %dma_start3A_493 = tpu.memref_squeeze %dma_start3A_492 : memref<1x!tpu.dma_semaphore, #tpu.memory_space<semaphore_mem>> -> memref<!tpu.dma_semaphore, #tpu.memory_space<semaphore_mem>>
        tpu.enqueue_indirect_dma source(%dma_start3A_491 : memref<10240x16xf32, #tpu.memory_space<vmem_shared>>) target(%dma_start3A_485 : memref<128x16xf32, #tpu.memory_space<vmem>>) offsets(%dma_start3A_488 : memref<128xi32, #tpu.memory_space<vmem>>) semaphore(%dma_start3A_493 : memref<!tpu.dma_semaphore, #tpu.memory_space<semaphore_mem>>)
      } else {
      }
    }
    %scan3A_292 = arith.constant 80 : i32
    %dma_wait3A_293 = arith.constant 0 : i32
    %dma_wait3A_294 = arith.constant 0 : i32
    %dma_wait3A_295 = arith.constant 0 : i32
    %dma_wait3A_296 = arith.constant 0 : i32
    %dma_wait3A_297 = tpu.memref_slice %arg10[%dma_wait3A_293, %dma_wait3A_295, %dma_wait3A_296] : memref<8x128x16xf32, #tpu.memory_space<vmem>> -> memref<1x128x16xf32, #tpu.memory_space<vmem>>
    %dma_wait3A_298 = tpu.memref_squeeze %dma_wait3A_297 : memref<1x128x16xf32, #tpu.memory_space<vmem>> -> memref<128x16xf32, #tpu.memory_space<vmem>>
    %dma_wait3A_299 = arith.constant 0 : i32
    %dma_wait3A_300 = arith.constant 0 : i32
    %dma_wait3A_301 = tpu.memref_slice %arg15[%dma_wait3A_299, %dma_wait3A_300] : memref<10240x16xf32, #tpu.memory_space<vmem_shared>> -> memref<128x16xf32, #tpu.memory_space<vmem_shared>>
    %dma_wait3A_302 = tpu.memref_slice %arg16[%dma_wait3A_294] : memref<8x!tpu.dma_semaphore, #tpu.memory_space<semaphore_mem>> -> memref<1x!tpu.dma_semaphore, #tpu.memory_space<semaphore_mem>>
    %dma_wait3A_303 = tpu.memref_squeeze %dma_wait3A_302 : memref<1x!tpu.dma_semaphore, #tpu.memory_space<semaphore_mem>> -> memref<!tpu.dma_semaphore, #tpu.memory_space<semaphore_mem>>
    %dma_wait3A_304 = arith.constant 0 : i32
    %dma_wait3A_305 = arith.constant 0 : i32
    %dma_wait3A_306 = tpu.memref_slice %arg15[%dma_wait3A_304, %dma_wait3A_305] : memref<10240x16xf32, #tpu.memory_space<vmem_shared>> -> memref<128x16xf32, #tpu.memory_space<vmem_shared>>
    %dma_wait3A_307 = arith.constant 0 : i32
    %dma_wait3A_308 = arith.constant 0 : i32
    %dma_wait3A_309 = tpu.memref_slice %arg10[%dma_wait3A_293, %dma_wait3A_307, %dma_wait3A_308] : memref<8x128x16xf32, #tpu.memory_space<vmem>> -> memref<1x128x16xf32, #tpu.memory_space<vmem>>
    %dma_wait3A_310 = tpu.memref_squeeze %dma_wait3A_309 : memref<1x128x16xf32, #tpu.memory_space<vmem>> -> memref<128x16xf32, #tpu.memory_space<vmem>>
    tpu.wait_dma2 semaphore(%dma_wait3A_303 : memref<!tpu.dma_semaphore, #tpu.memory_space<semaphore_mem>>) src(%dma_wait3A_310 : memref<128x16xf32, #tpu.memory_space<vmem>>) dst(%dma_wait3A_306 : memref<128x16xf32, #tpu.memory_space<vmem_shared>>)
    %dma_wait3A_311 = arith.constant 0 : i32
    %dma_wait3A_312 = arith.constant 1 : i32
    %dma_wait3A_313 = arith.constant 0 : i32
    %dma_wait3A_314 = arith.constant 0 : i32
    %dma_wait3A_315 = tpu.memref_slice %arg10[%dma_wait3A_311, %dma_wait3A_313, %dma_wait3A_314] : memref<8x128x16xf32, #tpu.memory_space<vmem>> -> memref<1x128x16xf32, #tpu.memory_space<vmem>>
    %dma_wait3A_316 = tpu.memref_squeeze %dma_wait3A_315 : memref<1x128x16xf32, #tpu.memory_space<vmem>> -> memref<128x16xf32, #tpu.memory_space<vmem>>
    %dma_wait3A_317 = arith.constant 0 : i32
    %dma_wait3A_318 = arith.constant 0 : i32
    %dma_wait3A_319 = tpu.memref_slice %arg15[%dma_wait3A_317, %dma_wait3A_318] : memref<10240x16xf32, #tpu.memory_space<vmem_shared>> -> memref<128x16xf32, #tpu.memory_space<vmem_shared>>
    %dma_wait3A_320 = tpu.memref_slice %arg16[%dma_wait3A_312] : memref<8x!tpu.dma_semaphore, #tpu.memory_space<semaphore_mem>> -> memref<1x!tpu.dma_semaphore, #tpu.memory_space<semaphore_mem>>
    %dma_wait3A_321 = tpu.memref_squeeze %dma_wait3A_320 : memref<1x!tpu.dma_semaphore, #tpu.memory_space<semaphore_mem>> -> memref<!tpu.dma_semaphore, #tpu.memory_space<semaphore_mem>>
    %dma_wait3A_322 = arith.constant 0 : i32
    %dma_wait3A_323 = arith.constant 0 : i32
    %dma_wait3A_324 = tpu.memref_slice %arg15[%dma_wait3A_322, %dma_wait3A_323] : memref<10240x16xf32, #tpu.memory_space<vmem_shared>> -> memref<128x16xf32, #tpu.memory_space<vmem_shared>>
    %dma_wait3A_325 = arith.constant 0 : i32
    %dma_wait3A_326 = arith.constant 0 : i32
    %dma_wait3A_327 = tpu.memref_slice %arg10[%dma_wait3A_311, %dma_wait3A_325, %dma_wait3A_326] : memref<8x128x16xf32, #tpu.memory_space<vmem>> -> memref<1x128x16xf32, #tpu.memory_space<vmem>>
    %dma_wait3A_328 = tpu.memref_squeeze %dma_wait3A_327 : memref<1x128x16xf32, #tpu.memory_space<vmem>> -> memref<128x16xf32, #tpu.memory_space<vmem>>
    tpu.wait_dma2 semaphore(%dma_wait3A_321 : memref<!tpu.dma_semaphore, #tpu.memory_space<semaphore_mem>>) src(%dma_wait3A_328 : memref<128x16xf32, #tpu.memory_space<vmem>>) dst(%dma_wait3A_324 : memref<128x16xf32, #tpu.memory_space<vmem_shared>>)
    %dma_wait3A_329 = arith.constant 0 : i32
    %dma_wait3A_330 = arith.constant 2 : i32
    %dma_wait3A_331 = arith.constant 0 : i32
    %dma_wait3A_332 = arith.constant 0 : i32
    %dma_wait3A_333 = tpu.memref_slice %arg10[%dma_wait3A_329, %dma_wait3A_331, %dma_wait3A_332] : memref<8x128x16xf32, #tpu.memory_space<vmem>> -> memref<1x128x16xf32, #tpu.memory_space<vmem>>
    %dma_wait3A_334 = tpu.memref_squeeze %dma_wait3A_333 : memref<1x128x16xf32, #tpu.memory_space<vmem>> -> memref<128x16xf32, #tpu.memory_space<vmem>>
    %dma_wait3A_335 = arith.constant 0 : i32
    %dma_wait3A_336 = arith.constant 0 : i32
    %dma_wait3A_337 = tpu.memref_slice %arg15[%dma_wait3A_335, %dma_wait3A_336] : memref<10240x16xf32, #tpu.memory_space<vmem_shared>> -> memref<128x16xf32, #tpu.memory_space<vmem_shared>>
    %dma_wait3A_338 = tpu.memref_slice %arg16[%dma_wait3A_330] : memref<8x!tpu.dma_semaphore, #tpu.memory_space<semaphore_mem>> -> memref<1x!tpu.dma_semaphore, #tpu.memory_space<semaphore_mem>>
    %dma_wait3A_339 = tpu.memref_squeeze %dma_wait3A_338 : memref<1x!tpu.dma_semaphore, #tpu.memory_space<semaphore_mem>> -> memref<!tpu.dma_semaphore, #tpu.memory_space<semaphore_mem>>
    %dma_wait3A_340 = arith.constant 0 : i32
    %dma_wait3A_341 = arith.constant 0 : i32
    %dma_wait3A_342 = tpu.memref_slice %arg15[%dma_wait3A_340, %dma_wait3A_341] : memref<10240x16xf32, #tpu.memory_space<vmem_shared>> -> memref<128x16xf32, #tpu.memory_space<vmem_shared>>
    %dma_wait3A_343 = arith.constant 0 : i32
    %dma_wait3A_344 = arith.constant 0 : i32
    %dma_wait3A_345 = tpu.memref_slice %arg10[%dma_wait3A_329, %dma_wait3A_343, %dma_wait3A_344] : memref<8x128x16xf32, #tpu.memory_space<vmem>> -> memref<1x128x16xf32, #tpu.memory_space<vmem>>
    %dma_wait3A_346 = tpu.memref_squeeze %dma_wait3A_345 : memref<1x128x16xf32, #tpu.memory_space<vmem>> -> memref<128x16xf32, #tpu.memory_space<vmem>>
    tpu.wait_dma2 semaphore(%dma_wait3A_339 : memref<!tpu.dma_semaphore, #tpu.memory_space<semaphore_mem>>) src(%dma_wait3A_346 : memref<128x16xf32, #tpu.memory_space<vmem>>) dst(%dma_wait3A_342 : memref<128x16xf32, #tpu.memory_space<vmem_shared>>)
    %dma_wait3A_347 = arith.constant 0 : i32
    %dma_wait3A_348 = arith.constant 3 : i32
    %dma_wait3A_349 = arith.constant 0 : i32
    %dma_wait3A_350 = arith.constant 0 : i32
    %dma_wait3A_351 = tpu.memref_slice %arg10[%dma_wait3A_347, %dma_wait3A_349, %dma_wait3A_350] : memref<8x128x16xf32, #tpu.memory_space<vmem>> -> memref<1x128x16xf32, #tpu.memory_space<vmem>>
    %dma_wait3A_352 = tpu.memref_squeeze %dma_wait3A_351 : memref<1x128x16xf32, #tpu.memory_space<vmem>> -> memref<128x16xf32, #tpu.memory_space<vmem>>
    %dma_wait3A_353 = arith.constant 0 : i32
    %dma_wait3A_354 = arith.constant 0 : i32
    %dma_wait3A_355 = tpu.memref_slice %arg15[%dma_wait3A_353, %dma_wait3A_354] : memref<10240x16xf32, #tpu.memory_space<vmem_shared>> -> memref<128x16xf32, #tpu.memory_space<vmem_shared>>
    %dma_wait3A_356 = tpu.memref_slice %arg16[%dma_wait3A_348] : memref<8x!tpu.dma_semaphore, #tpu.memory_space<semaphore_mem>> -> memref<1x!tpu.dma_semaphore, #tpu.memory_space<semaphore_mem>>
    %dma_wait3A_357 = tpu.memref_squeeze %dma_wait3A_356 : memref<1x!tpu.dma_semaphore, #tpu.memory_space<semaphore_mem>> -> memref<!tpu.dma_semaphore, #tpu.memory_space<semaphore_mem>>
    %dma_wait3A_358 = arith.constant 0 : i32
    %dma_wait3A_359 = arith.constant 0 : i32
    %dma_wait3A_360 = tpu.memref_slice %arg15[%dma_wait3A_358, %dma_wait3A_359] : memref<10240x16xf32, #tpu.memory_space<vmem_shared>> -> memref<128x16xf32, #tpu.memory_space<vmem_shared>>
    %dma_wait3A_361 = arith.constant 0 : i32
    %dma_wait3A_362 = arith.constant 0 : i32
    %dma_wait3A_363 = tpu.memref_slice %arg10[%dma_wait3A_347, %dma_wait3A_361, %dma_wait3A_362] : memref<8x128x16xf32, #tpu.memory_space<vmem>> -> memref<1x128x16xf32, #tpu.memory_space<vmem>>
    %dma_wait3A_364 = tpu.memref_squeeze %dma_wait3A_363 : memref<1x128x16xf32, #tpu.memory_space<vmem>> -> memref<128x16xf32, #tpu.memory_space<vmem>>
    tpu.wait_dma2 semaphore(%dma_wait3A_357 : memref<!tpu.dma_semaphore, #tpu.memory_space<semaphore_mem>>) src(%dma_wait3A_364 : memref<128x16xf32, #tpu.memory_space<vmem>>) dst(%dma_wait3A_360 : memref<128x16xf32, #tpu.memory_space<vmem_shared>>)
    %dma_wait3A_365 = arith.constant 0 : i32
    %dma_wait3A_366 = arith.constant 4 : i32
    %dma_wait3A_367 = arith.constant 0 : i32
    %dma_wait3A_368 = arith.constant 0 : i32
    %dma_wait3A_369 = tpu.memref_slice %arg10[%dma_wait3A_365, %dma_wait3A_367, %dma_wait3A_368] : memref<8x128x16xf32, #tpu.memory_space<vmem>> -> memref<1x128x16xf32, #tpu.memory_space<vmem>>
    %dma_wait3A_370 = tpu.memref_squeeze %dma_wait3A_369 : memref<1x128x16xf32, #tpu.memory_space<vmem>> -> memref<128x16xf32, #tpu.memory_space<vmem>>
    %dma_wait3A_371 = arith.constant 0 : i32
    %dma_wait3A_372 = arith.constant 0 : i32
    %dma_wait3A_373 = tpu.memref_slice %arg15[%dma_wait3A_371, %dma_wait3A_372] : memref<10240x16xf32, #tpu.memory_space<vmem_shared>> -> memref<128x16xf32, #tpu.memory_space<vmem_shared>>
    %dma_wait3A_374 = tpu.memref_slice %arg16[%dma_wait3A_366] : memref<8x!tpu.dma_semaphore, #tpu.memory_space<semaphore_mem>> -> memref<1x!tpu.dma_semaphore, #tpu.memory_space<semaphore_mem>>
    %dma_wait3A_375 = tpu.memref_squeeze %dma_wait3A_374 : memref<1x!tpu.dma_semaphore, #tpu.memory_space<semaphore_mem>> -> memref<!tpu.dma_semaphore, #tpu.memory_space<semaphore_mem>>
    %dma_wait3A_376 = arith.constant 0 : i32
    %dma_wait3A_377 = arith.constant 0 : i32
    %dma_wait3A_378 = tpu.memref_slice %arg15[%dma_wait3A_376, %dma_wait3A_377] : memref<10240x16xf32, #tpu.memory_space<vmem_shared>> -> memref<128x16xf32, #tpu.memory_space<vmem_shared>>
    %dma_wait3A_379 = arith.constant 0 : i32
    %dma_wait3A_380 = arith.constant 0 : i32
    %dma_wait3A_381 = tpu.memref_slice %arg10[%dma_wait3A_365, %dma_wait3A_379, %dma_wait3A_380] : memref<8x128x16xf32, #tpu.memory_space<vmem>> -> memref<1x128x16xf32, #tpu.memory_space<vmem>>
    %dma_wait3A_382 = tpu.memref_squeeze %dma_wait3A_381 : memref<1x128x16xf32, #tpu.memory_space<vmem>> -> memref<128x16xf32, #tpu.memory_space<vmem>>
    tpu.wait_dma2 semaphore(%dma_wait3A_375 : memref<!tpu.dma_semaphore, #tpu.memory_space<semaphore_mem>>) src(%dma_wait3A_382 : memref<128x16xf32, #tpu.memory_space<vmem>>) dst(%dma_wait3A_378 : memref<128x16xf32, #tpu.memory_space<vmem_shared>>)
    %dma_wait3A_383 = arith.constant 0 : i32
    %dma_wait3A_384 = arith.constant 5 : i32
    %dma_wait3A_385 = arith.constant 0 : i32
    %dma_wait3A_386 = arith.constant 0 : i32
    %dma_wait3A_387 = tpu.memref_slice %arg10[%dma_wait3A_383, %dma_wait3A_385, %dma_wait3A_386] : memref<8x128x16xf32, #tpu.memory_space<vmem>> -> memref<1x128x16xf32, #tpu.memory_space<vmem>>
    %dma_wait3A_388 = tpu.memref_squeeze %dma_wait3A_387 : memref<1x128x16xf32, #tpu.memory_space<vmem>> -> memref<128x16xf32, #tpu.memory_space<vmem>>
    %dma_wait3A_389 = arith.constant 0 : i32
    %dma_wait3A_390 = arith.constant 0 : i32
    %dma_wait3A_391 = tpu.memref_slice %arg15[%dma_wait3A_389, %dma_wait3A_390] : memref<10240x16xf32, #tpu.memory_space<vmem_shared>> -> memref<128x16xf32, #tpu.memory_space<vmem_shared>>
    %dma_wait3A_392 = tpu.memref_slice %arg16[%dma_wait3A_384] : memref<8x!tpu.dma_semaphore, #tpu.memory_space<semaphore_mem>> -> memref<1x!tpu.dma_semaphore, #tpu.memory_space<semaphore_mem>>
    %dma_wait3A_393 = tpu.memref_squeeze %dma_wait3A_392 : memref<1x!tpu.dma_semaphore, #tpu.memory_space<semaphore_mem>> -> memref<!tpu.dma_semaphore, #tpu.memory_space<semaphore_mem>>
    %dma_wait3A_394 = arith.constant 0 : i32
    %dma_wait3A_395 = arith.constant 0 : i32
    %dma_wait3A_396 = tpu.memref_slice %arg15[%dma_wait3A_394, %dma_wait3A_395] : memref<10240x16xf32, #tpu.memory_space<vmem_shared>> -> memref<128x16xf32, #tpu.memory_space<vmem_shared>>
    %dma_wait3A_397 = arith.constant 0 : i32
    %dma_wait3A_398 = arith.constant 0 : i32
    %dma_wait3A_399 = tpu.memref_slice %arg10[%dma_wait3A_383, %dma_wait3A_397, %dma_wait3A_398] : memref<8x128x16xf32, #tpu.memory_space<vmem>> -> memref<1x128x16xf32, #tpu.memory_space<vmem>>
    %dma_wait3A_400 = tpu.memref_squeeze %dma_wait3A_399 : memref<1x128x16xf32, #tpu.memory_space<vmem>> -> memref<128x16xf32, #tpu.memory_space<vmem>>
    tpu.wait_dma2 semaphore(%dma_wait3A_393 : memref<!tpu.dma_semaphore, #tpu.memory_space<semaphore_mem>>) src(%dma_wait3A_400 : memref<128x16xf32, #tpu.memory_space<vmem>>) dst(%dma_wait3A_396 : memref<128x16xf32, #tpu.memory_space<vmem_shared>>)
    %dma_wait3A_401 = arith.constant 0 : i32
    %dma_wait3A_402 = arith.constant 6 : i32
    %dma_wait3A_403 = arith.constant 0 : i32
    %dma_wait3A_404 = arith.constant 0 : i32
    %dma_wait3A_405 = tpu.memref_slice %arg10[%dma_wait3A_401, %dma_wait3A_403, %dma_wait3A_404] : memref<8x128x16xf32, #tpu.memory_space<vmem>> -> memref<1x128x16xf32, #tpu.memory_space<vmem>>
    %dma_wait3A_406 = tpu.memref_squeeze %dma_wait3A_405 : memref<1x128x16xf32, #tpu.memory_space<vmem>> -> memref<128x16xf32, #tpu.memory_space<vmem>>
    %dma_wait3A_407 = arith.constant 0 : i32
    %dma_wait3A_408 = arith.constant 0 : i32
    %dma_wait3A_409 = tpu.memref_slice %arg15[%dma_wait3A_407, %dma_wait3A_408] : memref<10240x16xf32, #tpu.memory_space<vmem_shared>> -> memref<128x16xf32, #tpu.memory_space<vmem_shared>>
    %dma_wait3A_410 = tpu.memref_slice %arg16[%dma_wait3A_402] : memref<8x!tpu.dma_semaphore, #tpu.memory_space<semaphore_mem>> -> memref<1x!tpu.dma_semaphore, #tpu.memory_space<semaphore_mem>>
    %dma_wait3A_411 = tpu.memref_squeeze %dma_wait3A_410 : memref<1x!tpu.dma_semaphore, #tpu.memory_space<semaphore_mem>> -> memref<!tpu.dma_semaphore, #tpu.memory_space<semaphore_mem>>
    %dma_wait3A_412 = arith.constant 0 : i32
    %dma_wait3A_413 = arith.constant 0 : i32
    %dma_wait3A_414 = tpu.memref_slice %arg15[%dma_wait3A_412, %dma_wait3A_413] : memref<10240x16xf32, #tpu.memory_space<vmem_shared>> -> memref<128x16xf32, #tpu.memory_space<vmem_shared>>
    %dma_wait3A_415 = arith.constant 0 : i32
    %dma_wait3A_416 = arith.constant 0 : i32
    %dma_wait3A_417 = tpu.memref_slice %arg10[%dma_wait3A_401, %dma_wait3A_415, %dma_wait3A_416] : memref<8x128x16xf32, #tpu.memory_space<vmem>> -> memref<1x128x16xf32, #tpu.memory_space<vmem>>
    %dma_wait3A_418 = tpu.memref_squeeze %dma_wait3A_417 : memref<1x128x16xf32, #tpu.memory_space<vmem>> -> memref<128x16xf32, #tpu.memory_space<vmem>>
    tpu.wait_dma2 semaphore(%dma_wait3A_411 : memref<!tpu.dma_semaphore, #tpu.memory_space<semaphore_mem>>) src(%dma_wait3A_418 : memref<128x16xf32, #tpu.memory_space<vmem>>) dst(%dma_wait3A_414 : memref<128x16xf32, #tpu.memory_space<vmem_shared>>)
    %dma_wait3A_419 = arith.constant 0 : i32
    %dma_wait3A_420 = arith.constant 7 : i32
    %dma_wait3A_421 = arith.constant 0 : i32
    %dma_wait3A_422 = arith.constant 0 : i32
    %dma_wait3A_423 = tpu.memref_slice %arg10[%dma_wait3A_419, %dma_wait3A_421, %dma_wait3A_422] : memref<8x128x16xf32, #tpu.memory_space<vmem>> -> memref<1x128x16xf32, #tpu.memory_space<vmem>>
    %dma_wait3A_424 = tpu.memref_squeeze %dma_wait3A_423 : memref<1x128x16xf32, #tpu.memory_space<vmem>> -> memref<128x16xf32, #tpu.memory_space<vmem>>
    %dma_wait3A_425 = arith.constant 0 : i32
    %dma_wait3A_426 = arith.constant 0 : i32
    %dma_wait3A_427 = tpu.memref_slice %arg15[%dma_wait3A_425, %dma_wait3A_426] : memref<10240x16xf32, #tpu.memory_space<vmem_shared>> -> memref<128x16xf32, #tpu.memory_space<vmem_shared>>
    %dma_wait3A_428 = tpu.memref_slice %arg16[%dma_wait3A_420] : memref<8x!tpu.dma_semaphore, #tpu.memory_space<semaphore_mem>> -> memref<1x!tpu.dma_semaphore, #tpu.memory_space<semaphore_mem>>
    %dma_wait3A_429 = tpu.memref_squeeze %dma_wait3A_428 : memref<1x!tpu.dma_semaphore, #tpu.memory_space<semaphore_mem>> -> memref<!tpu.dma_semaphore, #tpu.memory_space<semaphore_mem>>
    %dma_wait3A_430 = arith.constant 0 : i32
    %dma_wait3A_431 = arith.constant 0 : i32
    %dma_wait3A_432 = tpu.memref_slice %arg15[%dma_wait3A_430, %dma_wait3A_431] : memref<10240x16xf32, #tpu.memory_space<vmem_shared>> -> memref<128x16xf32, #tpu.memory_space<vmem_shared>>
    %dma_wait3A_433 = arith.constant 0 : i32
    %dma_wait3A_434 = arith.constant 0 : i32
    %dma_wait3A_435 = tpu.memref_slice %arg10[%dma_wait3A_419, %dma_wait3A_433, %dma_wait3A_434] : memref<8x128x16xf32, #tpu.memory_space<vmem>> -> memref<1x128x16xf32, #tpu.memory_space<vmem>>
    %dma_wait3A_436 = tpu.memref_squeeze %dma_wait3A_435 : memref<1x128x16xf32, #tpu.memory_space<vmem>> -> memref<128x16xf32, #tpu.memory_space<vmem>>
    tpu.wait_dma2 semaphore(%dma_wait3A_429 : memref<!tpu.dma_semaphore, #tpu.memory_space<semaphore_mem>>) src(%dma_wait3A_436 : memref<128x16xf32, #tpu.memory_space<vmem>>) dst(%dma_wait3A_432 : memref<128x16xf32, #tpu.memory_space<vmem_shared>>)
    %barrier3A_437 = arith.constant 0 : index
    tpu.barrier barrier_id(%barrier3A_437)
    "tpu.region"() ({
      %run_scoped3A_438 = tpu.sem_alloc : memref<!tpu.dma_semaphore, #tpu.memory_space<semaphore_mem>>
      %dma_start3A_439 = arith.constant 0 : i32
      %dma_start3A_440 = tpu.memref_slice %arg6[%arg0, %multiple_of3A, %dma_start3A_439] : memref<2x10240x16xf32, #tpu.memory_space<hbm>> -> memref<1x640x16xf32, #tpu.memory_space<hbm>>
      %dma_start3A_441 = tpu.memref_squeeze %dma_start3A_440 : memref<1x640x16xf32, #tpu.memory_space<hbm>> -> memref<640x16xf32, #tpu.memory_space<hbm>>
      %dma_start3A_442 = arith.constant 0 : i32
      %dma_start3A_443 = tpu.memref_slice %arg15[%multiple_of3A, %dma_start3A_442] : memref<10240x16xf32, #tpu.memory_space<vmem_shared>> -> memref<640x16xf32, #tpu.memory_space<vmem_shared>>
      tpu.enqueue_dma source(%dma_start3A_443 : memref<640x16xf32, #tpu.memory_space<vmem_shared>>) target(%dma_start3A_441 : memref<640x16xf32, #tpu.memory_space<hbm>>) target_semaphore(%run_scoped3A_438 : memref<!tpu.dma_semaphore, #tpu.memory_space<semaphore_mem>>)
      %dma_wait3A_444 = arith.constant 0 : i32
      %dma_wait3A_445 = tpu.memref_slice %arg6[%arg0, %multiple_of3A, %dma_wait3A_444] : memref<2x10240x16xf32, #tpu.memory_space<hbm>> -> memref<1x640x16xf32, #tpu.memory_space<hbm>>
      %dma_wait3A_446 = tpu.memref_squeeze %dma_wait3A_445 : memref<1x640x16xf32, #tpu.memory_space<hbm>> -> memref<640x16xf32, #tpu.memory_space<hbm>>
      %dma_wait3A_447 = arith.constant 0 : i32
      %dma_wait3A_448 = tpu.memref_slice %arg15[%multiple_of3A, %dma_wait3A_447] : memref<10240x16xf32, #tpu.memory_space<vmem_shared>> -> memref<640x16xf32, #tpu.memory_space<vmem_shared>>
      tpu.wait_dma2 semaphore(%run_scoped3A_438 : memref<!tpu.dma_semaphore, #tpu.memory_space<semaphore_mem>>) src(%dma_wait3A_448 : memref<640x16xf32, #tpu.memory_space<vmem_shared>>) dst(%dma_wait3A_446 : memref<640x16xf32, #tpu.memory_space<hbm>>)
      tpu.yield
    }) : () -> ()
    return
  }
}

#map = affine_map<(d0, d1) -> (0, 0)>
#map1 = affine_map<(d0, d1) -> (0, 0, 0)>
module attributes {stable_mosaic.version = 14 : i64} {
  func.func @body(%arg0: i32, %arg1: i32, %arg2: memref<10240x64xf32, #tpu.memory_space<hbm>>, %arg3: memref<10240x64xf32, #tpu.memory_space<hbm>>, %arg4: memref<32x80x128xi32, #tpu.memory_space<hbm>>, %arg5: memref<32x80x128xi32, #tpu.memory_space<hbm>>, %arg6: memref<2x10240x64xf32, #tpu.memory_space<hbm>>, %arg7: memref<2x10240x64xf32, #tpu.memory_space<hbm>>, %arg8: memref<80x128xi32, #tpu.memory_space<vmem>>, %arg9: memref<80x128xi32, #tpu.memory_space<vmem>>, %arg10: memref<3x128x64xf32, #tpu.memory_space<vmem>>, %arg11: memref<10240x64xf32, #tpu.memory_space<vmem_shared>>, %arg12: memref<10240x64xf32, #tpu.memory_space<vmem_shared>>, %arg13: memref<3x!tpu.dma_semaphore, #tpu.memory_space<semaphore_mem>>, %arg14: memref<3x!tpu.dma_semaphore, #tpu.memory_space<semaphore_mem>>) attributes {dimension_semantics = [#tpu.dimension_semantics<core_parallel>, #tpu.dimension_semantics<subcore_parallel>], iteration_bounds = array<i64: 2, 16>, scalar_prefetch = 0 : i64, scratch_operands = 7 : i64, tpu.core_type = #tpu.core_type<sc_vector_subcore>, window_params = [{transform_indices = #map}, {transform_indices = #map}, {transform_indices = #map1}, {transform_indices = #map1}, {transform_indices = #map1}, {transform_indices = #map1}]} {
    %mul3A = arith.constant 16 : i32
    %mul3A_0 = arith.muli %arg0, %mul3A : i32
    %add3A = arith.addi %mul3A_0, %arg1 : i32
    %mul3A_1 = arith.constant 640 : i32
    %mul3A_2 = arith.muli %arg1, %mul3A_1 : i32
    %multiple_of3A = tpu.assume_multiple %mul3A_2, 640 : i32
    "tpu.region"() ({
      %run_scoped3A_209 = tpu.sem_alloc : memref<!tpu.dma_semaphore, #tpu.memory_space<semaphore_mem>>
      %dma_start3A_210 = arith.constant 0 : i32
      %dma_start3A_211 = arith.constant 0 : i32
      %dma_start3A_212 = tpu.memref_slice %arg4[%add3A, %dma_start3A_210, %dma_start3A_211] : memref<32x80x128xi32, #tpu.memory_space<hbm>> -> memref<1x80x128xi32, #tpu.memory_space<hbm>>
      %dma_start3A_213 = tpu.memref_squeeze %dma_start3A_212 : memref<1x80x128xi32, #tpu.memory_space<hbm>> -> memref<80x128xi32, #tpu.memory_space<hbm>>
      %dma_start3A_214 = arith.constant 0 : i32
      %dma_start3A_215 = arith.constant 0 : i32
      %dma_start3A_216 = tpu.memref_slice %arg4[%add3A, %dma_start3A_214, %dma_start3A_215] : memref<32x80x128xi32, #tpu.memory_space<hbm>> -> memref<1x80x128xi32, #tpu.memory_space<hbm>>
      %dma_start3A_217 = tpu.memref_squeeze %dma_start3A_216 : memref<1x80x128xi32, #tpu.memory_space<hbm>> -> memref<80x128xi32, #tpu.memory_space<hbm>>
      tpu.enqueue_dma source(%dma_start3A_217 : memref<80x128xi32, #tpu.memory_space<hbm>>) target(%arg8 : memref<80x128xi32, #tpu.memory_space<vmem>>) target_semaphore(%run_scoped3A_209 : memref<!tpu.dma_semaphore, #tpu.memory_space<semaphore_mem>>)
      %dma_wait3A_218 = arith.constant 0 : i32
      %dma_wait3A_219 = arith.constant 0 : i32
      %dma_wait3A_220 = tpu.memref_slice %arg4[%add3A, %dma_wait3A_218, %dma_wait3A_219] : memref<32x80x128xi32, #tpu.memory_space<hbm>> -> memref<1x80x128xi32, #tpu.memory_space<hbm>>
      %dma_wait3A_221 = tpu.memref_squeeze %dma_wait3A_220 : memref<1x80x128xi32, #tpu.memory_space<hbm>> -> memref<80x128xi32, #tpu.memory_space<hbm>>
      %dma_wait3A_222 = arith.constant 0 : i32
      %dma_wait3A_223 = arith.constant 0 : i32
      %dma_wait3A_224 = tpu.memref_slice %arg4[%add3A, %dma_wait3A_222, %dma_wait3A_223] : memref<32x80x128xi32, #tpu.memory_space<hbm>> -> memref<1x80x128xi32, #tpu.memory_space<hbm>>
      %dma_wait3A_225 = tpu.memref_squeeze %dma_wait3A_224 : memref<1x80x128xi32, #tpu.memory_space<hbm>> -> memref<80x128xi32, #tpu.memory_space<hbm>>
      tpu.wait_dma2 semaphore(%run_scoped3A_209 : memref<!tpu.dma_semaphore, #tpu.memory_space<semaphore_mem>>) src(%dma_wait3A_225 : memref<80x128xi32, #tpu.memory_space<hbm>>) dst(%arg8 : memref<80x128xi32, #tpu.memory_space<vmem>>)
      tpu.yield
    }) : () -> ()
    "tpu.region"() ({
      %run_scoped3A_209 = tpu.sem_alloc : memref<!tpu.dma_semaphore, #tpu.memory_space<semaphore_mem>>
      %dma_start3A_210 = arith.constant 0 : i32
      %dma_start3A_211 = arith.constant 0 : i32
      %dma_start3A_212 = tpu.memref_slice %arg5[%add3A, %dma_start3A_210, %dma_start3A_211] : memref<32x80x128xi32, #tpu.memory_space<hbm>> -> memref<1x80x128xi32, #tpu.memory_space<hbm>>
      %dma_start3A_213 = tpu.memref_squeeze %dma_start3A_212 : memref<1x80x128xi32, #tpu.memory_space<hbm>> -> memref<80x128xi32, #tpu.memory_space<hbm>>
      %dma_start3A_214 = arith.constant 0 : i32
      %dma_start3A_215 = arith.constant 0 : i32
      %dma_start3A_216 = tpu.memref_slice %arg5[%add3A, %dma_start3A_214, %dma_start3A_215] : memref<32x80x128xi32, #tpu.memory_space<hbm>> -> memref<1x80x128xi32, #tpu.memory_space<hbm>>
      %dma_start3A_217 = tpu.memref_squeeze %dma_start3A_216 : memref<1x80x128xi32, #tpu.memory_space<hbm>> -> memref<80x128xi32, #tpu.memory_space<hbm>>
      tpu.enqueue_dma source(%dma_start3A_217 : memref<80x128xi32, #tpu.memory_space<hbm>>) target(%arg9 : memref<80x128xi32, #tpu.memory_space<vmem>>) target_semaphore(%run_scoped3A_209 : memref<!tpu.dma_semaphore, #tpu.memory_space<semaphore_mem>>)
      %dma_wait3A_218 = arith.constant 0 : i32
      %dma_wait3A_219 = arith.constant 0 : i32
      %dma_wait3A_220 = tpu.memref_slice %arg5[%add3A, %dma_wait3A_218, %dma_wait3A_219] : memref<32x80x128xi32, #tpu.memory_space<hbm>> -> memref<1x80x128xi32, #tpu.memory_space<hbm>>
      %dma_wait3A_221 = tpu.memref_squeeze %dma_wait3A_220 : memref<1x80x128xi32, #tpu.memory_space<hbm>> -> memref<80x128xi32, #tpu.memory_space<hbm>>
      %dma_wait3A_222 = arith.constant 0 : i32
      %dma_wait3A_223 = arith.constant 0 : i32
      %dma_wait3A_224 = tpu.memref_slice %arg5[%add3A, %dma_wait3A_222, %dma_wait3A_223] : memref<32x80x128xi32, #tpu.memory_space<hbm>> -> memref<1x80x128xi32, #tpu.memory_space<hbm>>
      %dma_wait3A_225 = tpu.memref_squeeze %dma_wait3A_224 : memref<1x80x128xi32, #tpu.memory_space<hbm>> -> memref<80x128xi32, #tpu.memory_space<hbm>>
      tpu.wait_dma2 semaphore(%run_scoped3A_209 : memref<!tpu.dma_semaphore, #tpu.memory_space<semaphore_mem>>) src(%dma_wait3A_225 : memref<80x128xi32, #tpu.memory_space<hbm>>) dst(%arg9 : memref<80x128xi32, #tpu.memory_space<vmem>>)
      tpu.yield
    }) : () -> ()
    %scan3A = arith.constant 0 : i32
    %scan3A_3 = arith.constant 0 : i32
    %scan3A_4 = arith.constant 128 : i32
    %scan3A_5 = arith.addi %scan3A_3, %scan3A_4 : i32
    %scan3A_6 = arith.constant 1 : i32
    scf.for %scan3A_209 = %scan3A_3 to %scan3A_5 step %scan3A_6  : i32 {
      %broadcast_in_dim3A = arith.constant 0.000000e+00 : f32
      %broadcast_in_dim3A_210 = vector.broadcast %broadcast_in_dim3A : f32 to vector<16xf32>
      %swap3A = arith.constant 0 : i32
      %swap3A_211 = arith.index_cast %swap3A : i32 to index
      %swap3A_212 = arith.index_cast %scan3A_209 : i32 to index
      %swap3A_213 = arith.constant 0 : index
      %swap3A_214 = tpu.vector_load %arg10[%swap3A_211, %swap3A_212, %swap3A_213] {strides = array<i32>} : memref<3x128x64xf32, #tpu.memory_space<vmem>>, vector<1x1x16xf32>,
      %swap3A_215 = vector.shape_cast %swap3A_214 : vector<1x1x16xf32> to vector<16xf32>
      %swap3A_216 = vector.shape_cast %broadcast_in_dim3A_210 : vector<16xf32> to vector<1x1x16xf32>
      tpu.vector_store %arg10[%swap3A_211, %swap3A_212, %swap3A_213], %swap3A_216 {strides = array<i32>} : memref<3x128x64xf32, #tpu.memory_space<vmem>>, vector<1x1x16xf32>,
      %broadcast_in_dim3A_217 = arith.constant 0.000000e+00 : f32
      %broadcast_in_dim3A_218 = vector.broadcast %broadcast_in_dim3A_217 : f32 to vector<16xf32>
      %swap3A_219 = arith.constant 0 : i32
      %swap3A_220 = arith.index_cast %swap3A_219 : i32 to index
      %swap3A_221 = arith.index_cast %scan3A_209 : i32 to index
      %swap3A_222 = arith.constant 16 : index
      %swap3A_223 = tpu.vector_load %arg10[%swap3A_220, %swap3A_221, %swap3A_222] {strides = array<i32>} : memref<3x128x64xf32, #tpu.memory_space<vmem>>, vector<1x1x16xf32>,
      %swap3A_224 = vector.shape_cast %swap3A_223 : vector<1x1x16xf32> to vector<16xf32>
      %swap3A_225 = vector.shape_cast %broadcast_in_dim3A_218 : vector<16xf32> to vector<1x1x16xf32>
      tpu.vector_store %arg10[%swap3A_220, %swap3A_221, %swap3A_222], %swap3A_225 {strides = array<i32>} : memref<3x128x64xf32, #tpu.memory_space<vmem>>, vector<1x1x16xf32>,
      %broadcast_in_dim3A_226 = arith.constant 0.000000e+00 : f32
      %broadcast_in_dim3A_227 = vector.broadcast %broadcast_in_dim3A_226 : f32 to vector<16xf32>
      %swap3A_228 = arith.constant 0 : i32
      %swap3A_229 = arith.index_cast %swap3A_228 : i32 to index
      %swap3A_230 = arith.index_cast %scan3A_209 : i32 to index
      %swap3A_231 = arith.constant 32 : index
      %swap3A_232 = tpu.vector_load %arg10[%swap3A_229, %swap3A_230, %swap3A_231] {strides = array<i32>} : memref<3x128x64xf32, #tpu.memory_space<vmem>>, vector<1x1x16xf32>,
      %swap3A_233 = vector.shape_cast %swap3A_232 : vector<1x1x16xf32> to vector<16xf32>
      %swap3A_234 = vector.shape_cast %broadcast_in_dim3A_227 : vector<16xf32> to vector<1x1x16xf32>
      tpu.vector_store %arg10[%swap3A_229, %swap3A_230, %swap3A_231], %swap3A_234 {strides = array<i32>} : memref<3x128x64xf32, #tpu.memory_space<vmem>>, vector<1x1x16xf32>,
      %broadcast_in_dim3A_235 = arith.constant 0.000000e+00 : f32
      %broadcast_in_dim3A_236 = vector.broadcast %broadcast_in_dim3A_235 : f32 to vector<16xf32>
      %swap3A_237 = arith.constant 0 : i32
      %swap3A_238 = arith.index_cast %swap3A_237 : i32 to index
      %swap3A_239 = arith.index_cast %scan3A_209 : i32 to index
      %swap3A_240 = arith.constant 48 : index
      %swap3A_241 = tpu.vector_load %arg10[%swap3A_238, %swap3A_239, %swap3A_240] {strides = array<i32>} : memref<3x128x64xf32, #tpu.memory_space<vmem>>, vector<1x1x16xf32>,
      %swap3A_242 = vector.shape_cast %swap3A_241 : vector<1x1x16xf32> to vector<16xf32>
      %swap3A_243 = vector.shape_cast %broadcast_in_dim3A_236 : vector<16xf32> to vector<1x1x16xf32>
      tpu.vector_store %arg10[%swap3A_238, %swap3A_239, %swap3A_240], %swap3A_243 {strides = array<i32>} : memref<3x128x64xf32, #tpu.memory_space<vmem>>, vector<1x1x16xf32>,
    }
    %scan3A_7 = arith.constant 128 : i32
    %add3A_8 = arith.constant 0 : i32
    %add3A_9 = arith.addi %multiple_of3A, %add3A_8 : i32
    %run_scoped3A = arith.constant 0 : i32
    "tpu.region"() ({
      %run_scoped3A_209 = tpu.sem_alloc : memref<!tpu.dma_semaphore, #tpu.memory_space<semaphore_mem>>
      %dma_start3A_210 = arith.constant 0 : i32
      %dma_start3A_211 = arith.constant 0 : i32
      %dma_start3A_212 = tpu.memref_slice %arg10[%run_scoped3A, %dma_start3A_210, %dma_start3A_211] : memref<3x128x64xf32, #tpu.memory_space<vmem>> -> memref<1x128x64xf32, #tpu.memory_space<vmem>>
      %dma_start3A_213 = tpu.memref_squeeze %dma_start3A_212 : memref<1x128x64xf32, #tpu.memory_space<vmem>> -> memref<128x64xf32, #tpu.memory_space<vmem>>
      %dma_start3A_214 = arith.constant 0 : i32
      %dma_start3A_215 = tpu.memref_slice %arg11[%add3A_9, %dma_start3A_214] : memref<10240x64xf32, #tpu.memory_space<vmem_shared>> -> memref<128x64xf32, #tpu.memory_space<vmem_shared>>
      %dma_start3A_216 = arith.constant 0 : i32
      %dma_start3A_217 = tpu.memref_slice %arg11[%add3A_9, %dma_start3A_216] : memref<10240x64xf32, #tpu.memory_space<vmem_shared>> -> memref<128x64xf32, #tpu.memory_space<vmem_shared>>
      %dma_start3A_218 = arith.constant 0 : i32
      %dma_start3A_219 = arith.constant 0 : i32
      %dma_start3A_220 = tpu.memref_slice %arg10[%run_scoped3A, %dma_start3A_218, %dma_start3A_219] : memref<3x128x64xf32, #tpu.memory_space<vmem>> -> memref<1x128x64xf32, #tpu.memory_space<vmem>>
      %dma_start3A_221 = tpu.memref_squeeze %dma_start3A_220 : memref<1x128x64xf32, #tpu.memory_space<vmem>> -> memref<128x64xf32, #tpu.memory_space<vmem>>
      tpu.enqueue_dma source(%dma_start3A_221 : memref<128x64xf32, #tpu.memory_space<vmem>>) target(%dma_start3A_217 : memref<128x64xf32, #tpu.memory_space<vmem_shared>>) target_semaphore(%run_scoped3A_209 : memref<!tpu.dma_semaphore, #tpu.memory_space<semaphore_mem>>)
      %dma_wait3A_222 = arith.constant 0 : i32
      %dma_wait3A_223 = arith.constant 0 : i32
      %dma_wait3A_224 = tpu.memref_slice %arg10[%run_scoped3A, %dma_wait3A_222, %dma_wait3A_223] : memref<3x128x64xf32, #tpu.memory_space<vmem>> -> memref<1x128x64xf32, #tpu.memory_space<vmem>>
      %dma_wait3A_225 = tpu.memref_squeeze %dma_wait3A_224 : memref<1x128x64xf32, #tpu.memory_space<vmem>> -> memref<128x64xf32, #tpu.memory_space<vmem>>
      %dma_wait3A_226 = arith.constant 0 : i32
      %dma_wait3A_227 = tpu.memref_slice %arg11[%add3A_9, %dma_wait3A_226] : memref<10240x64xf32, #tpu.memory_space<vmem_shared>> -> memref<128x64xf32, #tpu.memory_space<vmem_shared>>
      %dma_wait3A_228 = arith.constant 0 : i32
      %dma_wait3A_229 = tpu.memref_slice %arg11[%add3A_9, %dma_wait3A_228] : memref<10240x64xf32, #tpu.memory_space<vmem_shared>> -> memref<128x64xf32, #tpu.memory_space<vmem_shared>>
      %dma_wait3A_230 = arith.constant 0 : i32
      %dma_wait3A_231 = arith.constant 0 : i32
      %dma_wait3A_232 = tpu.memref_slice %arg10[%run_scoped3A, %dma_wait3A_230, %dma_wait3A_231] : memref<3x128x64xf32, #tpu.memory_space<vmem>> -> memref<1x128x64xf32, #tpu.memory_space<vmem>>
      %dma_wait3A_233 = tpu.memref_squeeze %dma_wait3A_232 : memref<1x128x64xf32, #tpu.memory_space<vmem>> -> memref<128x64xf32, #tpu.memory_space<vmem>>
      tpu.wait_dma2 semaphore(%run_scoped3A_209 : memref<!tpu.dma_semaphore, #tpu.memory_space<semaphore_mem>>) src(%dma_wait3A_233 : memref<128x64xf32, #tpu.memory_space<vmem>>) dst(%dma_wait3A_229 : memref<128x64xf32, #tpu.memory_space<vmem_shared>>)
      tpu.yield
    }) : () -> ()
    %add3A_10 = arith.constant 128 : i32
    %add3A_11 = arith.addi %multiple_of3A, %add3A_10 : i32
    %run_scoped3A_12 = arith.constant 0 : i32
    "tpu.region"() ({
      %run_scoped3A_209 = tpu.sem_alloc : memref<!tpu.dma_semaphore, #tpu.memory_space<semaphore_mem>>
      %dma_start3A_210 = arith.constant 0 : i32
      %dma_start3A_211 = arith.constant 0 : i32
      %dma_start3A_212 = tpu.memref_slice %arg10[%run_scoped3A_12, %dma_start3A_210, %dma_start3A_211] : memref<3x128x64xf32, #tpu.memory_space<vmem>> -> memref<1x128x64xf32, #tpu.memory_space<vmem>>
      %dma_start3A_213 = tpu.memref_squeeze %dma_start3A_212 : memref<1x128x64xf32, #tpu.memory_space<vmem>> -> memref<128x64xf32, #tpu.memory_space<vmem>>
      %dma_start3A_214 = arith.constant 0 : i32
      %dma_start3A_215 = tpu.memref_slice %arg11[%add3A_11, %dma_start3A_214] : memref<10240x64xf32, #tpu.memory_space<vmem_shared>> -> memref<128x64xf32, #tpu.memory_space<vmem_shared>>
      %dma_start3A_216 = arith.constant 0 : i32
      %dma_start3A_217 = tpu.memref_slice %arg11[%add3A_11, %dma_start3A_216] : memref<10240x64xf32, #tpu.memory_space<vmem_shared>> -> memref<128x64xf32, #tpu.memory_space<vmem_shared>>
      %dma_start3A_218 = arith.constant 0 : i32
      %dma_start3A_219 = arith.constant 0 : i32
      %dma_start3A_220 = tpu.memref_slice %arg10[%run_scoped3A_12, %dma_start3A_218, %dma_start3A_219] : memref<3x128x64xf32, #tpu.memory_space<vmem>> -> memref<1x128x64xf32, #tpu.memory_space<vmem>>
      %dma_start3A_221 = tpu.memref_squeeze %dma_start3A_220 : memref<1x128x64xf32, #tpu.memory_space<vmem>> -> memref<128x64xf32, #tpu.memory_space<vmem>>
      tpu.enqueue_dma source(%dma_start3A_221 : memref<128x64xf32, #tpu.memory_space<vmem>>) target(%dma_start3A_217 : memref<128x64xf32, #tpu.memory_space<vmem_shared>>) target_semaphore(%run_scoped3A_209 : memref<!tpu.dma_semaphore, #tpu.memory_space<semaphore_mem>>)
      %dma_wait3A_222 = arith.constant 0 : i32
      %dma_wait3A_223 = arith.constant 0 : i32
      %dma_wait3A_224 = tpu.memref_slice %arg10[%run_scoped3A_12, %dma_wait3A_222, %dma_wait3A_223] : memref<3x128x64xf32, #tpu.memory_space<vmem>> -> memref<1x128x64xf32, #tpu.memory_space<vmem>>
      %dma_wait3A_225 = tpu.memref_squeeze %dma_wait3A_224 : memref<1x128x64xf32, #tpu.memory_space<vmem>> -> memref<128x64xf32, #tpu.memory_space<vmem>>
      %dma_wait3A_226 = arith.constant 0 : i32
      %dma_wait3A_227 = tpu.memref_slice %arg11[%add3A_11, %dma_wait3A_226] : memref<10240x64xf32, #tpu.memory_space<vmem_shared>> -> memref<128x64xf32, #tpu.memory_space<vmem_shared>>
      %dma_wait3A_228 = arith.constant 0 : i32
      %dma_wait3A_229 = tpu.memref_slice %arg11[%add3A_11, %dma_wait3A_228] : memref<10240x64xf32, #tpu.memory_space<vmem_shared>> -> memref<128x64xf32, #tpu.memory_space<vmem_shared>>
      %dma_wait3A_230 = arith.constant 0 : i32
      %dma_wait3A_231 = arith.constant 0 : i32
      %dma_wait3A_232 = tpu.memref_slice %arg10[%run_scoped3A_12, %dma_wait3A_230, %dma_wait3A_231] : memref<3x128x64xf32, #tpu.memory_space<vmem>> -> memref<1x128x64xf32, #tpu.memory_space<vmem>>
      %dma_wait3A_233 = tpu.memref_squeeze %dma_wait3A_232 : memref<1x128x64xf32, #tpu.memory_space<vmem>> -> memref<128x64xf32, #tpu.memory_space<vmem>>
      tpu.wait_dma2 semaphore(%run_scoped3A_209 : memref<!tpu.dma_semaphore, #tpu.memory_space<semaphore_mem>>) src(%dma_wait3A_233 : memref<128x64xf32, #tpu.memory_space<vmem>>) dst(%dma_wait3A_229 : memref<128x64xf32, #tpu.memory_space<vmem_shared>>)
      tpu.yield
    }) : () -> ()
    %add3A_13 = arith.constant 256 : i32
    %add3A_14 = arith.addi %multiple_of3A, %add3A_13 : i32
    %run_scoped3A_15 = arith.constant 0 : i32
    "tpu.region"() ({
      %run_scoped3A_209 = tpu.sem_alloc : memref<!tpu.dma_semaphore, #tpu.memory_space<semaphore_mem>>
      %dma_start3A_210 = arith.constant 0 : i32
      %dma_start3A_211 = arith.constant 0 : i32
      %dma_start3A_212 = tpu.memref_slice %arg10[%run_scoped3A_15, %dma_start3A_210, %dma_start3A_211] : memref<3x128x64xf32, #tpu.memory_space<vmem>> -> memref<1x128x64xf32, #tpu.memory_space<vmem>>
      %dma_start3A_213 = tpu.memref_squeeze %dma_start3A_212 : memref<1x128x64xf32, #tpu.memory_space<vmem>> -> memref<128x64xf32, #tpu.memory_space<vmem>>
      %dma_start3A_214 = arith.constant 0 : i32
      %dma_start3A_215 = tpu.memref_slice %arg11[%add3A_14, %dma_start3A_214] : memref<10240x64xf32, #tpu.memory_space<vmem_shared>> -> memref<128x64xf32, #tpu.memory_space<vmem_shared>>
      %dma_start3A_216 = arith.constant 0 : i32
      %dma_start3A_217 = tpu.memref_slice %arg11[%add3A_14, %dma_start3A_216] : memref<10240x64xf32, #tpu.memory_space<vmem_shared>> -> memref<128x64xf32, #tpu.memory_space<vmem_shared>>
      %dma_start3A_218 = arith.constant 0 : i32
      %dma_start3A_219 = arith.constant 0 : i32
      %dma_start3A_220 = tpu.memref_slice %arg10[%run_scoped3A_15, %dma_start3A_218, %dma_start3A_219] : memref<3x128x64xf32, #tpu.memory_space<vmem>> -> memref<1x128x64xf32, #tpu.memory_space<vmem>>
      %dma_start3A_221 = tpu.memref_squeeze %dma_start3A_220 : memref<1x128x64xf32, #tpu.memory_space<vmem>> -> memref<128x64xf32, #tpu.memory_space<vmem>>
      tpu.enqueue_dma source(%dma_start3A_221 : memref<128x64xf32, #tpu.memory_space<vmem>>) target(%dma_start3A_217 : memref<128x64xf32, #tpu.memory_space<vmem_shared>>) target_semaphore(%run_scoped3A_209 : memref<!tpu.dma_semaphore, #tpu.memory_space<semaphore_mem>>)
      %dma_wait3A_222 = arith.constant 0 : i32
      %dma_wait3A_223 = arith.constant 0 : i32
      %dma_wait3A_224 = tpu.memref_slice %arg10[%run_scoped3A_15, %dma_wait3A_222, %dma_wait3A_223] : memref<3x128x64xf32, #tpu.memory_space<vmem>> -> memref<1x128x64xf32, #tpu.memory_space<vmem>>
      %dma_wait3A_225 = tpu.memref_squeeze %dma_wait3A_224 : memref<1x128x64xf32, #tpu.memory_space<vmem>> -> memref<128x64xf32, #tpu.memory_space<vmem>>
      %dma_wait3A_226 = arith.constant 0 : i32
      %dma_wait3A_227 = tpu.memref_slice %arg11[%add3A_14, %dma_wait3A_226] : memref<10240x64xf32, #tpu.memory_space<vmem_shared>> -> memref<128x64xf32, #tpu.memory_space<vmem_shared>>
      %dma_wait3A_228 = arith.constant 0 : i32
      %dma_wait3A_229 = tpu.memref_slice %arg11[%add3A_14, %dma_wait3A_228] : memref<10240x64xf32, #tpu.memory_space<vmem_shared>> -> memref<128x64xf32, #tpu.memory_space<vmem_shared>>
      %dma_wait3A_230 = arith.constant 0 : i32
      %dma_wait3A_231 = arith.constant 0 : i32
      %dma_wait3A_232 = tpu.memref_slice %arg10[%run_scoped3A_15, %dma_wait3A_230, %dma_wait3A_231] : memref<3x128x64xf32, #tpu.memory_space<vmem>> -> memref<1x128x64xf32, #tpu.memory_space<vmem>>
      %dma_wait3A_233 = tpu.memref_squeeze %dma_wait3A_232 : memref<1x128x64xf32, #tpu.memory_space<vmem>> -> memref<128x64xf32, #tpu.memory_space<vmem>>
      tpu.wait_dma2 semaphore(%run_scoped3A_209 : memref<!tpu.dma_semaphore, #tpu.memory_space<semaphore_mem>>) src(%dma_wait3A_233 : memref<128x64xf32, #tpu.memory_space<vmem>>) dst(%dma_wait3A_229 : memref<128x64xf32, #tpu.memory_space<vmem_shared>>)
      tpu.yield
    }) : () -> ()
    %add3A_16 = arith.constant 384 : i32
    %add3A_17 = arith.addi %multiple_of3A, %add3A_16 : i32
    %run_scoped3A_18 = arith.constant 0 : i32
    "tpu.region"() ({
      %run_scoped3A_209 = tpu.sem_alloc : memref<!tpu.dma_semaphore, #tpu.memory_space<semaphore_mem>>
      %dma_start3A_210 = arith.constant 0 : i32
      %dma_start3A_211 = arith.constant 0 : i32
      %dma_start3A_212 = tpu.memref_slice %arg10[%run_scoped3A_18, %dma_start3A_210, %dma_start3A_211] : memref<3x128x64xf32, #tpu.memory_space<vmem>> -> memref<1x128x64xf32, #tpu.memory_space<vmem>>
      %dma_start3A_213 = tpu.memref_squeeze %dma_start3A_212 : memref<1x128x64xf32, #tpu.memory_space<vmem>> -> memref<128x64xf32, #tpu.memory_space<vmem>>
      %dma_start3A_214 = arith.constant 0 : i32
      %dma_start3A_215 = tpu.memref_slice %arg11[%add3A_17, %dma_start3A_214] : memref<10240x64xf32, #tpu.memory_space<vmem_shared>> -> memref<128x64xf32, #tpu.memory_space<vmem_shared>>
      %dma_start3A_216 = arith.constant 0 : i32
      %dma_start3A_217 = tpu.memref_slice %arg11[%add3A_17, %dma_start3A_216] : memref<10240x64xf32, #tpu.memory_space<vmem_shared>> -> memref<128x64xf32, #tpu.memory_space<vmem_shared>>
      %dma_start3A_218 = arith.constant 0 : i32
      %dma_start3A_219 = arith.constant 0 : i32
      %dma_start3A_220 = tpu.memref_slice %arg10[%run_scoped3A_18, %dma_start3A_218, %dma_start3A_219] : memref<3x128x64xf32, #tpu.memory_space<vmem>> -> memref<1x128x64xf32, #tpu.memory_space<vmem>>
      %dma_start3A_221 = tpu.memref_squeeze %dma_start3A_220 : memref<1x128x64xf32, #tpu.memory_space<vmem>> -> memref<128x64xf32, #tpu.memory_space<vmem>>
      tpu.enqueue_dma source(%dma_start3A_221 : memref<128x64xf32, #tpu.memory_space<vmem>>) target(%dma_start3A_217 : memref<128x64xf32, #tpu.memory_space<vmem_shared>>) target_semaphore(%run_scoped3A_209 : memref<!tpu.dma_semaphore, #tpu.memory_space<semaphore_mem>>)
      %dma_wait3A_222 = arith.constant 0 : i32
      %dma_wait3A_223 = arith.constant 0 : i32
      %dma_wait3A_224 = tpu.memref_slice %arg10[%run_scoped3A_18, %dma_wait3A_222, %dma_wait3A_223] : memref<3x128x64xf32, #tpu.memory_space<vmem>> -> memref<1x128x64xf32, #tpu.memory_space<vmem>>
      %dma_wait3A_225 = tpu.memref_squeeze %dma_wait3A_224 : memref<1x128x64xf32, #tpu.memory_space<vmem>> -> memref<128x64xf32, #tpu.memory_space<vmem>>
      %dma_wait3A_226 = arith.constant 0 : i32
      %dma_wait3A_227 = tpu.memref_slice %arg11[%add3A_17, %dma_wait3A_226] : memref<10240x64xf32, #tpu.memory_space<vmem_shared>> -> memref<128x64xf32, #tpu.memory_space<vmem_shared>>
      %dma_wait3A_228 = arith.constant 0 : i32
      %dma_wait3A_229 = tpu.memref_slice %arg11[%add3A_17, %dma_wait3A_228] : memref<10240x64xf32, #tpu.memory_space<vmem_shared>> -> memref<128x64xf32, #tpu.memory_space<vmem_shared>>
      %dma_wait3A_230 = arith.constant 0 : i32
      %dma_wait3A_231 = arith.constant 0 : i32
      %dma_wait3A_232 = tpu.memref_slice %arg10[%run_scoped3A_18, %dma_wait3A_230, %dma_wait3A_231] : memref<3x128x64xf32, #tpu.memory_space<vmem>> -> memref<1x128x64xf32, #tpu.memory_space<vmem>>
      %dma_wait3A_233 = tpu.memref_squeeze %dma_wait3A_232 : memref<1x128x64xf32, #tpu.memory_space<vmem>> -> memref<128x64xf32, #tpu.memory_space<vmem>>
      tpu.wait_dma2 semaphore(%run_scoped3A_209 : memref<!tpu.dma_semaphore, #tpu.memory_space<semaphore_mem>>) src(%dma_wait3A_233 : memref<128x64xf32, #tpu.memory_space<vmem>>) dst(%dma_wait3A_229 : memref<128x64xf32, #tpu.memory_space<vmem_shared>>)
      tpu.yield
    }) : () -> ()
    %add3A_19 = arith.constant 512 : i32
    %add3A_20 = arith.addi %multiple_of3A, %add3A_19 : i32
    %run_scoped3A_21 = arith.constant 0 : i32
    "tpu.region"() ({
      %run_scoped3A_209 = tpu.sem_alloc : memref<!tpu.dma_semaphore, #tpu.memory_space<semaphore_mem>>
      %dma_start3A_210 = arith.constant 0 : i32
      %dma_start3A_211 = arith.constant 0 : i32
      %dma_start3A_212 = tpu.memref_slice %arg10[%run_scoped3A_21, %dma_start3A_210, %dma_start3A_211] : memref<3x128x64xf32, #tpu.memory_space<vmem>> -> memref<1x128x64xf32, #tpu.memory_space<vmem>>
      %dma_start3A_213 = tpu.memref_squeeze %dma_start3A_212 : memref<1x128x64xf32, #tpu.memory_space<vmem>> -> memref<128x64xf32, #tpu.memory_space<vmem>>
      %dma_start3A_214 = arith.constant 0 : i32
      %dma_start3A_215 = tpu.memref_slice %arg11[%add3A_20, %dma_start3A_214] : memref<10240x64xf32, #tpu.memory_space<vmem_shared>> -> memref<128x64xf32, #tpu.memory_space<vmem_shared>>
      %dma_start3A_216 = arith.constant 0 : i32
      %dma_start3A_217 = tpu.memref_slice %arg11[%add3A_20, %dma_start3A_216] : memref<10240x64xf32, #tpu.memory_space<vmem_shared>> -> memref<128x64xf32, #tpu.memory_space<vmem_shared>>
      %dma_start3A_218 = arith.constant 0 : i32
      %dma_start3A_219 = arith.constant 0 : i32
      %dma_start3A_220 = tpu.memref_slice %arg10[%run_scoped3A_21, %dma_start3A_218, %dma_start3A_219] : memref<3x128x64xf32, #tpu.memory_space<vmem>> -> memref<1x128x64xf32, #tpu.memory_space<vmem>>
      %dma_start3A_221 = tpu.memref_squeeze %dma_start3A_220 : memref<1x128x64xf32, #tpu.memory_space<vmem>> -> memref<128x64xf32, #tpu.memory_space<vmem>>
      tpu.enqueue_dma source(%dma_start3A_221 : memref<128x64xf32, #tpu.memory_space<vmem>>) target(%dma_start3A_217 : memref<128x64xf32, #tpu.memory_space<vmem_shared>>) target_semaphore(%run_scoped3A_209 : memref<!tpu.dma_semaphore, #tpu.memory_space<semaphore_mem>>)
      %dma_wait3A_222 = arith.constant 0 : i32
      %dma_wait3A_223 = arith.constant 0 : i32
      %dma_wait3A_224 = tpu.memref_slice %arg10[%run_scoped3A_21, %dma_wait3A_222, %dma_wait3A_223] : memref<3x128x64xf32, #tpu.memory_space<vmem>> -> memref<1x128x64xf32, #tpu.memory_space<vmem>>
      %dma_wait3A_225 = tpu.memref_squeeze %dma_wait3A_224 : memref<1x128x64xf32, #tpu.memory_space<vmem>> -> memref<128x64xf32, #tpu.memory_space<vmem>>
      %dma_wait3A_226 = arith.constant 0 : i32
      %dma_wait3A_227 = tpu.memref_slice %arg11[%add3A_20, %dma_wait3A_226] : memref<10240x64xf32, #tpu.memory_space<vmem_shared>> -> memref<128x64xf32, #tpu.memory_space<vmem_shared>>
      %dma_wait3A_228 = arith.constant 0 : i32
      %dma_wait3A_229 = tpu.memref_slice %arg11[%add3A_20, %dma_wait3A_228] : memref<10240x64xf32, #tpu.memory_space<vmem_shared>> -> memref<128x64xf32, #tpu.memory_space<vmem_shared>>
      %dma_wait3A_230 = arith.constant 0 : i32
      %dma_wait3A_231 = arith.constant 0 : i32
      %dma_wait3A_232 = tpu.memref_slice %arg10[%run_scoped3A_21, %dma_wait3A_230, %dma_wait3A_231] : memref<3x128x64xf32, #tpu.memory_space<vmem>> -> memref<1x128x64xf32, #tpu.memory_space<vmem>>
      %dma_wait3A_233 = tpu.memref_squeeze %dma_wait3A_232 : memref<1x128x64xf32, #tpu.memory_space<vmem>> -> memref<128x64xf32, #tpu.memory_space<vmem>>
      tpu.wait_dma2 semaphore(%run_scoped3A_209 : memref<!tpu.dma_semaphore, #tpu.memory_space<semaphore_mem>>) src(%dma_wait3A_233 : memref<128x64xf32, #tpu.memory_space<vmem>>) dst(%dma_wait3A_229 : memref<128x64xf32, #tpu.memory_space<vmem_shared>>)
      tpu.yield
    }) : () -> ()
    "tpu.region"() ({
      %run_scoped3A_209 = tpu.sem_alloc : memref<!tpu.dma_semaphore, #tpu.memory_space<semaphore_mem>>
      %dma_start3A_210 = arith.constant 0 : i32
      %dma_start3A_211 = tpu.memref_slice %arg12[%multiple_of3A, %dma_start3A_210] : memref<10240x64xf32, #tpu.memory_space<vmem_shared>> -> memref<640x64xf32, #tpu.memory_space<vmem_shared>>
      %dma_start3A_212 = arith.constant 0 : i32
      %dma_start3A_213 = tpu.memref_slice %arg2[%multiple_of3A, %dma_start3A_212] : memref<10240x64xf32, #tpu.memory_space<hbm>> -> memref<640x64xf32, #tpu.memory_space<hbm>>
      tpu.enqueue_dma source(%dma_start3A_213 : memref<640x64xf32, #tpu.memory_space<hbm>>) target(%dma_start3A_211 : memref<640x64xf32, #tpu.memory_space<vmem_shared>>) target_semaphore(%run_scoped3A_209 : memref<!tpu.dma_semaphore, #tpu.memory_space<semaphore_mem>>)
      %dma_wait3A_214 = arith.constant 0 : i32
      %dma_wait3A_215 = tpu.memref_slice %arg12[%multiple_of3A, %dma_wait3A_214] : memref<10240x64xf32, #tpu.memory_space<vmem_shared>> -> memref<640x64xf32, #tpu.memory_space<vmem_shared>>
      %dma_wait3A_216 = arith.constant 0 : i32
      %dma_wait3A_217 = tpu.memref_slice %arg2[%multiple_of3A, %dma_wait3A_216] : memref<10240x64xf32, #tpu.memory_space<hbm>> -> memref<640x64xf32, #tpu.memory_space<hbm>>
      tpu.wait_dma2 semaphore(%run_scoped3A_209 : memref<!tpu.dma_semaphore, #tpu.memory_space<semaphore_mem>>) src(%dma_wait3A_217 : memref<640x64xf32, #tpu.memory_space<hbm>>) dst(%dma_wait3A_215 : memref<640x64xf32, #tpu.memory_space<vmem_shared>>)
      tpu.yield
    }) : () -> ()
    %barrier3A = arith.constant 0 : index
    tpu.barrier barrier_id(%barrier3A)
    %rem3A = arith.constant 0 : i32
    %rem3A_22 = arith.constant 3 : i32
    %rem3A_23 = arith.remsi %rem3A, %rem3A_22 : i32
    %dma_start3A = arith.constant 0 : i32
    %dma_start3A_24 = arith.constant 0 : i32
    %dma_start3A_25 = arith.constant 0 : i32
    %dma_start3A_26 = tpu.memref_slice %arg10[%rem3A_23, %dma_start3A_24, %dma_start3A_25] : memref<3x128x64xf32, #tpu.memory_space<vmem>> -> memref<1x128x64xf32, #tpu.memory_space<vmem>>
    %dma_start3A_27 = tpu.memref_squeeze %dma_start3A_26 : memref<1x128x64xf32, #tpu.memory_space<vmem>> -> memref<128x64xf32, #tpu.memory_space<vmem>>
    %dma_start3A_28 = arith.constant 0 : i32
    %dma_start3A_29 = tpu.memref_slice %arg8[%dma_start3A, %dma_start3A_28] : memref<80x128xi32, #tpu.memory_space<vmem>> -> memref<1x128xi32, #tpu.memory_space<vmem>>
    %dma_start3A_30 = tpu.memref_squeeze %dma_start3A_29 : memref<1x128xi32, #tpu.memory_space<vmem>> -> memref<128xi32, #tpu.memory_space<vmem>>
    %dma_start3A_31 = arith.constant 0 : i32
    %dma_start3A_32 = arith.constant 0 : i32
    %dma_start3A_33 = tpu.memref_slice %arg12[%dma_start3A_31, %dma_start3A_32] : memref<10240x64xf32, #tpu.memory_space<vmem_shared>> -> memref<10240x64xf32, #tpu.memory_space<vmem_shared>>
    %dma_start3A_34 = tpu.memref_slice %arg14[%rem3A_23] : memref<3x!tpu.dma_semaphore, #tpu.memory_space<semaphore_mem>> -> memref<1x!tpu.dma_semaphore, #tpu.memory_space<semaphore_mem>>
    %dma_start3A_35 = tpu.memref_squeeze %dma_start3A_34 : memref<1x!tpu.dma_semaphore, #tpu.memory_space<semaphore_mem>> -> memref<!tpu.dma_semaphore, #tpu.memory_space<semaphore_mem>>
    tpu.enqueue_indirect_dma source(%dma_start3A_33 : memref<10240x64xf32, #tpu.memory_space<vmem_shared>>) target(%dma_start3A_27 : memref<128x64xf32, #tpu.memory_space<vmem>>) offsets(%dma_start3A_30 : memref<128xi32, #tpu.memory_space<vmem>>) semaphore(%dma_start3A_35 : memref<!tpu.dma_semaphore, #tpu.memory_space<semaphore_mem>>)
    %rem3A_36 = arith.constant 1 : i32
    %rem3A_37 = arith.constant 3 : i32
    %rem3A_38 = arith.remsi %rem3A_36, %rem3A_37 : i32
    %dma_start3A_39 = arith.constant 1 : i32
    %dma_start3A_40 = arith.constant 0 : i32
    %dma_start3A_41 = arith.constant 0 : i32
    %dma_start3A_42 = tpu.memref_slice %arg10[%rem3A_38, %dma_start3A_40, %dma_start3A_41] : memref<3x128x64xf32, #tpu.memory_space<vmem>> -> memref<1x128x64xf32, #tpu.memory_space<vmem>>
    %dma_start3A_43 = tpu.memref_squeeze %dma_start3A_42 : memref<1x128x64xf32, #tpu.memory_space<vmem>> -> memref<128x64xf32, #tpu.memory_space<vmem>>
    %dma_start3A_44 = arith.constant 0 : i32
    %dma_start3A_45 = tpu.memref_slice %arg8[%dma_start3A_39, %dma_start3A_44] : memref<80x128xi32, #tpu.memory_space<vmem>> -> memref<1x128xi32, #tpu.memory_space<vmem>>
    %dma_start3A_46 = tpu.memref_squeeze %dma_start3A_45 : memref<1x128xi32, #tpu.memory_space<vmem>> -> memref<128xi32, #tpu.memory_space<vmem>>
    %dma_start3A_47 = arith.constant 0 : i32
    %dma_start3A_48 = arith.constant 0 : i32
    %dma_start3A_49 = tpu.memref_slice %arg12[%dma_start3A_47, %dma_start3A_48] : memref<10240x64xf32, #tpu.memory_space<vmem_shared>> -> memref<10240x64xf32, #tpu.memory_space<vmem_shared>>
    %dma_start3A_50 = tpu.memref_slice %arg14[%rem3A_38] : memref<3x!tpu.dma_semaphore, #tpu.memory_space<semaphore_mem>> -> memref<1x!tpu.dma_semaphore, #tpu.memory_space<semaphore_mem>>
    %dma_start3A_51 = tpu.memref_squeeze %dma_start3A_50 : memref<1x!tpu.dma_semaphore, #tpu.memory_space<semaphore_mem>> -> memref<!tpu.dma_semaphore, #tpu.memory_space<semaphore_mem>>
    tpu.enqueue_indirect_dma source(%dma_start3A_49 : memref<10240x64xf32, #tpu.memory_space<vmem_shared>>) target(%dma_start3A_43 : memref<128x64xf32, #tpu.memory_space<vmem>>) offsets(%dma_start3A_46 : memref<128xi32, #tpu.memory_space<vmem>>) semaphore(%dma_start3A_51 : memref<!tpu.dma_semaphore, #tpu.memory_space<semaphore_mem>>)
    %scan3A_52 = arith.constant 0 : i32
    %scan3A_53 = arith.constant 0 : i32
    %scan3A_54 = arith.constant 80 : i32
    %scan3A_55 = arith.addi %scan3A_53, %scan3A_54 : i32
    %scan3A_56 = arith.constant 1 : i32
    scf.for %scan3A_209 = %scan3A_53 to %scan3A_55 step %scan3A_56  : i32 {
      %rem3A_210 = arith.constant 3 : i32
      %rem3A_211 = arith.remsi %scan3A_209, %rem3A_210 : i32
      %dma_wait3A_212 = arith.constant 0 : i32
      %dma_wait3A_213 = arith.constant 0 : i32
      %dma_wait3A_214 = arith.constant 0 : i32
      %dma_wait3A_215 = arith.constant 0 : i32
      %dma_wait3A_216 = tpu.memref_slice %arg10[%dma_wait3A_213, %dma_wait3A_214, %dma_wait3A_215] : memref<3x128x64xf32, #tpu.memory_space<vmem>> -> memref<1x128x64xf32, #tpu.memory_space<vmem>>
      %dma_wait3A_217 = tpu.memref_squeeze %dma_wait3A_216 : memref<1x128x64xf32, #tpu.memory_space<vmem>> -> memref<128x64xf32, #tpu.memory_space<vmem>>
      %dma_wait3A_218 = arith.constant 0 : i32
      %dma_wait3A_219 = tpu.memref_slice %arg8[%dma_wait3A_212, %dma_wait3A_218] : memref<80x128xi32, #tpu.memory_space<vmem>> -> memref<1x128xi32, #tpu.memory_space<vmem>>
      %dma_wait3A_220 = tpu.memref_squeeze %dma_wait3A_219 : memref<1x128xi32, #tpu.memory_space<vmem>> -> memref<128xi32, #tpu.memory_space<vmem>>
      %dma_wait3A_221 = arith.constant 0 : i32
      %dma_wait3A_222 = arith.constant 0 : i32
      %dma_wait3A_223 = tpu.memref_slice %arg12[%dma_wait3A_221, %dma_wait3A_222] : memref<10240x64xf32, #tpu.memory_space<vmem_shared>> -> memref<10240x64xf32, #tpu.memory_space<vmem_shared>>
      %dma_wait3A_224 = tpu.memref_slice %arg14[%rem3A_211] : memref<3x!tpu.dma_semaphore, #tpu.memory_space<semaphore_mem>> -> memref<1x!tpu.dma_semaphore, #tpu.memory_space<semaphore_mem>>
      %dma_wait3A_225 = tpu.memref_squeeze %dma_wait3A_224 : memref<1x!tpu.dma_semaphore, #tpu.memory_space<semaphore_mem>> -> memref<!tpu.dma_semaphore, #tpu.memory_space<semaphore_mem>>
      tpu.wait_indirect_dma semaphore(%dma_wait3A_225 : memref<!tpu.dma_semaphore, #tpu.memory_space<semaphore_mem>>) src(%dma_wait3A_223 : memref<10240x64xf32, #tpu.memory_space<vmem_shared>>) dst(%dma_wait3A_217 : memref<128x64xf32, #tpu.memory_space<vmem>>)
      %dma_start3A_226 = arith.constant 0 : i32
      %dma_start3A_227 = arith.constant 0 : i32
      %dma_start3A_228 = tpu.memref_slice %arg10[%rem3A_211, %dma_start3A_226, %dma_start3A_227] : memref<3x128x64xf32, #tpu.memory_space<vmem>> -> memref<1x128x64xf32, #tpu.memory_space<vmem>>
      %dma_start3A_229 = tpu.memref_squeeze %dma_start3A_228 : memref<1x128x64xf32, #tpu.memory_space<vmem>> -> memref<128x64xf32, #tpu.memory_space<vmem>>
      %dma_start3A_230 = arith.constant 0 : i32
      %dma_start3A_231 = tpu.memref_slice %arg9[%scan3A_209, %dma_start3A_230] : memref<80x128xi32, #tpu.memory_space<vmem>> -> memref<1x128xi32, #tpu.memory_space<vmem>>
      %dma_start3A_232 = tpu.memref_squeeze %dma_start3A_231 : memref<1x128xi32, #tpu.memory_space<vmem>> -> memref<128xi32, #tpu.memory_space<vmem>>
      %dma_start3A_233 = arith.constant 0 : i32
      %dma_start3A_234 = arith.constant 0 : i32
      %dma_start3A_235 = tpu.memref_slice %arg11[%dma_start3A_233, %dma_start3A_234] : memref<10240x64xf32, #tpu.memory_space<vmem_shared>> -> memref<10240x64xf32, #tpu.memory_space<vmem_shared>>
      %dma_start3A_236 = tpu.memref_slice %arg13[%rem3A_211] : memref<3x!tpu.dma_semaphore, #tpu.memory_space<semaphore_mem>> -> memref<1x!tpu.dma_semaphore, #tpu.memory_space<semaphore_mem>>
      %dma_start3A_237 = tpu.memref_squeeze %dma_start3A_236 : memref<1x!tpu.dma_semaphore, #tpu.memory_space<semaphore_mem>> -> memref<!tpu.dma_semaphore, #tpu.memory_space<semaphore_mem>>
      tpu.enqueue_indirect_dma source(%dma_start3A_229 : memref<128x64xf32, #tpu.memory_space<vmem>>) target(%dma_start3A_235 : memref<10240x64xf32, #tpu.memory_space<vmem_shared>>) offsets(%dma_start3A_232 : memref<128xi32, #tpu.memory_space<vmem>>) semaphore(%dma_start3A_237 : memref<!tpu.dma_semaphore, #tpu.memory_space<semaphore_mem>>) {add = true}
      %add3A_238 = arith.constant 2 : i32
      %add3A_239 = arith.addi %scan3A_209, %add3A_238 : i32
      %lt3A = arith.constant 80 : i32
      %lt3A_240 = arith.cmpi slt, %add3A_239, %lt3A : i32
      %convert_element_type3A = arith.extui %lt3A_240 : i1 to i32
      %cond3A = arith.constant 0 : i32
      %cond3A_241 = arith.cmpi ne, %convert_element_type3A, %cond3A : i32
      scf.if %cond3A_241 {
        %ge3A = arith.constant 3 : i32
        %ge3A_242 = arith.cmpi sge, %add3A_239, %ge3A : i32
        %convert_element_type3A_243 = arith.extui %ge3A_242 : i1 to i32
        %cond3A_244 = arith.constant 0 : i32
        %cond3A_245 = arith.cmpi ne, %convert_element_type3A_243, %cond3A_244 : i32
        scf.if %cond3A_245 {
          %rem3A_260 = arith.constant 3 : i32
          %rem3A_261 = arith.remsi %add3A_239, %rem3A_260 : i32
          %dma_wait3A_262 = arith.constant 0 : i32
          %dma_wait3A_263 = arith.constant 0 : i32
          %dma_wait3A_264 = arith.constant 0 : i32
          %dma_wait3A_265 = arith.constant 0 : i32
          %dma_wait3A_266 = tpu.memref_slice %arg10[%dma_wait3A_262, %dma_wait3A_264, %dma_wait3A_265] : memref<3x128x64xf32, #tpu.memory_space<vmem>> -> memref<1x128x64xf32, #tpu.memory_space<vmem>>
          %dma_wait3A_267 = tpu.memref_squeeze %dma_wait3A_266 : memref<1x128x64xf32, #tpu.memory_space<vmem>> -> memref<128x64xf32, #tpu.memory_space<vmem>>
          %dma_wait3A_268 = arith.constant 0 : i32
          %dma_wait3A_269 = tpu.memref_slice %arg9[%dma_wait3A_263, %dma_wait3A_268] : memref<80x128xi32, #tpu.memory_space<vmem>> -> memref<1x128xi32, #tpu.memory_space<vmem>>
          %dma_wait3A_270 = tpu.memref_squeeze %dma_wait3A_269 : memref<1x128xi32, #tpu.memory_space<vmem>> -> memref<128xi32, #tpu.memory_space<vmem>>
          %dma_wait3A_271 = arith.constant 0 : i32
          %dma_wait3A_272 = arith.constant 0 : i32
          %dma_wait3A_273 = tpu.memref_slice %arg11[%dma_wait3A_271, %dma_wait3A_272] : memref<10240x64xf32, #tpu.memory_space<vmem_shared>> -> memref<10240x64xf32, #tpu.memory_space<vmem_shared>>
          %dma_wait3A_274 = tpu.memref_slice %arg13[%rem3A_261] : memref<3x!tpu.dma_semaphore, #tpu.memory_space<semaphore_mem>> -> memref<1x!tpu.dma_semaphore, #tpu.memory_space<semaphore_mem>>
          %dma_wait3A_275 = tpu.memref_squeeze %dma_wait3A_274 : memref<1x!tpu.dma_semaphore, #tpu.memory_space<semaphore_mem>> -> memref<!tpu.dma_semaphore, #tpu.memory_space<semaphore_mem>>
          tpu.wait_indirect_dma semaphore(%dma_wait3A_275 : memref<!tpu.dma_semaphore, #tpu.memory_space<semaphore_mem>>) src(%dma_wait3A_267 : memref<128x64xf32, #tpu.memory_space<vmem>>) dst(%dma_wait3A_273 : memref<10240x64xf32, #tpu.memory_space<vmem_shared>>)
        } else {
        }
        %rem3A_246 = arith.constant 3 : i32
        %rem3A_247 = arith.remsi %add3A_239, %rem3A_246 : i32
        %dma_start3A_248 = arith.constant 0 : i32
        %dma_start3A_249 = arith.constant 0 : i32
        %dma_start3A_250 = tpu.memref_slice %arg10[%rem3A_247, %dma_start3A_248, %dma_start3A_249] : memref<3x128x64xf32, #tpu.memory_space<vmem>> -> memref<1x128x64xf32, #tpu.memory_space<vmem>>
        %dma_start3A_251 = tpu.memref_squeeze %dma_start3A_250 : memref<1x128x64xf32, #tpu.memory_space<vmem>> -> memref<128x64xf32, #tpu.memory_space<vmem>>
        %dma_start3A_252 = arith.constant 0 : i32
        %dma_start3A_253 = tpu.memref_slice %arg8[%add3A_239, %dma_start3A_252] : memref<80x128xi32, #tpu.memory_space<vmem>> -> memref<1x128xi32, #tpu.memory_space<vmem>>
        %dma_start3A_254 = tpu.memref_squeeze %dma_start3A_253 : memref<1x128xi32, #tpu.memory_space<vmem>> -> memref<128xi32, #tpu.memory_space<vmem>>
        %dma_start3A_255 = arith.constant 0 : i32
        %dma_start3A_256 = arith.constant 0 : i32
        %dma_start3A_257 = tpu.memref_slice %arg12[%dma_start3A_255, %dma_start3A_256] : memref<10240x64xf32, #tpu.memory_space<vmem_shared>> -> memref<10240x64xf32, #tpu.memory_space<vmem_shared>>
        %dma_start3A_258 = tpu.memref_slice %arg14[%rem3A_247] : memref<3x!tpu.dma_semaphore, #tpu.memory_space<semaphore_mem>> -> memref<1x!tpu.dma_semaphore, #tpu.memory_space<semaphore_mem>>
        %dma_start3A_259 = tpu.memref_squeeze %dma_start3A_258 : memref<1x!tpu.dma_semaphore, #tpu.memory_space<semaphore_mem>> -> memref<!tpu.dma_semaphore, #tpu.memory_space<semaphore_mem>>
        tpu.enqueue_indirect_dma source(%dma_start3A_257 : memref<10240x64xf32, #tpu.memory_space<vmem_shared>>) target(%dma_start3A_251 : memref<128x64xf32, #tpu.memory_space<vmem>>) offsets(%dma_start3A_254 : memref<128xi32, #tpu.memory_space<vmem>>) semaphore(%dma_start3A_259 : memref<!tpu.dma_semaphore, #tpu.memory_space<semaphore_mem>>)
      } else {
      }
    }
    %scan3A_57 = arith.constant 80 : i32
    %dma_wait3A = arith.constant 0 : i32
    %dma_wait3A_58 = arith.constant 0 : i32
    %dma_wait3A_59 = arith.constant 0 : i32
    %dma_wait3A_60 = arith.constant 0 : i32
    %dma_wait3A_61 = arith.constant 0 : i32
    %dma_wait3A_62 = tpu.memref_slice %arg10[%dma_wait3A, %dma_wait3A_60, %dma_wait3A_61] : memref<3x128x64xf32, #tpu.memory_space<vmem>> -> memref<1x128x64xf32, #tpu.memory_space<vmem>>
    %dma_wait3A_63 = tpu.memref_squeeze %dma_wait3A_62 : memref<1x128x64xf32, #tpu.memory_space<vmem>> -> memref<128x64xf32, #tpu.memory_space<vmem>>
    %dma_wait3A_64 = arith.constant 0 : i32
    %dma_wait3A_65 = tpu.memref_slice %arg9[%dma_wait3A_58, %dma_wait3A_64] : memref<80x128xi32, #tpu.memory_space<vmem>> -> memref<1x128xi32, #tpu.memory_space<vmem>>
    %dma_wait3A_66 = tpu.memref_squeeze %dma_wait3A_65 : memref<1x128xi32, #tpu.memory_space<vmem>> -> memref<128xi32, #tpu.memory_space<vmem>>
    %dma_wait3A_67 = arith.constant 0 : i32
    %dma_wait3A_68 = arith.constant 0 : i32
    %dma_wait3A_69 = tpu.memref_slice %arg11[%dma_wait3A_67, %dma_wait3A_68] : memref<10240x64xf32, #tpu.memory_space<vmem_shared>> -> memref<10240x64xf32, #tpu.memory_space<vmem_shared>>
    %dma_wait3A_70 = tpu.memref_slice %arg13[%dma_wait3A_59] : memref<3x!tpu.dma_semaphore, #tpu.memory_space<semaphore_mem>> -> memref<1x!tpu.dma_semaphore, #tpu.memory_space<semaphore_mem>>
    %dma_wait3A_71 = tpu.memref_squeeze %dma_wait3A_70 : memref<1x!tpu.dma_semaphore, #tpu.memory_space<semaphore_mem>> -> memref<!tpu.dma_semaphore, #tpu.memory_space<semaphore_mem>>
    tpu.wait_indirect_dma semaphore(%dma_wait3A_71 : memref<!tpu.dma_semaphore, #tpu.memory_space<semaphore_mem>>) src(%dma_wait3A_63 : memref<128x64xf32, #tpu.memory_space<vmem>>) dst(%dma_wait3A_69 : memref<10240x64xf32, #tpu.memory_space<vmem_shared>>)
    %dma_wait3A_72 = arith.constant 0 : i32
    %dma_wait3A_73 = arith.constant 0 : i32
    %dma_wait3A_74 = arith.constant 1 : i32
    %dma_wait3A_75 = arith.constant 0 : i32
    %dma_wait3A_76 = arith.constant 0 : i32
    %dma_wait3A_77 = tpu.memref_slice %arg10[%dma_wait3A_72, %dma_wait3A_75, %dma_wait3A_76] : memref<3x128x64xf32, #tpu.memory_space<vmem>> -> memref<1x128x64xf32, #tpu.memory_space<vmem>>
    %dma_wait3A_78 = tpu.memref_squeeze %dma_wait3A_77 : memref<1x128x64xf32, #tpu.memory_space<vmem>> -> memref<128x64xf32, #tpu.memory_space<vmem>>
    %dma_wait3A_79 = arith.constant 0 : i32
    %dma_wait3A_80 = tpu.memref_slice %arg9[%dma_wait3A_73, %dma_wait3A_79] : memref<80x128xi32, #tpu.memory_space<vmem>> -> memref<1x128xi32, #tpu.memory_space<vmem>>
    %dma_wait3A_81 = tpu.memref_squeeze %dma_wait3A_80 : memref<1x128xi32, #tpu.memory_space<vmem>> -> memref<128xi32, #tpu.memory_space<vmem>>
    %dma_wait3A_82 = arith.constant 0 : i32
    %dma_wait3A_83 = arith.constant 0 : i32
    %dma_wait3A_84 = tpu.memref_slice %arg11[%dma_wait3A_82, %dma_wait3A_83] : memref<10240x64xf32, #tpu.memory_space<vmem_shared>> -> memref<10240x64xf32, #tpu.memory_space<vmem_shared>>
    %dma_wait3A_85 = tpu.memref_slice %arg13[%dma_wait3A_74] : memref<3x!tpu.dma_semaphore, #tpu.memory_space<semaphore_mem>> -> memref<1x!tpu.dma_semaphore, #tpu.memory_space<semaphore_mem>>
    %dma_wait3A_86 = tpu.memref_squeeze %dma_wait3A_85 : memref<1x!tpu.dma_semaphore, #tpu.memory_space<semaphore_mem>> -> memref<!tpu.dma_semaphore, #tpu.memory_space<semaphore_mem>>
    tpu.wait_indirect_dma semaphore(%dma_wait3A_86 : memref<!tpu.dma_semaphore, #tpu.memory_space<semaphore_mem>>) src(%dma_wait3A_78 : memref<128x64xf32, #tpu.memory_space<vmem>>) dst(%dma_wait3A_84 : memref<10240x64xf32, #tpu.memory_space<vmem_shared>>)
    %dma_wait3A_87 = arith.constant 0 : i32
    %dma_wait3A_88 = arith.constant 0 : i32
    %dma_wait3A_89 = arith.constant 2 : i32
    %dma_wait3A_90 = arith.constant 0 : i32
    %dma_wait3A_91 = arith.constant 0 : i32
    %dma_wait3A_92 = tpu.memref_slice %arg10[%dma_wait3A_87, %dma_wait3A_90, %dma_wait3A_91] : memref<3x128x64xf32, #tpu.memory_space<vmem>> -> memref<1x128x64xf32, #tpu.memory_space<vmem>>
    %dma_wait3A_93 = tpu.memref_squeeze %dma_wait3A_92 : memref<1x128x64xf32, #tpu.memory_space<vmem>> -> memref<128x64xf32, #tpu.memory_space<vmem>>
    %dma_wait3A_94 = arith.constant 0 : i32
    %dma_wait3A_95 = tpu.memref_slice %arg9[%dma_wait3A_88, %dma_wait3A_94] : memref<80x128xi32, #tpu.memory_space<vmem>> -> memref<1x128xi32, #tpu.memory_space<vmem>>
    %dma_wait3A_96 = tpu.memref_squeeze %dma_wait3A_95 : memref<1x128xi32, #tpu.memory_space<vmem>> -> memref<128xi32, #tpu.memory_space<vmem>>
    %dma_wait3A_97 = arith.constant 0 : i32
    %dma_wait3A_98 = arith.constant 0 : i32
    %dma_wait3A_99 = tpu.memref_slice %arg11[%dma_wait3A_97, %dma_wait3A_98] : memref<10240x64xf32, #tpu.memory_space<vmem_shared>> -> memref<10240x64xf32, #tpu.memory_space<vmem_shared>>
    %dma_wait3A_100 = tpu.memref_slice %arg13[%dma_wait3A_89] : memref<3x!tpu.dma_semaphore, #tpu.memory_space<semaphore_mem>> -> memref<1x!tpu.dma_semaphore, #tpu.memory_space<semaphore_mem>>
    %dma_wait3A_101 = tpu.memref_squeeze %dma_wait3A_100 : memref<1x!tpu.dma_semaphore, #tpu.memory_space<semaphore_mem>> -> memref<!tpu.dma_semaphore, #tpu.memory_space<semaphore_mem>>
    tpu.wait_indirect_dma semaphore(%dma_wait3A_101 : memref<!tpu.dma_semaphore, #tpu.memory_space<semaphore_mem>>) src(%dma_wait3A_93 : memref<128x64xf32, #tpu.memory_space<vmem>>) dst(%dma_wait3A_99 : memref<10240x64xf32, #tpu.memory_space<vmem_shared>>)
    %barrier3A_102 = arith.constant 0 : index
    tpu.barrier barrier_id(%barrier3A_102)
    "tpu.region"() ({
      %run_scoped3A_209 = tpu.sem_alloc : memref<!tpu.dma_semaphore, #tpu.memory_space<semaphore_mem>>
      %dma_start3A_210 = arith.constant 0 : i32
      %dma_start3A_211 = tpu.memref_slice %arg6[%arg0, %multiple_of3A, %dma_start3A_210] : memref<2x10240x64xf32, #tpu.memory_space<hbm>> -> memref<1x640x64xf32, #tpu.memory_space<hbm>>
      %dma_start3A_212 = tpu.memref_squeeze %dma_start3A_211 : memref<1x640x64xf32, #tpu.memory_space<hbm>> -> memref<640x64xf32, #tpu.memory_space<hbm>>
      %dma_start3A_213 = arith.constant 0 : i32
      %dma_start3A_214 = tpu.memref_slice %arg11[%multiple_of3A, %dma_start3A_213] : memref<10240x64xf32, #tpu.memory_space<vmem_shared>> -> memref<640x64xf32, #tpu.memory_space<vmem_shared>>
      tpu.enqueue_dma source(%dma_start3A_214 : memref<640x64xf32, #tpu.memory_space<vmem_shared>>) target(%dma_start3A_212 : memref<640x64xf32, #tpu.memory_space<hbm>>) target_semaphore(%run_scoped3A_209 : memref<!tpu.dma_semaphore, #tpu.memory_space<semaphore_mem>>)
      %dma_wait3A_215 = arith.constant 0 : i32
      %dma_wait3A_216 = tpu.memref_slice %arg6[%arg0, %multiple_of3A, %dma_wait3A_215] : memref<2x10240x64xf32, #tpu.memory_space<hbm>> -> memref<1x640x64xf32, #tpu.memory_space<hbm>>
      %dma_wait3A_217 = tpu.memref_squeeze %dma_wait3A_216 : memref<1x640x64xf32, #tpu.memory_space<hbm>> -> memref<640x64xf32, #tpu.memory_space<hbm>>
      %dma_wait3A_218 = arith.constant 0 : i32
      %dma_wait3A_219 = tpu.memref_slice %arg11[%multiple_of3A, %dma_wait3A_218] : memref<10240x64xf32, #tpu.memory_space<vmem_shared>> -> memref<640x64xf32, #tpu.memory_space<vmem_shared>>
      tpu.wait_dma2 semaphore(%run_scoped3A_209 : memref<!tpu.dma_semaphore, #tpu.memory_space<semaphore_mem>>) src(%dma_wait3A_219 : memref<640x64xf32, #tpu.memory_space<vmem_shared>>) dst(%dma_wait3A_217 : memref<640x64xf32, #tpu.memory_space<hbm>>)
      tpu.yield
    }) : () -> ()
    %scan3A_103 = arith.constant 0 : i32
    %scan3A_104 = arith.constant 0 : i32
    %scan3A_105 = arith.constant 128 : i32
    %scan3A_106 = arith.addi %scan3A_104, %scan3A_105 : i32
    %scan3A_107 = arith.constant 1 : i32
    scf.for %scan3A_209 = %scan3A_104 to %scan3A_106 step %scan3A_107  : i32 {
      %broadcast_in_dim3A = arith.constant 0.000000e+00 : f32
      %broadcast_in_dim3A_210 = vector.broadcast %broadcast_in_dim3A : f32 to vector<16xf32>
      %swap3A = arith.constant 0 : i32
      %swap3A_211 = arith.index_cast %swap3A : i32 to index
      %swap3A_212 = arith.index_cast %scan3A_209 : i32 to index
      %swap3A_213 = arith.constant 0 : index
      %swap3A_214 = tpu.vector_load %arg10[%swap3A_211, %swap3A_212, %swap3A_213] {strides = array<i32>} : memref<3x128x64xf32, #tpu.memory_space<vmem>>, vector<1x1x16xf32>,
      %swap3A_215 = vector.shape_cast %swap3A_214 : vector<1x1x16xf32> to vector<16xf32>
      %swap3A_216 = vector.shape_cast %broadcast_in_dim3A_210 : vector<16xf32> to vector<1x1x16xf32>
      tpu.vector_store %arg10[%swap3A_211, %swap3A_212, %swap3A_213], %swap3A_216 {strides = array<i32>} : memref<3x128x64xf32, #tpu.memory_space<vmem>>, vector<1x1x16xf32>,
      %broadcast_in_dim3A_217 = arith.constant 0.000000e+00 : f32
      %broadcast_in_dim3A_218 = vector.broadcast %broadcast_in_dim3A_217 : f32 to vector<16xf32>
      %swap3A_219 = arith.constant 0 : i32
      %swap3A_220 = arith.index_cast %swap3A_219 : i32 to index
      %swap3A_221 = arith.index_cast %scan3A_209 : i32 to index
      %swap3A_222 = arith.constant 16 : index
      %swap3A_223 = tpu.vector_load %arg10[%swap3A_220, %swap3A_221, %swap3A_222] {strides = array<i32>} : memref<3x128x64xf32, #tpu.memory_space<vmem>>, vector<1x1x16xf32>,
      %swap3A_224 = vector.shape_cast %swap3A_223 : vector<1x1x16xf32> to vector<16xf32>
      %swap3A_225 = vector.shape_cast %broadcast_in_dim3A_218 : vector<16xf32> to vector<1x1x16xf32>
      tpu.vector_store %arg10[%swap3A_220, %swap3A_221, %swap3A_222], %swap3A_225 {strides = array<i32>} : memref<3x128x64xf32, #tpu.memory_space<vmem>>, vector<1x1x16xf32>,
      %broadcast_in_dim3A_226 = arith.constant 0.000000e+00 : f32
      %broadcast_in_dim3A_227 = vector.broadcast %broadcast_in_dim3A_226 : f32 to vector<16xf32>
      %swap3A_228 = arith.constant 0 : i32
      %swap3A_229 = arith.index_cast %swap3A_228 : i32 to index
      %swap3A_230 = arith.index_cast %scan3A_209 : i32 to index
      %swap3A_231 = arith.constant 32 : index
      %swap3A_232 = tpu.vector_load %arg10[%swap3A_229, %swap3A_230, %swap3A_231] {strides = array<i32>} : memref<3x128x64xf32, #tpu.memory_space<vmem>>, vector<1x1x16xf32>,
      %swap3A_233 = vector.shape_cast %swap3A_232 : vector<1x1x16xf32> to vector<16xf32>
      %swap3A_234 = vector.shape_cast %broadcast_in_dim3A_227 : vector<16xf32> to vector<1x1x16xf32>
      tpu.vector_store %arg10[%swap3A_229, %swap3A_230, %swap3A_231], %swap3A_234 {strides = array<i32>} : memref<3x128x64xf32, #tpu.memory_space<vmem>>, vector<1x1x16xf32>,
      %broadcast_in_dim3A_235 = arith.constant 0.000000e+00 : f32
      %broadcast_in_dim3A_236 = vector.broadcast %broadcast_in_dim3A_235 : f32 to vector<16xf32>
      %swap3A_237 = arith.constant 0 : i32
      %swap3A_238 = arith.index_cast %swap3A_237 : i32 to index
      %swap3A_239 = arith.index_cast %scan3A_209 : i32 to index
      %swap3A_240 = arith.constant 48 : index
      %swap3A_241 = tpu.vector_load %arg10[%swap3A_238, %swap3A_239, %swap3A_240] {strides = array<i32>} : memref<3x128x64xf32, #tpu.memory_space<vmem>>, vector<1x1x16xf32>,
      %swap3A_242 = vector.shape_cast %swap3A_241 : vector<1x1x16xf32> to vector<16xf32>
      %swap3A_243 = vector.shape_cast %broadcast_in_dim3A_236 : vector<16xf32> to vector<1x1x16xf32>
      tpu.vector_store %arg10[%swap3A_238, %swap3A_239, %swap3A_240], %swap3A_243 {strides = array<i32>} : memref<3x128x64xf32, #tpu.memory_space<vmem>>, vector<1x1x16xf32>,
    }
    %scan3A_108 = arith.constant 128 : i32
    %add3A_109 = arith.constant 0 : i32
    %add3A_110 = arith.addi %multiple_of3A, %add3A_109 : i32
    %run_scoped3A_111 = arith.constant 0 : i32
    "tpu.region"() ({
      %run_scoped3A_209 = tpu.sem_alloc : memref<!tpu.dma_semaphore, #tpu.memory_space<semaphore_mem>>
      %dma_start3A_210 = arith.constant 0 : i32
      %dma_start3A_211 = arith.constant 0 : i32
      %dma_start3A_212 = tpu.memref_slice %arg10[%run_scoped3A_111, %dma_start3A_210, %dma_start3A_211] : memref<3x128x64xf32, #tpu.memory_space<vmem>> -> memref<1x128x64xf32, #tpu.memory_space<vmem>>
      %dma_start3A_213 = tpu.memref_squeeze %dma_start3A_212 : memref<1x128x64xf32, #tpu.memory_space<vmem>> -> memref<128x64xf32, #tpu.memory_space<vmem>>
      %dma_start3A_214 = arith.constant 0 : i32
      %dma_start3A_215 = tpu.memref_slice %arg11[%add3A_110, %dma_start3A_214] : memref<10240x64xf32, #tpu.memory_space<vmem_shared>> -> memref<128x64xf32, #tpu.memory_space<vmem_shared>>
      %dma_start3A_216 = arith.constant 0 : i32
      %dma_start3A_217 = tpu.memref_slice %arg11[%add3A_110, %dma_start3A_216] : memref<10240x64xf32, #tpu.memory_space<vmem_shared>> -> memref<128x64xf32, #tpu.memory_space<vmem_shared>>
      %dma_start3A_218 = arith.constant 0 : i32
      %dma_start3A_219 = arith.constant 0 : i32
      %dma_start3A_220 = tpu.memref_slice %arg10[%run_scoped3A_111, %dma_start3A_218, %dma_start3A_219] : memref<3x128x64xf32, #tpu.memory_space<vmem>> -> memref<1x128x64xf32, #tpu.memory_space<vmem>>
      %dma_start3A_221 = tpu.memref_squeeze %dma_start3A_220 : memref<1x128x64xf32, #tpu.memory_space<vmem>> -> memref<128x64xf32, #tpu.memory_space<vmem>>
      tpu.enqueue_dma source(%dma_start3A_221 : memref<128x64xf32, #tpu.memory_space<vmem>>) target(%dma_start3A_217 : memref<128x64xf32, #tpu.memory_space<vmem_shared>>) target_semaphore(%run_scoped3A_209 : memref<!tpu.dma_semaphore, #tpu.memory_space<semaphore_mem>>)
      %dma_wait3A_222 = arith.constant 0 : i32
      %dma_wait3A_223 = arith.constant 0 : i32
      %dma_wait3A_224 = tpu.memref_slice %arg10[%run_scoped3A_111, %dma_wait3A_222, %dma_wait3A_223] : memref<3x128x64xf32, #tpu.memory_space<vmem>> -> memref<1x128x64xf32, #tpu.memory_space<vmem>>
      %dma_wait3A_225 = tpu.memref_squeeze %dma_wait3A_224 : memref<1x128x64xf32, #tpu.memory_space<vmem>> -> memref<128x64xf32, #tpu.memory_space<vmem>>
      %dma_wait3A_226 = arith.constant 0 : i32
      %dma_wait3A_227 = tpu.memref_slice %arg11[%add3A_110, %dma_wait3A_226] : memref<10240x64xf32, #tpu.memory_space<vmem_shared>> -> memref<128x64xf32, #tpu.memory_space<vmem_shared>>
      %dma_wait3A_228 = arith.constant 0 : i32
      %dma_wait3A_229 = tpu.memref_slice %arg11[%add3A_110, %dma_wait3A_228] : memref<10240x64xf32, #tpu.memory_space<vmem_shared>> -> memref<128x64xf32, #tpu.memory_space<vmem_shared>>
      %dma_wait3A_230 = arith.constant 0 : i32
      %dma_wait3A_231 = arith.constant 0 : i32
      %dma_wait3A_232 = tpu.memref_slice %arg10[%run_scoped3A_111, %dma_wait3A_230, %dma_wait3A_231] : memref<3x128x64xf32, #tpu.memory_space<vmem>> -> memref<1x128x64xf32, #tpu.memory_space<vmem>>
      %dma_wait3A_233 = tpu.memref_squeeze %dma_wait3A_232 : memref<1x128x64xf32, #tpu.memory_space<vmem>> -> memref<128x64xf32, #tpu.memory_space<vmem>>
      tpu.wait_dma2 semaphore(%run_scoped3A_209 : memref<!tpu.dma_semaphore, #tpu.memory_space<semaphore_mem>>) src(%dma_wait3A_233 : memref<128x64xf32, #tpu.memory_space<vmem>>) dst(%dma_wait3A_229 : memref<128x64xf32, #tpu.memory_space<vmem_shared>>)
      tpu.yield
    }) : () -> ()
    %add3A_112 = arith.constant 128 : i32
    %add3A_113 = arith.addi %multiple_of3A, %add3A_112 : i32
    %run_scoped3A_114 = arith.constant 0 : i32
    "tpu.region"() ({
      %run_scoped3A_209 = tpu.sem_alloc : memref<!tpu.dma_semaphore, #tpu.memory_space<semaphore_mem>>
      %dma_start3A_210 = arith.constant 0 : i32
      %dma_start3A_211 = arith.constant 0 : i32
      %dma_start3A_212 = tpu.memref_slice %arg10[%run_scoped3A_114, %dma_start3A_210, %dma_start3A_211] : memref<3x128x64xf32, #tpu.memory_space<vmem>> -> memref<1x128x64xf32, #tpu.memory_space<vmem>>
      %dma_start3A_213 = tpu.memref_squeeze %dma_start3A_212 : memref<1x128x64xf32, #tpu.memory_space<vmem>> -> memref<128x64xf32, #tpu.memory_space<vmem>>
      %dma_start3A_214 = arith.constant 0 : i32
      %dma_start3A_215 = tpu.memref_slice %arg11[%add3A_113, %dma_start3A_214] : memref<10240x64xf32, #tpu.memory_space<vmem_shared>> -> memref<128x64xf32, #tpu.memory_space<vmem_shared>>
      %dma_start3A_216 = arith.constant 0 : i32
      %dma_start3A_217 = tpu.memref_slice %arg11[%add3A_113, %dma_start3A_216] : memref<10240x64xf32, #tpu.memory_space<vmem_shared>> -> memref<128x64xf32, #tpu.memory_space<vmem_shared>>
      %dma_start3A_218 = arith.constant 0 : i32
      %dma_start3A_219 = arith.constant 0 : i32
      %dma_start3A_220 = tpu.memref_slice %arg10[%run_scoped3A_114, %dma_start3A_218, %dma_start3A_219] : memref<3x128x64xf32, #tpu.memory_space<vmem>> -> memref<1x128x64xf32, #tpu.memory_space<vmem>>
      %dma_start3A_221 = tpu.memref_squeeze %dma_start3A_220 : memref<1x128x64xf32, #tpu.memory_space<vmem>> -> memref<128x64xf32, #tpu.memory_space<vmem>>
      tpu.enqueue_dma source(%dma_start3A_221 : memref<128x64xf32, #tpu.memory_space<vmem>>) target(%dma_start3A_217 : memref<128x64xf32, #tpu.memory_space<vmem_shared>>) target_semaphore(%run_scoped3A_209 : memref<!tpu.dma_semaphore, #tpu.memory_space<semaphore_mem>>)
      %dma_wait3A_222 = arith.constant 0 : i32
      %dma_wait3A_223 = arith.constant 0 : i32
      %dma_wait3A_224 = tpu.memref_slice %arg10[%run_scoped3A_114, %dma_wait3A_222, %dma_wait3A_223] : memref<3x128x64xf32, #tpu.memory_space<vmem>> -> memref<1x128x64xf32, #tpu.memory_space<vmem>>
      %dma_wait3A_225 = tpu.memref_squeeze %dma_wait3A_224 : memref<1x128x64xf32, #tpu.memory_space<vmem>> -> memref<128x64xf32, #tpu.memory_space<vmem>>
      %dma_wait3A_226 = arith.constant 0 : i32
      %dma_wait3A_227 = tpu.memref_slice %arg11[%add3A_113, %dma_wait3A_226] : memref<10240x64xf32, #tpu.memory_space<vmem_shared>> -> memref<128x64xf32, #tpu.memory_space<vmem_shared>>
      %dma_wait3A_228 = arith.constant 0 : i32
      %dma_wait3A_229 = tpu.memref_slice %arg11[%add3A_113, %dma_wait3A_228] : memref<10240x64xf32, #tpu.memory_space<vmem_shared>> -> memref<128x64xf32, #tpu.memory_space<vmem_shared>>
      %dma_wait3A_230 = arith.constant 0 : i32
      %dma_wait3A_231 = arith.constant 0 : i32
      %dma_wait3A_232 = tpu.memref_slice %arg10[%run_scoped3A_114, %dma_wait3A_230, %dma_wait3A_231] : memref<3x128x64xf32, #tpu.memory_space<vmem>> -> memref<1x128x64xf32, #tpu.memory_space<vmem>>
      %dma_wait3A_233 = tpu.memref_squeeze %dma_wait3A_232 : memref<1x128x64xf32, #tpu.memory_space<vmem>> -> memref<128x64xf32, #tpu.memory_space<vmem>>
      tpu.wait_dma2 semaphore(%run_scoped3A_209 : memref<!tpu.dma_semaphore, #tpu.memory_space<semaphore_mem>>) src(%dma_wait3A_233 : memref<128x64xf32, #tpu.memory_space<vmem>>) dst(%dma_wait3A_229 : memref<128x64xf32, #tpu.memory_space<vmem_shared>>)
      tpu.yield
    }) : () -> ()
    %add3A_115 = arith.constant 256 : i32
    %add3A_116 = arith.addi %multiple_of3A, %add3A_115 : i32
    %run_scoped3A_117 = arith.constant 0 : i32
    "tpu.region"() ({
      %run_scoped3A_209 = tpu.sem_alloc : memref<!tpu.dma_semaphore, #tpu.memory_space<semaphore_mem>>
      %dma_start3A_210 = arith.constant 0 : i32
      %dma_start3A_211 = arith.constant 0 : i32
      %dma_start3A_212 = tpu.memref_slice %arg10[%run_scoped3A_117, %dma_start3A_210, %dma_start3A_211] : memref<3x128x64xf32, #tpu.memory_space<vmem>> -> memref<1x128x64xf32, #tpu.memory_space<vmem>>
      %dma_start3A_213 = tpu.memref_squeeze %dma_start3A_212 : memref<1x128x64xf32, #tpu.memory_space<vmem>> -> memref<128x64xf32, #tpu.memory_space<vmem>>
      %dma_start3A_214 = arith.constant 0 : i32
      %dma_start3A_215 = tpu.memref_slice %arg11[%add3A_116, %dma_start3A_214] : memref<10240x64xf32, #tpu.memory_space<vmem_shared>> -> memref<128x64xf32, #tpu.memory_space<vmem_shared>>
      %dma_start3A_216 = arith.constant 0 : i32
      %dma_start3A_217 = tpu.memref_slice %arg11[%add3A_116, %dma_start3A_216] : memref<10240x64xf32, #tpu.memory_space<vmem_shared>> -> memref<128x64xf32, #tpu.memory_space<vmem_shared>>
      %dma_start3A_218 = arith.constant 0 : i32
      %dma_start3A_219 = arith.constant 0 : i32
      %dma_start3A_220 = tpu.memref_slice %arg10[%run_scoped3A_117, %dma_start3A_218, %dma_start3A_219] : memref<3x128x64xf32, #tpu.memory_space<vmem>> -> memref<1x128x64xf32, #tpu.memory_space<vmem>>
      %dma_start3A_221 = tpu.memref_squeeze %dma_start3A_220 : memref<1x128x64xf32, #tpu.memory_space<vmem>> -> memref<128x64xf32, #tpu.memory_space<vmem>>
      tpu.enqueue_dma source(%dma_start3A_221 : memref<128x64xf32, #tpu.memory_space<vmem>>) target(%dma_start3A_217 : memref<128x64xf32, #tpu.memory_space<vmem_shared>>) target_semaphore(%run_scoped3A_209 : memref<!tpu.dma_semaphore, #tpu.memory_space<semaphore_mem>>)
      %dma_wait3A_222 = arith.constant 0 : i32
      %dma_wait3A_223 = arith.constant 0 : i32
      %dma_wait3A_224 = tpu.memref_slice %arg10[%run_scoped3A_117, %dma_wait3A_222, %dma_wait3A_223] : memref<3x128x64xf32, #tpu.memory_space<vmem>> -> memref<1x128x64xf32, #tpu.memory_space<vmem>>
      %dma_wait3A_225 = tpu.memref_squeeze %dma_wait3A_224 : memref<1x128x64xf32, #tpu.memory_space<vmem>> -> memref<128x64xf32, #tpu.memory_space<vmem>>
      %dma_wait3A_226 = arith.constant 0 : i32
      %dma_wait3A_227 = tpu.memref_slice %arg11[%add3A_116, %dma_wait3A_226] : memref<10240x64xf32, #tpu.memory_space<vmem_shared>> -> memref<128x64xf32, #tpu.memory_space<vmem_shared>>
      %dma_wait3A_228 = arith.constant 0 : i32
      %dma_wait3A_229 = tpu.memref_slice %arg11[%add3A_116, %dma_wait3A_228] : memref<10240x64xf32, #tpu.memory_space<vmem_shared>> -> memref<128x64xf32, #tpu.memory_space<vmem_shared>>
      %dma_wait3A_230 = arith.constant 0 : i32
      %dma_wait3A_231 = arith.constant 0 : i32
      %dma_wait3A_232 = tpu.memref_slice %arg10[%run_scoped3A_117, %dma_wait3A_230, %dma_wait3A_231] : memref<3x128x64xf32, #tpu.memory_space<vmem>> -> memref<1x128x64xf32, #tpu.memory_space<vmem>>
      %dma_wait3A_233 = tpu.memref_squeeze %dma_wait3A_232 : memref<1x128x64xf32, #tpu.memory_space<vmem>> -> memref<128x64xf32, #tpu.memory_space<vmem>>
      tpu.wait_dma2 semaphore(%run_scoped3A_209 : memref<!tpu.dma_semaphore, #tpu.memory_space<semaphore_mem>>) src(%dma_wait3A_233 : memref<128x64xf32, #tpu.memory_space<vmem>>) dst(%dma_wait3A_229 : memref<128x64xf32, #tpu.memory_space<vmem_shared>>)
      tpu.yield
    }) : () -> ()
    %add3A_118 = arith.constant 384 : i32
    %add3A_119 = arith.addi %multiple_of3A, %add3A_118 : i32
    %run_scoped3A_120 = arith.constant 0 : i32
    "tpu.region"() ({
      %run_scoped3A_209 = tpu.sem_alloc : memref<!tpu.dma_semaphore, #tpu.memory_space<semaphore_mem>>
      %dma_start3A_210 = arith.constant 0 : i32
      %dma_start3A_211 = arith.constant 0 : i32
      %dma_start3A_212 = tpu.memref_slice %arg10[%run_scoped3A_120, %dma_start3A_210, %dma_start3A_211] : memref<3x128x64xf32, #tpu.memory_space<vmem>> -> memref<1x128x64xf32, #tpu.memory_space<vmem>>
      %dma_start3A_213 = tpu.memref_squeeze %dma_start3A_212 : memref<1x128x64xf32, #tpu.memory_space<vmem>> -> memref<128x64xf32, #tpu.memory_space<vmem>>
      %dma_start3A_214 = arith.constant 0 : i32
      %dma_start3A_215 = tpu.memref_slice %arg11[%add3A_119, %dma_start3A_214] : memref<10240x64xf32, #tpu.memory_space<vmem_shared>> -> memref<128x64xf32, #tpu.memory_space<vmem_shared>>
      %dma_start3A_216 = arith.constant 0 : i32
      %dma_start3A_217 = tpu.memref_slice %arg11[%add3A_119, %dma_start3A_216] : memref<10240x64xf32, #tpu.memory_space<vmem_shared>> -> memref<128x64xf32, #tpu.memory_space<vmem_shared>>
      %dma_start3A_218 = arith.constant 0 : i32
      %dma_start3A_219 = arith.constant 0 : i32
      %dma_start3A_220 = tpu.memref_slice %arg10[%run_scoped3A_120, %dma_start3A_218, %dma_start3A_219] : memref<3x128x64xf32, #tpu.memory_space<vmem>> -> memref<1x128x64xf32, #tpu.memory_space<vmem>>
      %dma_start3A_221 = tpu.memref_squeeze %dma_start3A_220 : memref<1x128x64xf32, #tpu.memory_space<vmem>> -> memref<128x64xf32, #tpu.memory_space<vmem>>
      tpu.enqueue_dma source(%dma_start3A_221 : memref<128x64xf32, #tpu.memory_space<vmem>>) target(%dma_start3A_217 : memref<128x64xf32, #tpu.memory_space<vmem_shared>>) target_semaphore(%run_scoped3A_209 : memref<!tpu.dma_semaphore, #tpu.memory_space<semaphore_mem>>)
      %dma_wait3A_222 = arith.constant 0 : i32
      %dma_wait3A_223 = arith.constant 0 : i32
      %dma_wait3A_224 = tpu.memref_slice %arg10[%run_scoped3A_120, %dma_wait3A_222, %dma_wait3A_223] : memref<3x128x64xf32, #tpu.memory_space<vmem>> -> memref<1x128x64xf32, #tpu.memory_space<vmem>>
      %dma_wait3A_225 = tpu.memref_squeeze %dma_wait3A_224 : memref<1x128x64xf32, #tpu.memory_space<vmem>> -> memref<128x64xf32, #tpu.memory_space<vmem>>
      %dma_wait3A_226 = arith.constant 0 : i32
      %dma_wait3A_227 = tpu.memref_slice %arg11[%add3A_119, %dma_wait3A_226] : memref<10240x64xf32, #tpu.memory_space<vmem_shared>> -> memref<128x64xf32, #tpu.memory_space<vmem_shared>>
      %dma_wait3A_228 = arith.constant 0 : i32
      %dma_wait3A_229 = tpu.memref_slice %arg11[%add3A_119, %dma_wait3A_228] : memref<10240x64xf32, #tpu.memory_space<vmem_shared>> -> memref<128x64xf32, #tpu.memory_space<vmem_shared>>
      %dma_wait3A_230 = arith.constant 0 : i32
      %dma_wait3A_231 = arith.constant 0 : i32
      %dma_wait3A_232 = tpu.memref_slice %arg10[%run_scoped3A_120, %dma_wait3A_230, %dma_wait3A_231] : memref<3x128x64xf32, #tpu.memory_space<vmem>> -> memref<1x128x64xf32, #tpu.memory_space<vmem>>
      %dma_wait3A_233 = tpu.memref_squeeze %dma_wait3A_232 : memref<1x128x64xf32, #tpu.memory_space<vmem>> -> memref<128x64xf32, #tpu.memory_space<vmem>>
      tpu.wait_dma2 semaphore(%run_scoped3A_209 : memref<!tpu.dma_semaphore, #tpu.memory_space<semaphore_mem>>) src(%dma_wait3A_233 : memref<128x64xf32, #tpu.memory_space<vmem>>) dst(%dma_wait3A_229 : memref<128x64xf32, #tpu.memory_space<vmem_shared>>)
      tpu.yield
    }) : () -> ()
    %add3A_121 = arith.constant 512 : i32
    %add3A_122 = arith.addi %multiple_of3A, %add3A_121 : i32
    %run_scoped3A_123 = arith.constant 0 : i32
    "tpu.region"() ({
      %run_scoped3A_209 = tpu.sem_alloc : memref<!tpu.dma_semaphore, #tpu.memory_space<semaphore_mem>>
      %dma_start3A_210 = arith.constant 0 : i32
      %dma_start3A_211 = arith.constant 0 : i32
      %dma_start3A_212 = tpu.memref_slice %arg10[%run_scoped3A_123, %dma_start3A_210, %dma_start3A_211] : memref<3x128x64xf32, #tpu.memory_space<vmem>> -> memref<1x128x64xf32, #tpu.memory_space<vmem>>
      %dma_start3A_213 = tpu.memref_squeeze %dma_start3A_212 : memref<1x128x64xf32, #tpu.memory_space<vmem>> -> memref<128x64xf32, #tpu.memory_space<vmem>>
      %dma_start3A_214 = arith.constant 0 : i32
      %dma_start3A_215 = tpu.memref_slice %arg11[%add3A_122, %dma_start3A_214] : memref<10240x64xf32, #tpu.memory_space<vmem_shared>> -> memref<128x64xf32, #tpu.memory_space<vmem_shared>>
      %dma_start3A_216 = arith.constant 0 : i32
      %dma_start3A_217 = tpu.memref_slice %arg11[%add3A_122, %dma_start3A_216] : memref<10240x64xf32, #tpu.memory_space<vmem_shared>> -> memref<128x64xf32, #tpu.memory_space<vmem_shared>>
      %dma_start3A_218 = arith.constant 0 : i32
      %dma_start3A_219 = arith.constant 0 : i32
      %dma_start3A_220 = tpu.memref_slice %arg10[%run_scoped3A_123, %dma_start3A_218, %dma_start3A_219] : memref<3x128x64xf32, #tpu.memory_space<vmem>> -> memref<1x128x64xf32, #tpu.memory_space<vmem>>
      %dma_start3A_221 = tpu.memref_squeeze %dma_start3A_220 : memref<1x128x64xf32, #tpu.memory_space<vmem>> -> memref<128x64xf32, #tpu.memory_space<vmem>>
      tpu.enqueue_dma source(%dma_start3A_221 : memref<128x64xf32, #tpu.memory_space<vmem>>) target(%dma_start3A_217 : memref<128x64xf32, #tpu.memory_space<vmem_shared>>) target_semaphore(%run_scoped3A_209 : memref<!tpu.dma_semaphore, #tpu.memory_space<semaphore_mem>>)
      %dma_wait3A_222 = arith.constant 0 : i32
      %dma_wait3A_223 = arith.constant 0 : i32
      %dma_wait3A_224 = tpu.memref_slice %arg10[%run_scoped3A_123, %dma_wait3A_222, %dma_wait3A_223] : memref<3x128x64xf32, #tpu.memory_space<vmem>> -> memref<1x128x64xf32, #tpu.memory_space<vmem>>
      %dma_wait3A_225 = tpu.memref_squeeze %dma_wait3A_224 : memref<1x128x64xf32, #tpu.memory_space<vmem>> -> memref<128x64xf32, #tpu.memory_space<vmem>>
      %dma_wait3A_226 = arith.constant 0 : i32
      %dma_wait3A_227 = tpu.memref_slice %arg11[%add3A_122, %dma_wait3A_226] : memref<10240x64xf32, #tpu.memory_space<vmem_shared>> -> memref<128x64xf32, #tpu.memory_space<vmem_shared>>
      %dma_wait3A_228 = arith.constant 0 : i32
      %dma_wait3A_229 = tpu.memref_slice %arg11[%add3A_122, %dma_wait3A_228] : memref<10240x64xf32, #tpu.memory_space<vmem_shared>> -> memref<128x64xf32, #tpu.memory_space<vmem_shared>>
      %dma_wait3A_230 = arith.constant 0 : i32
      %dma_wait3A_231 = arith.constant 0 : i32
      %dma_wait3A_232 = tpu.memref_slice %arg10[%run_scoped3A_123, %dma_wait3A_230, %dma_wait3A_231] : memref<3x128x64xf32, #tpu.memory_space<vmem>> -> memref<1x128x64xf32, #tpu.memory_space<vmem>>
      %dma_wait3A_233 = tpu.memref_squeeze %dma_wait3A_232 : memref<1x128x64xf32, #tpu.memory_space<vmem>> -> memref<128x64xf32, #tpu.memory_space<vmem>>
      tpu.wait_dma2 semaphore(%run_scoped3A_209 : memref<!tpu.dma_semaphore, #tpu.memory_space<semaphore_mem>>) src(%dma_wait3A_233 : memref<128x64xf32, #tpu.memory_space<vmem>>) dst(%dma_wait3A_229 : memref<128x64xf32, #tpu.memory_space<vmem_shared>>)
      tpu.yield
    }) : () -> ()
    "tpu.region"() ({
      %run_scoped3A_209 = tpu.sem_alloc : memref<!tpu.dma_semaphore, #tpu.memory_space<semaphore_mem>>
      %dma_start3A_210 = arith.constant 0 : i32
      %dma_start3A_211 = tpu.memref_slice %arg12[%multiple_of3A, %dma_start3A_210] : memref<10240x64xf32, #tpu.memory_space<vmem_shared>> -> memref<640x64xf32, #tpu.memory_space<vmem_shared>>
      %dma_start3A_212 = arith.constant 0 : i32
      %dma_start3A_213 = tpu.memref_slice %arg3[%multiple_of3A, %dma_start3A_212] : memref<10240x64xf32, #tpu.memory_space<hbm>> -> memref<640x64xf32, #tpu.memory_space<hbm>>
      tpu.enqueue_dma source(%dma_start3A_213 : memref<640x64xf32, #tpu.memory_space<hbm>>) target(%dma_start3A_211 : memref<640x64xf32, #tpu.memory_space<vmem_shared>>) target_semaphore(%run_scoped3A_209 : memref<!tpu.dma_semaphore, #tpu.memory_space<semaphore_mem>>)
      %dma_wait3A_214 = arith.constant 0 : i32
      %dma_wait3A_215 = tpu.memref_slice %arg12[%multiple_of3A, %dma_wait3A_214] : memref<10240x64xf32, #tpu.memory_space<vmem_shared>> -> memref<640x64xf32, #tpu.memory_space<vmem_shared>>
      %dma_wait3A_216 = arith.constant 0 : i32
      %dma_wait3A_217 = tpu.memref_slice %arg3[%multiple_of3A, %dma_wait3A_216] : memref<10240x64xf32, #tpu.memory_space<hbm>> -> memref<640x64xf32, #tpu.memory_space<hbm>>
      tpu.wait_dma2 semaphore(%run_scoped3A_209 : memref<!tpu.dma_semaphore, #tpu.memory_space<semaphore_mem>>) src(%dma_wait3A_217 : memref<640x64xf32, #tpu.memory_space<hbm>>) dst(%dma_wait3A_215 : memref<640x64xf32, #tpu.memory_space<vmem_shared>>)
      tpu.yield
    }) : () -> ()
    %barrier3A_124 = arith.constant 0 : index
    tpu.barrier barrier_id(%barrier3A_124)
    %rem3A_125 = arith.constant 0 : i32
    %rem3A_126 = arith.constant 3 : i32
    %rem3A_127 = arith.remsi %rem3A_125, %rem3A_126 : i32
    %dma_start3A_128 = arith.constant 0 : i32
    %dma_start3A_129 = arith.constant 0 : i32
    %dma_start3A_130 = arith.constant 0 : i32
    %dma_start3A_131 = tpu.memref_slice %arg10[%rem3A_127, %dma_start3A_129, %dma_start3A_130] : memref<3x128x64xf32, #tpu.memory_space<vmem>> -> memref<1x128x64xf32, #tpu.memory_space<vmem>>
    %dma_start3A_132 = tpu.memref_squeeze %dma_start3A_131 : memref<1x128x64xf32, #tpu.memory_space<vmem>> -> memref<128x64xf32, #tpu.memory_space<vmem>>
    %dma_start3A_133 = arith.constant 0 : i32
    %dma_start3A_134 = tpu.memref_slice %arg8[%dma_start3A_128, %dma_start3A_133] : memref<80x128xi32, #tpu.memory_space<vmem>> -> memref<1x128xi32, #tpu.memory_space<vmem>>
    %dma_start3A_135 = tpu.memref_squeeze %dma_start3A_134 : memref<1x128xi32, #tpu.memory_space<vmem>> -> memref<128xi32, #tpu.memory_space<vmem>>
    %dma_start3A_136 = arith.constant 0 : i32
    %dma_start3A_137 = arith.constant 0 : i32
    %dma_start3A_138 = tpu.memref_slice %arg12[%dma_start3A_136, %dma_start3A_137] : memref<10240x64xf32, #tpu.memory_space<vmem_shared>> -> memref<10240x64xf32, #tpu.memory_space<vmem_shared>>
    %dma_start3A_139 = tpu.memref_slice %arg14[%rem3A_127] : memref<3x!tpu.dma_semaphore, #tpu.memory_space<semaphore_mem>> -> memref<1x!tpu.dma_semaphore, #tpu.memory_space<semaphore_mem>>
    %dma_start3A_140 = tpu.memref_squeeze %dma_start3A_139 : memref<1x!tpu.dma_semaphore, #tpu.memory_space<semaphore_mem>> -> memref<!tpu.dma_semaphore, #tpu.memory_space<semaphore_mem>>
    tpu.enqueue_indirect_dma source(%dma_start3A_138 : memref<10240x64xf32, #tpu.memory_space<vmem_shared>>) target(%dma_start3A_132 : memref<128x64xf32, #tpu.memory_space<vmem>>) offsets(%dma_start3A_135 : memref<128xi32, #tpu.memory_space<vmem>>) semaphore(%dma_start3A_140 : memref<!tpu.dma_semaphore, #tpu.memory_space<semaphore_mem>>)
    %rem3A_141 = arith.constant 1 : i32
    %rem3A_142 = arith.constant 3 : i32
    %rem3A_143 = arith.remsi %rem3A_141, %rem3A_142 : i32
    %dma_start3A_144 = arith.constant 1 : i32
    %dma_start3A_145 = arith.constant 0 : i32
    %dma_start3A_146 = arith.constant 0 : i32
    %dma_start3A_147 = tpu.memref_slice %arg10[%rem3A_143, %dma_start3A_145, %dma_start3A_146] : memref<3x128x64xf32, #tpu.memory_space<vmem>> -> memref<1x128x64xf32, #tpu.memory_space<vmem>>
    %dma_start3A_148 = tpu.memref_squeeze %dma_start3A_147 : memref<1x128x64xf32, #tpu.memory_space<vmem>> -> memref<128x64xf32, #tpu.memory_space<vmem>>
    %dma_start3A_149 = arith.constant 0 : i32
    %dma_start3A_150 = tpu.memref_slice %arg8[%dma_start3A_144, %dma_start3A_149] : memref<80x128xi32, #tpu.memory_space<vmem>> -> memref<1x128xi32, #tpu.memory_space<vmem>>
    %dma_start3A_151 = tpu.memref_squeeze %dma_start3A_150 : memref<1x128xi32, #tpu.memory_space<vmem>> -> memref<128xi32, #tpu.memory_space<vmem>>
    %dma_start3A_152 = arith.constant 0 : i32
    %dma_start3A_153 = arith.constant 0 : i32
    %dma_start3A_154 = tpu.memref_slice %arg12[%dma_start3A_152, %dma_start3A_153] : memref<10240x64xf32, #tpu.memory_space<vmem_shared>> -> memref<10240x64xf32, #tpu.memory_space<vmem_shared>>
    %dma_start3A_155 = tpu.memref_slice %arg14[%rem3A_143] : memref<3x!tpu.dma_semaphore, #tpu.memory_space<semaphore_mem>> -> memref<1x!tpu.dma_semaphore, #tpu.memory_space<semaphore_mem>>
    %dma_start3A_156 = tpu.memref_squeeze %dma_start3A_155 : memref<1x!tpu.dma_semaphore, #tpu.memory_space<semaphore_mem>> -> memref<!tpu.dma_semaphore, #tpu.memory_space<semaphore_mem>>
    tpu.enqueue_indirect_dma source(%dma_start3A_154 : memref<10240x64xf32, #tpu.memory_space<vmem_shared>>) target(%dma_start3A_148 : memref<128x64xf32, #tpu.memory_space<vmem>>) offsets(%dma_start3A_151 : memref<128xi32, #tpu.memory_space<vmem>>) semaphore(%dma_start3A_156 : memref<!tpu.dma_semaphore, #tpu.memory_space<semaphore_mem>>)
    %scan3A_157 = arith.constant 0 : i32
    %scan3A_158 = arith.constant 0 : i32
    %scan3A_159 = arith.constant 80 : i32
    %scan3A_160 = arith.addi %scan3A_158, %scan3A_159 : i32
    %scan3A_161 = arith.constant 1 : i32
    scf.for %scan3A_209 = %scan3A_158 to %scan3A_160 step %scan3A_161  : i32 {
      %rem3A_210 = arith.constant 3 : i32
      %rem3A_211 = arith.remsi %scan3A_209, %rem3A_210 : i32
      %dma_wait3A_212 = arith.constant 0 : i32
      %dma_wait3A_213 = arith.constant 0 : i32
      %dma_wait3A_214 = arith.constant 0 : i32
      %dma_wait3A_215 = arith.constant 0 : i32
      %dma_wait3A_216 = tpu.memref_slice %arg10[%dma_wait3A_213, %dma_wait3A_214, %dma_wait3A_215] : memref<3x128x64xf32, #tpu.memory_space<vmem>> -> memref<1x128x64xf32, #tpu.memory_space<vmem>>
      %dma_wait3A_217 = tpu.memref_squeeze %dma_wait3A_216 : memref<1x128x64xf32, #tpu.memory_space<vmem>> -> memref<128x64xf32, #tpu.memory_space<vmem>>
      %dma_wait3A_218 = arith.constant 0 : i32
      %dma_wait3A_219 = tpu.memref_slice %arg8[%dma_wait3A_212, %dma_wait3A_218] : memref<80x128xi32, #tpu.memory_space<vmem>> -> memref<1x128xi32, #tpu.memory_space<vmem>>
      %dma_wait3A_220 = tpu.memref_squeeze %dma_wait3A_219 : memref<1x128xi32, #tpu.memory_space<vmem>> -> memref<128xi32, #tpu.memory_space<vmem>>
      %dma_wait3A_221 = arith.constant 0 : i32
      %dma_wait3A_222 = arith.constant 0 : i32
      %dma_wait3A_223 = tpu.memref_slice %arg12[%dma_wait3A_221, %dma_wait3A_222] : memref<10240x64xf32, #tpu.memory_space<vmem_shared>> -> memref<10240x64xf32, #tpu.memory_space<vmem_shared>>
      %dma_wait3A_224 = tpu.memref_slice %arg14[%rem3A_211] : memref<3x!tpu.dma_semaphore, #tpu.memory_space<semaphore_mem>> -> memref<1x!tpu.dma_semaphore, #tpu.memory_space<semaphore_mem>>
      %dma_wait3A_225 = tpu.memref_squeeze %dma_wait3A_224 : memref<1x!tpu.dma_semaphore, #tpu.memory_space<semaphore_mem>> -> memref<!tpu.dma_semaphore, #tpu.memory_space<semaphore_mem>>
      tpu.wait_indirect_dma semaphore(%dma_wait3A_225 : memref<!tpu.dma_semaphore, #tpu.memory_space<semaphore_mem>>) src(%dma_wait3A_223 : memref<10240x64xf32, #tpu.memory_space<vmem_shared>>) dst(%dma_wait3A_217 : memref<128x64xf32, #tpu.memory_space<vmem>>)
      %dma_start3A_226 = arith.constant 0 : i32
      %dma_start3A_227 = arith.constant 0 : i32
      %dma_start3A_228 = tpu.memref_slice %arg10[%rem3A_211, %dma_start3A_226, %dma_start3A_227] : memref<3x128x64xf32, #tpu.memory_space<vmem>> -> memref<1x128x64xf32, #tpu.memory_space<vmem>>
      %dma_start3A_229 = tpu.memref_squeeze %dma_start3A_228 : memref<1x128x64xf32, #tpu.memory_space<vmem>> -> memref<128x64xf32, #tpu.memory_space<vmem>>
      %dma_start3A_230 = arith.constant 0 : i32
      %dma_start3A_231 = tpu.memref_slice %arg9[%scan3A_209, %dma_start3A_230] : memref<80x128xi32, #tpu.memory_space<vmem>> -> memref<1x128xi32, #tpu.memory_space<vmem>>
      %dma_start3A_232 = tpu.memref_squeeze %dma_start3A_231 : memref<1x128xi32, #tpu.memory_space<vmem>> -> memref<128xi32, #tpu.memory_space<vmem>>
      %dma_start3A_233 = arith.constant 0 : i32
      %dma_start3A_234 = arith.constant 0 : i32
      %dma_start3A_235 = tpu.memref_slice %arg11[%dma_start3A_233, %dma_start3A_234] : memref<10240x64xf32, #tpu.memory_space<vmem_shared>> -> memref<10240x64xf32, #tpu.memory_space<vmem_shared>>
      %dma_start3A_236 = tpu.memref_slice %arg13[%rem3A_211] : memref<3x!tpu.dma_semaphore, #tpu.memory_space<semaphore_mem>> -> memref<1x!tpu.dma_semaphore, #tpu.memory_space<semaphore_mem>>
      %dma_start3A_237 = tpu.memref_squeeze %dma_start3A_236 : memref<1x!tpu.dma_semaphore, #tpu.memory_space<semaphore_mem>> -> memref<!tpu.dma_semaphore, #tpu.memory_space<semaphore_mem>>
      tpu.enqueue_indirect_dma source(%dma_start3A_229 : memref<128x64xf32, #tpu.memory_space<vmem>>) target(%dma_start3A_235 : memref<10240x64xf32, #tpu.memory_space<vmem_shared>>) offsets(%dma_start3A_232 : memref<128xi32, #tpu.memory_space<vmem>>) semaphore(%dma_start3A_237 : memref<!tpu.dma_semaphore, #tpu.memory_space<semaphore_mem>>) {add = true}
      %add3A_238 = arith.constant 2 : i32
      %add3A_239 = arith.addi %scan3A_209, %add3A_238 : i32
      %lt3A = arith.constant 80 : i32
      %lt3A_240 = arith.cmpi slt, %add3A_239, %lt3A : i32
      %convert_element_type3A = arith.extui %lt3A_240 : i1 to i32
      %cond3A = arith.constant 0 : i32
      %cond3A_241 = arith.cmpi ne, %convert_element_type3A, %cond3A : i32
      scf.if %cond3A_241 {
        %ge3A = arith.constant 3 : i32
        %ge3A_242 = arith.cmpi sge, %add3A_239, %ge3A : i32
        %convert_element_type3A_243 = arith.extui %ge3A_242 : i1 to i32
        %cond3A_244 = arith.constant 0 : i32
        %cond3A_245 = arith.cmpi ne, %convert_element_type3A_243, %cond3A_244 : i32
        scf.if %cond3A_245 {
          %rem3A_260 = arith.constant 3 : i32
          %rem3A_261 = arith.remsi %add3A_239, %rem3A_260 : i32
          %dma_wait3A_262 = arith.constant 0 : i32
          %dma_wait3A_263 = arith.constant 0 : i32
          %dma_wait3A_264 = arith.constant 0 : i32
          %dma_wait3A_265 = arith.constant 0 : i32
          %dma_wait3A_266 = tpu.memref_slice %arg10[%dma_wait3A_262, %dma_wait3A_264, %dma_wait3A_265] : memref<3x128x64xf32, #tpu.memory_space<vmem>> -> memref<1x128x64xf32, #tpu.memory_space<vmem>>
          %dma_wait3A_267 = tpu.memref_squeeze %dma_wait3A_266 : memref<1x128x64xf32, #tpu.memory_space<vmem>> -> memref<128x64xf32, #tpu.memory_space<vmem>>
          %dma_wait3A_268 = arith.constant 0 : i32
          %dma_wait3A_269 = tpu.memref_slice %arg9[%dma_wait3A_263, %dma_wait3A_268] : memref<80x128xi32, #tpu.memory_space<vmem>> -> memref<1x128xi32, #tpu.memory_space<vmem>>
          %dma_wait3A_270 = tpu.memref_squeeze %dma_wait3A_269 : memref<1x128xi32, #tpu.memory_space<vmem>> -> memref<128xi32, #tpu.memory_space<vmem>>
          %dma_wait3A_271 = arith.constant 0 : i32
          %dma_wait3A_272 = arith.constant 0 : i32
          %dma_wait3A_273 = tpu.memref_slice %arg11[%dma_wait3A_271, %dma_wait3A_272] : memref<10240x64xf32, #tpu.memory_space<vmem_shared>> -> memref<10240x64xf32, #tpu.memory_space<vmem_shared>>
          %dma_wait3A_274 = tpu.memref_slice %arg13[%rem3A_261] : memref<3x!tpu.dma_semaphore, #tpu.memory_space<semaphore_mem>> -> memref<1x!tpu.dma_semaphore, #tpu.memory_space<semaphore_mem>>
          %dma_wait3A_275 = tpu.memref_squeeze %dma_wait3A_274 : memref<1x!tpu.dma_semaphore, #tpu.memory_space<semaphore_mem>> -> memref<!tpu.dma_semaphore, #tpu.memory_space<semaphore_mem>>
          tpu.wait_indirect_dma semaphore(%dma_wait3A_275 : memref<!tpu.dma_semaphore, #tpu.memory_space<semaphore_mem>>) src(%dma_wait3A_267 : memref<128x64xf32, #tpu.memory_space<vmem>>) dst(%dma_wait3A_273 : memref<10240x64xf32, #tpu.memory_space<vmem_shared>>)
        } else {
        }
        %rem3A_246 = arith.constant 3 : i32
        %rem3A_247 = arith.remsi %add3A_239, %rem3A_246 : i32
        %dma_start3A_248 = arith.constant 0 : i32
        %dma_start3A_249 = arith.constant 0 : i32
        %dma_start3A_250 = tpu.memref_slice %arg10[%rem3A_247, %dma_start3A_248, %dma_start3A_249] : memref<3x128x64xf32, #tpu.memory_space<vmem>> -> memref<1x128x64xf32, #tpu.memory_space<vmem>>
        %dma_start3A_251 = tpu.memref_squeeze %dma_start3A_250 : memref<1x128x64xf32, #tpu.memory_space<vmem>> -> memref<128x64xf32, #tpu.memory_space<vmem>>
        %dma_start3A_252 = arith.constant 0 : i32
        %dma_start3A_253 = tpu.memref_slice %arg8[%add3A_239, %dma_start3A_252] : memref<80x128xi32, #tpu.memory_space<vmem>> -> memref<1x128xi32, #tpu.memory_space<vmem>>
        %dma_start3A_254 = tpu.memref_squeeze %dma_start3A_253 : memref<1x128xi32, #tpu.memory_space<vmem>> -> memref<128xi32, #tpu.memory_space<vmem>>
        %dma_start3A_255 = arith.constant 0 : i32
        %dma_start3A_256 = arith.constant 0 : i32
        %dma_start3A_257 = tpu.memref_slice %arg12[%dma_start3A_255, %dma_start3A_256] : memref<10240x64xf32, #tpu.memory_space<vmem_shared>> -> memref<10240x64xf32, #tpu.memory_space<vmem_shared>>
        %dma_start3A_258 = tpu.memref_slice %arg14[%rem3A_247] : memref<3x!tpu.dma_semaphore, #tpu.memory_space<semaphore_mem>> -> memref<1x!tpu.dma_semaphore, #tpu.memory_space<semaphore_mem>>
        %dma_start3A_259 = tpu.memref_squeeze %dma_start3A_258 : memref<1x!tpu.dma_semaphore, #tpu.memory_space<semaphore_mem>> -> memref<!tpu.dma_semaphore, #tpu.memory_space<semaphore_mem>>
        tpu.enqueue_indirect_dma source(%dma_start3A_257 : memref<10240x64xf32, #tpu.memory_space<vmem_shared>>) target(%dma_start3A_251 : memref<128x64xf32, #tpu.memory_space<vmem>>) offsets(%dma_start3A_254 : memref<128xi32, #tpu.memory_space<vmem>>) semaphore(%dma_start3A_259 : memref<!tpu.dma_semaphore, #tpu.memory_space<semaphore_mem>>)
      } else {
      }
    }
    %scan3A_162 = arith.constant 80 : i32
    %dma_wait3A_163 = arith.constant 0 : i32
    %dma_wait3A_164 = arith.constant 0 : i32
    %dma_wait3A_165 = arith.constant 0 : i32
    %dma_wait3A_166 = arith.constant 0 : i32
    %dma_wait3A_167 = arith.constant 0 : i32
    %dma_wait3A_168 = tpu.memref_slice %arg10[%dma_wait3A_163, %dma_wait3A_166, %dma_wait3A_167] : memref<3x128x64xf32, #tpu.memory_space<vmem>> -> memref<1x128x64xf32, #tpu.memory_space<vmem>>
    %dma_wait3A_169 = tpu.memref_squeeze %dma_wait3A_168 : memref<1x128x64xf32, #tpu.memory_space<vmem>> -> memref<128x64xf32, #tpu.memory_space<vmem>>
    %dma_wait3A_170 = arith.constant 0 : i32
    %dma_wait3A_171 = tpu.memref_slice %arg9[%dma_wait3A_164, %dma_wait3A_170] : memref<80x128xi32, #tpu.memory_space<vmem>> -> memref<1x128xi32, #tpu.memory_space<vmem>>
    %dma_wait3A_172 = tpu.memref_squeeze %dma_wait3A_171 : memref<1x128xi32, #tpu.memory_space<vmem>> -> memref<128xi32, #tpu.memory_space<vmem>>
    %dma_wait3A_173 = arith.constant 0 : i32
    %dma_wait3A_174 = arith.constant 0 : i32
    %dma_wait3A_175 = tpu.memref_slice %arg11[%dma_wait3A_173, %dma_wait3A_174] : memref<10240x64xf32, #tpu.memory_space<vmem_shared>> -> memref<10240x64xf32, #tpu.memory_space<vmem_shared>>
    %dma_wait3A_176 = tpu.memref_slice %arg13[%dma_wait3A_165] : memref<3x!tpu.dma_semaphore, #tpu.memory_space<semaphore_mem>> -> memref<1x!tpu.dma_semaphore, #tpu.memory_space<semaphore_mem>>
    %dma_wait3A_177 = tpu.memref_squeeze %dma_wait3A_176 : memref<1x!tpu.dma_semaphore, #tpu.memory_space<semaphore_mem>> -> memref<!tpu.dma_semaphore, #tpu.memory_space<semaphore_mem>>
    tpu.wait_indirect_dma semaphore(%dma_wait3A_177 : memref<!tpu.dma_semaphore, #tpu.memory_space<semaphore_mem>>) src(%dma_wait3A_169 : memref<128x64xf32, #tpu.memory_space<vmem>>) dst(%dma_wait3A_175 : memref<10240x64xf32, #tpu.memory_space<vmem_shared>>)
    %dma_wait3A_178 = arith.constant 0 : i32
    %dma_wait3A_179 = arith.constant 0 : i32
    %dma_wait3A_180 = arith.constant 1 : i32
    %dma_wait3A_181 = arith.constant 0 : i32
    %dma_wait3A_182 = arith.constant 0 : i32
    %dma_wait3A_183 = tpu.memref_slice %arg10[%dma_wait3A_178, %dma_wait3A_181, %dma_wait3A_182] : memref<3x128x64xf32, #tpu.memory_space<vmem>> -> memref<1x128x64xf32, #tpu.memory_space<vmem>>
    %dma_wait3A_184 = tpu.memref_squeeze %dma_wait3A_183 : memref<1x128x64xf32, #tpu.memory_space<vmem>> -> memref<128x64xf32, #tpu.memory_space<vmem>>
    %dma_wait3A_185 = arith.constant 0 : i32
    %dma_wait3A_186 = tpu.memref_slice %arg9[%dma_wait3A_179, %dma_wait3A_185] : memref<80x128xi32, #tpu.memory_space<vmem>> -> memref<1x128xi32, #tpu.memory_space<vmem>>
    %dma_wait3A_187 = tpu.memref_squeeze %dma_wait3A_186 : memref<1x128xi32, #tpu.memory_space<vmem>> -> memref<128xi32, #tpu.memory_space<vmem>>
    %dma_wait3A_188 = arith.constant 0 : i32
    %dma_wait3A_189 = arith.constant 0 : i32
    %dma_wait3A_190 = tpu.memref_slice %arg11[%dma_wait3A_188, %dma_wait3A_189] : memref<10240x64xf32, #tpu.memory_space<vmem_shared>> -> memref<10240x64xf32, #tpu.memory_space<vmem_shared>>
    %dma_wait3A_191 = tpu.memref_slice %arg13[%dma_wait3A_180] : memref<3x!tpu.dma_semaphore, #tpu.memory_space<semaphore_mem>> -> memref<1x!tpu.dma_semaphore, #tpu.memory_space<semaphore_mem>>
    %dma_wait3A_192 = tpu.memref_squeeze %dma_wait3A_191 : memref<1x!tpu.dma_semaphore, #tpu.memory_space<semaphore_mem>> -> memref<!tpu.dma_semaphore, #tpu.memory_space<semaphore_mem>>
    tpu.wait_indirect_dma semaphore(%dma_wait3A_192 : memref<!tpu.dma_semaphore, #tpu.memory_space<semaphore_mem>>) src(%dma_wait3A_184 : memref<128x64xf32, #tpu.memory_space<vmem>>) dst(%dma_wait3A_190 : memref<10240x64xf32, #tpu.memory_space<vmem_shared>>)
    %dma_wait3A_193 = arith.constant 0 : i32
    %dma_wait3A_194 = arith.constant 0 : i32
    %dma_wait3A_195 = arith.constant 2 : i32
    %dma_wait3A_196 = arith.constant 0 : i32
    %dma_wait3A_197 = arith.constant 0 : i32
    %dma_wait3A_198 = tpu.memref_slice %arg10[%dma_wait3A_193, %dma_wait3A_196, %dma_wait3A_197] : memref<3x128x64xf32, #tpu.memory_space<vmem>> -> memref<1x128x64xf32, #tpu.memory_space<vmem>>
    %dma_wait3A_199 = tpu.memref_squeeze %dma_wait3A_198 : memref<1x128x64xf32, #tpu.memory_space<vmem>> -> memref<128x64xf32, #tpu.memory_space<vmem>>
    %dma_wait3A_200 = arith.constant 0 : i32
    %dma_wait3A_201 = tpu.memref_slice %arg9[%dma_wait3A_194, %dma_wait3A_200] : memref<80x128xi32, #tpu.memory_space<vmem>> -> memref<1x128xi32, #tpu.memory_space<vmem>>
    %dma_wait3A_202 = tpu.memref_squeeze %dma_wait3A_201 : memref<1x128xi32, #tpu.memory_space<vmem>> -> memref<128xi32, #tpu.memory_space<vmem>>
    %dma_wait3A_203 = arith.constant 0 : i32
    %dma_wait3A_204 = arith.constant 0 : i32
    %dma_wait3A_205 = tpu.memref_slice %arg11[%dma_wait3A_203, %dma_wait3A_204] : memref<10240x64xf32, #tpu.memory_space<vmem_shared>> -> memref<10240x64xf32, #tpu.memory_space<vmem_shared>>
    %dma_wait3A_206 = tpu.memref_slice %arg13[%dma_wait3A_195] : memref<3x!tpu.dma_semaphore, #tpu.memory_space<semaphore_mem>> -> memref<1x!tpu.dma_semaphore, #tpu.memory_space<semaphore_mem>>
    %dma_wait3A_207 = tpu.memref_squeeze %dma_wait3A_206 : memref<1x!tpu.dma_semaphore, #tpu.memory_space<semaphore_mem>> -> memref<!tpu.dma_semaphore, #tpu.memory_space<semaphore_mem>>
    tpu.wait_indirect_dma semaphore(%dma_wait3A_207 : memref<!tpu.dma_semaphore, #tpu.memory_space<semaphore_mem>>) src(%dma_wait3A_199 : memref<128x64xf32, #tpu.memory_space<vmem>>) dst(%dma_wait3A_205 : memref<10240x64xf32, #tpu.memory_space<vmem_shared>>)
    %barrier3A_208 = arith.constant 0 : index
    tpu.barrier barrier_id(%barrier3A_208)
    "tpu.region"() ({
      %run_scoped3A_209 = tpu.sem_alloc : memref<!tpu.dma_semaphore, #tpu.memory_space<semaphore_mem>>
      %dma_start3A_210 = arith.constant 0 : i32
      %dma_start3A_211 = tpu.memref_slice %arg7[%arg0, %multiple_of3A, %dma_start3A_210] : memref<2x10240x64xf32, #tpu.memory_space<hbm>> -> memref<1x640x64xf32, #tpu.memory_space<hbm>>
      %dma_start3A_212 = tpu.memref_squeeze %dma_start3A_211 : memref<1x640x64xf32, #tpu.memory_space<hbm>> -> memref<640x64xf32, #tpu.memory_space<hbm>>
      %dma_start3A_213 = arith.constant 0 : i32
      %dma_start3A_214 = tpu.memref_slice %arg11[%multiple_of3A, %dma_start3A_213] : memref<10240x64xf32, #tpu.memory_space<vmem_shared>> -> memref<640x64xf32, #tpu.memory_space<vmem_shared>>
      tpu.enqueue_dma source(%dma_start3A_214 : memref<640x64xf32, #tpu.memory_space<vmem_shared>>) target(%dma_start3A_212 : memref<640x64xf32, #tpu.memory_space<hbm>>) target_semaphore(%run_scoped3A_209 : memref<!tpu.dma_semaphore, #tpu.memory_space<semaphore_mem>>)
      %dma_wait3A_215 = arith.constant 0 : i32
      %dma_wait3A_216 = tpu.memref_slice %arg7[%arg0, %multiple_of3A, %dma_wait3A_215] : memref<2x10240x64xf32, #tpu.memory_space<hbm>> -> memref<1x640x64xf32, #tpu.memory_space<hbm>>
      %dma_wait3A_217 = tpu.memref_squeeze %dma_wait3A_216 : memref<1x640x64xf32, #tpu.memory_space<hbm>> -> memref<640x64xf32, #tpu.memory_space<hbm>>
      %dma_wait3A_218 = arith.constant 0 : i32
      %dma_wait3A_219 = tpu.memref_slice %arg11[%multiple_of3A, %dma_wait3A_218] : memref<10240x64xf32, #tpu.memory_space<vmem_shared>> -> memref<640x64xf32, #tpu.memory_space<vmem_shared>>
      tpu.wait_dma2 semaphore(%run_scoped3A_209 : memref<!tpu.dma_semaphore, #tpu.memory_space<semaphore_mem>>) src(%dma_wait3A_219 : memref<640x64xf32, #tpu.memory_space<vmem_shared>>) dst(%dma_wait3A_217 : memref<640x64xf32, #tpu.memory_space<hbm>>)
      tpu.yield
    }) : () -> ()
    return
  }
}

module attributes {stable_mosaic.version = 14 : i64} {
  func.func @_layer1_body(%arg0: i32, %arg1: memref<512x16xf32, #tpu.memory_space<vmem>>, %arg2: memref<2x512x16xf32, #tpu.memory_space<vmem>>, %arg3: memref<512x16xf32, #tpu.memory_space<vmem>>, %arg4: memref<16x128xf32, #tpu.memory_space<vmem>>, %arg5: memref<1x128xf32, #tpu.memory_space<vmem>>, %arg6: memref<512x64xf32, #tpu.memory_space<vmem>>, %arg7: memref<512x64xf32, #tpu.memory_space<vmem>>) attributes {dimension_semantics = [#tpu.dimension_semantics<arbitrary>], iteration_bounds = array<i64: 20>, scalar_prefetch = 0 : i64, scratch_operands = 0 : i64, tpu.core_type = #tpu.core_type<tc>, window_params = [{transform_indices = @transform_0, window_bounds = array<i64: 512, 16>}, {transform_indices = @transform_1, window_bounds = array<i64: 2, 512, 16>}, {transform_indices = @transform_2, window_bounds = array<i64: 512, 16>}, {pipeline_mode = #tpu.pipeline_mode<synchronous>, transform_indices = @transform_3, window_bounds = array<i64: 16, 128>}, {pipeline_mode = #tpu.pipeline_mode<synchronous>, transform_indices = @transform_4, window_bounds = array<i64: 1, 128>}, {transform_indices = @transform_5, window_bounds = array<i64: 512, 64>}, {transform_indices = @transform_6, window_bounds = array<i64: 512, 64>}]} {
    %get3A = arith.constant 0 : index
    %get3A_0 = arith.constant 4 : index
    %get3A_1 = vector.load %arg1[%get3A, %get3A_0] : memref<512x16xf32, #tpu.memory_space<vmem>>, vector<512x1xf32>
    %get3A_2 = arith.constant 0 : index
    %get3A_3 = arith.constant 0 : index
    %get3A_4 = arith.constant 0 : index
    %get3A_5 = vector.load %arg2[%get3A_2, %get3A_3, %get3A_4] : memref<2x512x16xf32, #tpu.memory_space<vmem>>, vector<1x512x16xf32>
    %get3A_6 = vector.shape_cast %get3A_5 : vector<1x512x16xf32> to vector<512x16xf32>
    %get3A_7 = arith.constant 1 : index
    %get3A_8 = arith.constant 0 : index
    %get3A_9 = arith.constant 0 : index
    %get3A_10 = vector.load %arg2[%get3A_7, %get3A_8, %get3A_9] : memref<2x512x16xf32, #tpu.memory_space<vmem>>, vector<1x512x16xf32>
    %get3A_11 = vector.shape_cast %get3A_10 : vector<1x512x16xf32> to vector<512x16xf32>
    %add3A = arith.addf %get3A_6, %get3A_11 : vector<512x16xf32>
    %mul3A = vector.broadcast %get3A_1 : vector<512x1xf32> to vector<512x16xf32>
    %mul3A_12 = arith.mulf %add3A, %mul3A : vector<512x16xf32>
    %get3A_13 = arith.constant 0 : index
    %get3A_14 = arith.constant 0 : index
    %get3A_15 = vector.load %arg3[%get3A_13, %get3A_14] : memref<512x16xf32, #tpu.memory_space<vmem>>, vector<512x16xf32>
    %mul3A_16 = arith.mulf %get3A_1, %get3A_1 : vector<512x1xf32>
    %mul3A_17 = vector.broadcast %mul3A_16 : vector<512x1xf32> to vector<512x16xf32>
    %mul3A_18 = arith.mulf %get3A_15, %mul3A_17 : vector<512x16xf32>
    %add3A_19 = arith.addf %mul3A_12, %mul3A_18 : vector<512x16xf32>
    %get3A_20 = arith.constant 0 : index
    %get3A_21 = arith.constant 0 : index
    %get3A_22 = vector.load %arg4[%get3A_20, %get3A_21] : memref<16x128xf32, #tpu.memory_space<vmem>>, vector<16x128xf32>
    %dot_general3A = arith.constant dense<0.000000e+00> : vector<512x128xf32>
    %dot_general3A_23 = tpu.matmul %add3A_19, %get3A_22, %dot_general3A {dimension_numbers = #tpu.dot_dimension_numbers<[1], [0], [0], [1], [0, 0, 1, 1], [], []>, transpose_lhs_hint = false} : vector<512x16xf32>, vector<16x128xf32>, vector<512x128xf32> -> vector<512x128xf32>
    %get3A_24 = arith.constant 0 : index
    %get3A_25 = arith.constant 0 : index
    %get3A_26 = vector.load %arg5[%get3A_24, %get3A_25] : memref<1x128xf32, #tpu.memory_space<vmem>>, vector<1x128xf32>
    %add3A_27 = vector.broadcast %get3A_26 : vector<1x128xf32> to vector<512x128xf32>
    %add3A_28 = arith.addf %dot_general3A_23, %add3A_27 : vector<512x128xf32>
    %max3A = arith.constant 0.000000e+00 : f32
    %max3A_29 = vector.broadcast %max3A : f32 to vector<512x128xf32>
    %max3A_30 = arith.maximumf %add3A_28, %max3A_29 : vector<512x128xf32>
    %mul3A_31 = vector.broadcast %get3A_1 : vector<512x1xf32> to vector<512x128xf32>
    %mul3A_32 = arith.mulf %max3A_30, %mul3A_31 : vector<512x128xf32>
    %slice3A = vector.extract_strided_slice %mul3A_32 {offsets = [0, 0], sizes = [512, 64], strides = [1, 1]} : vector<512x128xf32> to vector<512x64xf32>
    %swap3A = arith.constant 0 : index
    %swap3A_33 = arith.constant 0 : index
    %swap3A_34 = vector.load %arg6[%swap3A, %swap3A_33] : memref<512x64xf32, #tpu.memory_space<vmem>>, vector<512x64xf32>
    tpu.vector_store %arg6[%swap3A, %swap3A_33], %slice3A {strides = array<i32>} : memref<512x64xf32, #tpu.memory_space<vmem>>, vector<512x64xf32>,
    %slice3A_35 = vector.extract_strided_slice %mul3A_32 {offsets = [0, 64], sizes = [512, 64], strides = [1, 1]} : vector<512x128xf32> to vector<512x64xf32>
    %swap3A_36 = arith.constant 0 : index
    %swap3A_37 = arith.constant 0 : index
    %swap3A_38 = vector.load %arg7[%swap3A_36, %swap3A_37] : memref<512x64xf32, #tpu.memory_space<vmem>>, vector<512x64xf32>
    tpu.vector_store %arg7[%swap3A_36, %swap3A_37], %slice3A_35 {strides = array<i32>} : memref<512x64xf32, #tpu.memory_space<vmem>>, vector<512x64xf32>,
    return
  }
  func.func @transform_0(%arg0: i32) -> (i32, i32) {
    %c0_i32 = arith.constant 0 : i32
    %c0_i32_0 = arith.constant 0 : i32
    return %arg0, %c0_i32 : i32, i32
  }
  func.func @transform_1(%arg0: i32) -> (i32, i32, i32) {
    %c0_i32 = arith.constant 0 : i32
    %c0_i32_0 = arith.constant 0 : i32
    %c0_i32_1 = arith.constant 0 : i32
    return %c0_i32, %arg0, %c0_i32_0 : i32, i32, i32
  }
  func.func @transform_2(%arg0: i32) -> (i32, i32) {
    %c0_i32 = arith.constant 0 : i32
    %c0_i32_0 = arith.constant 0 : i32
    return %arg0, %c0_i32 : i32, i32
  }
  func.func @transform_3(%arg0: i32) -> (i32, i32) {
    %c0_i32 = arith.constant 0 : i32
    %c0_i32_0 = arith.constant 0 : i32
    %c0_i32_1 = arith.constant 0 : i32
    return %c0_i32, %c0_i32_0 : i32, i32
  }
  func.func @transform_4(%arg0: i32) -> (i32, i32) {
    %c0_i32 = arith.constant 0 : i32
    %c0_i32_0 = arith.constant 0 : i32
    %c0_i32_1 = arith.constant 0 : i32
    return %c0_i32, %c0_i32_0 : i32, i32
  }
  func.func @transform_5(%arg0: i32) -> (i32, i32) {
    %c0_i32 = arith.constant 0 : i32
    %c0_i32_0 = arith.constant 0 : i32
    return %arg0, %c0_i32 : i32, i32
  }
  func.func @transform_6(%arg0: i32) -> (i32, i32) {
    %c0_i32 = arith.constant 0 : i32
    %c0_i32_0 = arith.constant 0 : i32
    return %arg0, %c0_i32 : i32, i32
  }
}

module attributes {stable_mosaic.version = 14 : i64} {
  func.func @_layer2_body(%arg0: i32, %arg1: memref<400x16xf32, #tpu.memory_space<vmem>>, %arg2: memref<2x400x64xf32, #tpu.memory_space<vmem>>, %arg3: memref<2x400x64xf32, #tpu.memory_space<vmem>>, %arg4: memref<400x64xf32, #tpu.memory_space<vmem>>, %arg5: memref<400x64xf32, #tpu.memory_space<vmem>>, %arg6: memref<128x128xf32, #tpu.memory_space<vmem>>, %arg7: memref<1x128xf32, #tpu.memory_space<vmem>>, %arg8: memref<400x128xf32, #tpu.memory_space<vmem>>) attributes {dimension_semantics = [#tpu.dimension_semantics<arbitrary>], iteration_bounds = array<i64: 25>, scalar_prefetch = 0 : i64, scratch_operands = 0 : i64, tpu.core_type = #tpu.core_type<tc>, window_params = [{transform_indices = @transform_0, window_bounds = array<i64: 400, 16>}, {transform_indices = @transform_1, window_bounds = array<i64: 2, 400, 64>}, {transform_indices = @transform_2, window_bounds = array<i64: 2, 400, 64>}, {transform_indices = @transform_3, window_bounds = array<i64: 400, 64>}, {transform_indices = @transform_4, window_bounds = array<i64: 400, 64>}, {pipeline_mode = #tpu.pipeline_mode<synchronous>, transform_indices = @transform_5, window_bounds = array<i64: 128, 128>}, {pipeline_mode = #tpu.pipeline_mode<synchronous>, transform_indices = @transform_6, window_bounds = array<i64: 1, 128>}, {transform_indices = @transform_7, window_bounds = array<i64: 400, 128>}]} {
    %get3A = arith.constant 0 : index
    %get3A_0 = arith.constant 4 : index
    %get3A_1 = vector.load %arg1[%get3A, %get3A_0] : memref<400x16xf32, #tpu.memory_space<vmem>>, vector<400x1xf32>
    %get3A_2 = arith.constant 0 : index
    %get3A_3 = arith.constant 0 : index
    %get3A_4 = arith.constant 0 : index
    %get3A_5 = vector.load %arg2[%get3A_2, %get3A_3, %get3A_4] : memref<2x400x64xf32, #tpu.memory_space<vmem>>, vector<1x400x64xf32>
    %get3A_6 = vector.shape_cast %get3A_5 : vector<1x400x64xf32> to vector<400x64xf32>
    %get3A_7 = arith.constant 1 : index
    %get3A_8 = arith.constant 0 : index
    %get3A_9 = arith.constant 0 : index
    %get3A_10 = vector.load %arg2[%get3A_7, %get3A_8, %get3A_9] : memref<2x400x64xf32, #tpu.memory_space<vmem>>, vector<1x400x64xf32>
    %get3A_11 = vector.shape_cast %get3A_10 : vector<1x400x64xf32> to vector<400x64xf32>
    %add3A = arith.addf %get3A_6, %get3A_11 : vector<400x64xf32>
    %get3A_12 = arith.constant 0 : index
    %get3A_13 = arith.constant 0 : index
    %get3A_14 = vector.load %arg4[%get3A_12, %get3A_13] : memref<400x64xf32, #tpu.memory_space<vmem>>, vector<400x64xf32>
    %add3A_15 = arith.addf %add3A, %get3A_14 : vector<400x64xf32>
    %get3A_16 = arith.constant 0 : index
    %get3A_17 = arith.constant 0 : index
    %get3A_18 = arith.constant 0 : index
    %get3A_19 = vector.load %arg3[%get3A_16, %get3A_17, %get3A_18] : memref<2x400x64xf32, #tpu.memory_space<vmem>>, vector<1x400x64xf32>
    %get3A_20 = vector.shape_cast %get3A_19 : vector<1x400x64xf32> to vector<400x64xf32>
    %get3A_21 = arith.constant 1 : index
    %get3A_22 = arith.constant 0 : index
    %get3A_23 = arith.constant 0 : index
    %get3A_24 = vector.load %arg3[%get3A_21, %get3A_22, %get3A_23] : memref<2x400x64xf32, #tpu.memory_space<vmem>>, vector<1x400x64xf32>
    %get3A_25 = vector.shape_cast %get3A_24 : vector<1x400x64xf32> to vector<400x64xf32>
    %add3A_26 = arith.addf %get3A_20, %get3A_25 : vector<400x64xf32>
    %get3A_27 = arith.constant 0 : index
    %get3A_28 = arith.constant 0 : index
    %get3A_29 = vector.load %arg5[%get3A_27, %get3A_28] : memref<400x64xf32, #tpu.memory_space<vmem>>, vector<400x64xf32>
    %add3A_30 = arith.addf %add3A_26, %get3A_29 : vector<400x64xf32>
    %concatenate3A = tpu.concatenate %add3A_15, %add3A_30 in 1 : vector<400x64xf32>, vector<400x64xf32> -> vector<400x128xf32>
    %mul3A = vector.broadcast %get3A_1 : vector<400x1xf32> to vector<400x128xf32>
    %mul3A_31 = arith.mulf %concatenate3A, %mul3A : vector<400x128xf32>
    %get3A_32 = arith.constant 0 : index
    %get3A_33 = arith.constant 0 : index
    %get3A_34 = vector.load %arg6[%get3A_32, %get3A_33] : memref<128x128xf32, #tpu.memory_space<vmem>>, vector<128x128xf32>
    %dot_general3A = arith.constant dense<0.000000e+00> : vector<400x128xf32>
    %dot_general3A_35 = tpu.matmul %mul3A_31, %get3A_34, %dot_general3A {dimension_numbers = #tpu.dot_dimension_numbers<[1], [0], [0], [1], [0, 0, 1, 1], [], []>, transpose_lhs_hint = false} : vector<400x128xf32>, vector<128x128xf32>, vector<400x128xf32> -> vector<400x128xf32>
    %get3A_36 = arith.constant 0 : index
    %get3A_37 = arith.constant 0 : index
    %get3A_38 = vector.load %arg7[%get3A_36, %get3A_37] : memref<1x128xf32, #tpu.memory_space<vmem>>, vector<1x128xf32>
    %add3A_39 = vector.broadcast %get3A_38 : vector<1x128xf32> to vector<400x128xf32>
    %add3A_40 = arith.addf %dot_general3A_35, %add3A_39 : vector<400x128xf32>
    %max3A = arith.constant 0.000000e+00 : f32
    %max3A_41 = vector.broadcast %max3A : f32 to vector<400x128xf32>
    %max3A_42 = arith.maximumf %add3A_40, %max3A_41 : vector<400x128xf32>
    %swap3A = arith.constant 0 : index
    %swap3A_43 = arith.constant 0 : index
    %swap3A_44 = vector.load %arg8[%swap3A, %swap3A_43] : memref<400x128xf32, #tpu.memory_space<vmem>>, vector<400x128xf32>
    tpu.vector_store %arg8[%swap3A, %swap3A_43], %max3A_42 {strides = array<i32>} : memref<400x128xf32, #tpu.memory_space<vmem>>, vector<400x128xf32>,
    return
  }
  func.func @transform_0(%arg0: i32) -> (i32, i32) {
    %c0_i32 = arith.constant 0 : i32
    %c0_i32_0 = arith.constant 0 : i32
    return %arg0, %c0_i32 : i32, i32
  }
  func.func @transform_1(%arg0: i32) -> (i32, i32, i32) {
    %c0_i32 = arith.constant 0 : i32
    %c0_i32_0 = arith.constant 0 : i32
    %c0_i32_1 = arith.constant 0 : i32
    return %c0_i32, %arg0, %c0_i32_0 : i32, i32, i32
  }
  func.func @transform_2(%arg0: i32) -> (i32, i32, i32) {
    %c0_i32 = arith.constant 0 : i32
    %c0_i32_0 = arith.constant 0 : i32
    %c0_i32_1 = arith.constant 0 : i32
    return %c0_i32, %arg0, %c0_i32_0 : i32, i32, i32
  }
  func.func @transform_3(%arg0: i32) -> (i32, i32) {
    %c0_i32 = arith.constant 0 : i32
    %c0_i32_0 = arith.constant 0 : i32
    return %arg0, %c0_i32 : i32, i32
  }
  func.func @transform_4(%arg0: i32) -> (i32, i32) {
    %c0_i32 = arith.constant 0 : i32
    %c0_i32_0 = arith.constant 0 : i32
    return %arg0, %c0_i32 : i32, i32
  }
  func.func @transform_5(%arg0: i32) -> (i32, i32) {
    %c0_i32 = arith.constant 0 : i32
    %c0_i32_0 = arith.constant 0 : i32
    %c0_i32_1 = arith.constant 0 : i32
    return %c0_i32, %c0_i32_0 : i32, i32
  }
  func.func @transform_6(%arg0: i32) -> (i32, i32) {
    %c0_i32 = arith.constant 0 : i32
    %c0_i32_0 = arith.constant 0 : i32
    %c0_i32_1 = arith.constant 0 : i32
    return %c0_i32, %c0_i32_0 : i32, i32
  }
  func.func @transform_7(%arg0: i32) -> (i32, i32) {
    %c0_i32 = arith.constant 0 : i32
    %c0_i32_0 = arith.constant 0 : i32
    return %arg0, %c0_i32 : i32, i32
  }
}

</mosaic_0001>

<sc_bundles>
// kernel: _run.6.cloned.1.call-start
scs
__scs_entry_jumppad:
0x0: {  	(pc) =	sbr.rel $0x88, $3  }
0x1: {  	(tag) =	ssettag $0x0;
	lr =	simm.s32 $0x1  }
0x2: {  	[smem:$0x3F9B] =	sst lr;
	_ =	strace $0xD0000000  }
0x3: {  	_ = 	snop  }
0x4: {  	_ = 	snop  }
0x5: {  	_ = 	snop  }
0x6: {  	_ = 	snop  }
0x7: {  	_ = 	snop  }
__scs_overlays_trampoline_lowered:
0x8: {  	[smem:$0x3FAA] =	sst s0  }
0x9: {  	[smem:$0x3FAB] =	sst s1  }
0xa: {  	[smem:$0x3FAC] =	sst s2  }
0xb: {  	[smem:$0x3FAD] =	sst s3  }
0xc: {  	[smem:$0x3FAE] =	sst s4  }
0xd: {  	[smem:$0x3FAF] =	sst s5  }
0xe: {  	[smem:$0x3FB0] =	sst s6  }
0xf: {  	[smem:$0x3FB1] =	sst s7  }
0x10: {  	[smem:$0x3FB2] =	sst s8  }
0x11: {  	[smem:$0x3FB3] =	sst s9;
	s0 =	simm.s32 @!p0 $0x0  }
0x12: {  	s1 =	sld [smem:$0x3F99];
	s0 =	simm.s32 @p0 $0x1  }
0x13: {  	[smem:$0x3FB4] =	sst s0;
	s0 =	simm.s32 @!p1 $0x0  }
0x14: {  	s2 =	sld [smem:$0x3F98];
	s0 =	simm.s32 @p1 $0x1  }
0x15: {  	[smem:$0x3FB5] =	sst s0;
	s0 =	simm.s32 @!p2 $0x0  }
0x16: {  	s3 =	sld [smem:$0x3FDB];
	s0 =	simm.s32 @p2 $0x1  }
0x17: {  	s4 =	simm.s32 $0x1BF5;
	[smem:$0x3FB7] =	sst s0  }
0x18: {  	s0 =	sld [smem:$0x3F9A];
	_ =	swait.ge [sflag:s4], $0x0  }
0x19: {  	s7 =	sld [smem:$0x3F9B]  }
0x1a: {  	s8 =	sadd.s32 $0xFFFFE003, lr  }
0x1b: {  	s9 =	sadd.s32 $0xFFFFFEF7, lr;
	s5 =	simm.s32 $0xFFFFFFFF;
	p2 =	slt.u32 s8, $0xFFFFF086  }
0x1c: {  	p1 =	slt.u32 s9, $0xF7A;
	s5 =	simm.s32 @!p2 $0x0  }
0x1d: {  	s5 =	simm.s32 @p1 $0x1;
	p0 =	seq.s32 s7, s2  }
0x1e: {  	s7 =	smul.u32 @!p0 $0xF7A, s2;
	p2 =	seq.s32 @!p0 s5, $0x0  }
0x1f: {  	s9 =	smul.u32 $0xF7A, s1;
	s8 =	simm.s32 @!p0 $0x1BF5;
	p2 =	por !p2, p0  }
0x20: {  	[sflag:s8] =	ssyncset.s32 @!p0 $0xFFFFF086;
	s6 =	sadd.s32 @!p0 s3, s7;
	s7 =	simm.s32 @!p0 $0x108  }
0x21: {  	s3 =	sadd.s32 s3, s9;
	s6 =	sadd.s32 @!p0 $0x88, s6;
	s7 =	simm.s32 @p2 $0x1082  }
0x22: {  	[simem:s7], [sflag:s8] =	dma.local @!p0 [hbm:s6], $0xF7A  }
0x23: {  	s9 =	sor.u32 $0xD0000000, s2;
	s6 =	simm.s32 $0x108;
	_ =	swait.ge @!p0 [sflag:s8], $0x0  }
0x24: {  	s3 =	sadd.s32 $0x88, s3;
	s6 =	simm.s32 @!p1 $0x1082;
	[sflag:s4] =	ssyncset.s32 $0xFFFFF086  }
0x25: {  	[simem:s6], [sflag:s4] =	dma.local [hbm:s3], $0xF7A  }
0x26: {  	[smem:$0x3F9B] =	sst s1;
	(tag) =	ssettag s2;
	_ =	strace s9  }
0x27: {  	s1 =	sld [smem:$0x3FAB]  }
0x28: {  	s2 =	sld [smem:$0x3FAC]  }
0x29: {  	s4 =	sld [smem:$0x3FAE]  }
0x2a: {  	p0 =	seq.s32 s5, $0x0;
	s5 =	sld [smem:$0x3FAF]  }
0x2b: {  	s6 =	sld [smem:$0x3FB0]  }
0x2c: {  	s7 =	sld [smem:$0x3FB1]  }
0x2d: {  	s3 =	simm.s32 $0x108;
	s8 =	sld [smem:$0x3FB2]  }
0x2e: {  	s3 =	simm.s32 @!p0 $0x1082;
	s9 =	sld [smem:$0x3FB3]  }
0x2f: {  	lr =	sadd.s32 s0, s3;
	s0 =	sld [smem:$0x3FAA]  }
0x30: {  	s3 =	sld [smem:$0x3FAD]  }
0x31: {  	[smem:$0x3FB6] =	sst s10  }
0x32: {  	s10 =	sld [smem:$0x3FB4];
	_ =	sdelay $0x3  }
0x33: {  	p0 =	seq.s32 s10, $0x1;
	s10 =	sld [smem:$0x3FB6];
	_ =	sdelay $0x3  }
0x34: {  	[smem:$0x3FB6] =	sst s10  }
0x35: {  	s10 =	sld [smem:$0x3FB5];
	_ =	sdelay $0x3  }
0x36: {  	p1 =	seq.s32 s10, $0x1;
	s10 =	sld [smem:$0x3FB6];
	_ =	sdelay $0x3  }
0x37: {  	[smem:$0x3FB6] =	sst s10  }
0x38: {  	s10 =	sld [smem:$0x3FB7]  }
0x39: {  	_ = 	snop;
	(pc) =	sbr.ind lr, $3  }
0x3a: {  	_ = 	snop  }
0x3b: {  	_ = 	snop  }
0x3c: {  	p2 =	seq.s32 s10, $0x1;
	s10 =	sld [smem:$0x3FB6]  }
0x3d: {  	_ =	shalt  }
0x3e: {  	_ =	shalt  }
0x3f: {  	_ =	shalt  }
0x40: {  	_ =	shalt  }
0x41: {  	_ =	shalt  }
0x42: {  	_ =	shalt  }
0x43: {  	_ =	shalt  }
0x44: {  	_ =	shalt  }
0x45: {  	_ =	shalt  }
0x46: {  	_ =	shalt  }
0x47: {  	_ =	shalt  }
0x48: {  	_ =	shalt  }
0x49: {  	_ =	shalt  }
0x4a: {  	_ =	shalt  }
0x4b: {  	_ =	shalt  }
0x4c: {  	_ =	shalt  }
0x4d: {  	_ =	shalt  }
0x4e: {  	_ =	shalt  }
0x4f: {  	_ =	shalt  }
0x50: {  	_ =	shalt  }
0x51: {  	_ =	shalt  }
0x52: {  	_ =	shalt  }
0x53: {  	_ =	shalt  }
0x54: {  	_ =	shalt  }
0x55: {  	_ =	shalt  }
0x56: {  	_ =	shalt  }
0x57: {  	_ =	shalt  }
0x58: {  	_ =	shalt  }
0x59: {  	_ =	shalt  }
0x5a: {  	_ =	shalt  }
0x5b: {  	_ =	shalt  }
0x5c: {  	_ =	shalt  }
0x5d: {  	_ =	shalt  }
0x5e: {  	_ =	shalt  }
0x5f: {  	_ =	shalt  }
0x60: {  	_ =	shalt  }
0x61: {  	_ =	shalt  }
0x62: {  	_ =	shalt  }
0x63: {  	_ =	shalt  }
0x64: {  	_ =	shalt  }
0x65: {  	_ =	shalt  }
0x66: {  	_ =	shalt  }
0x67: {  	_ =	shalt  }
0x68: {  	_ =	shalt  }
0x69: {  	_ =	shalt  }
0x6a: {  	_ =	shalt  }
0x6b: {  	_ =	shalt  }
0x6c: {  	_ =	shalt  }
0x6d: {  	_ =	shalt  }
0x6e: {  	_ =	shalt  }
0x6f: {  	_ =	shalt  }
0x70: {  	_ =	shalt  }
0x71: {  	_ =	shalt  }
0x72: {  	_ =	shalt  }
0x73: {  	_ =	shalt  }
0x74: {  	_ =	shalt  }
0x75: {  	_ =	shalt  }
0x76: {  	_ =	shalt  }
0x77: {  	_ =	shalt  }
0x78: {  	_ =	shalt  }
0x79: {  	_ =	shalt  }
0x7a: {  	_ =	shalt  }
0x7b: {  	_ =	shalt  }
0x7c: {  	_ =	shalt  }
0x7d: {  	_ =	shalt  }
0x7e: {  	_ =	shalt  }
0x7f: {  	_ =	shalt  }
0x80: {  	_ =	shalt  }
0x81: {  	_ =	shalt  }
0x82: {  	_ =	shalt  }
0x83: {  	_ =	shalt  }
0x84: {  	_ =	shalt  }
0x85: {  	_ =	shalt  }
0x86: {  	_ =	shalt  }
0x87: {  	_ =	shalt  }
.Lfunc_end0:
.L_simem_size_0:
called_computation_lowered:
.L_overlay_start_0:
0x88: {  	s2 =	sld [smem:$0x3FD9]  }
0x89: {  	s3 =	sld [smem:$0x3FFE];
	_ =	sdelay $0x1  }
0x8a: {  	s1 =	srdreg.scid  }
0x8b: {  	s0 =	sand.u32 $0x1, s1  }
0x8c: {  	s17 =	sshll.u32 s0, $0xA;
	s2 =	sadd.s32 s3, s2  }
0x8d: {  	s2 =	sadd.s32 s2, s17  }
0x8e: {  	[smem:$0x3FC2] =	sst s2  }
0x8f: {  	_ = 	snop  }
0x90: {  	s2 =	sld [smem:$0x3FD0];
	(tm) =	ssettm $0x1  }
0x91: {  	s18 =	sld [smem:$0x3FFB];
	_ =	sdelay $0x3  }
0x92: {  	_ =	strace s18  }
0x93: {  	s3 =	sld [smem:$0x3FFC];
	_ =	sdelay $0x3  }
0x94: {  	_ =	strace s3  }
0x95: {  	s3 =	sld [smem:$0x3FFD];
	_ =	sdelay $0x3  }
0x96: {  	_ =	strace s3  }
0x97: {  	_ =	strace $0x8FFFFFFF  }
0x98: {  	s19 =	sld [smem:$0x3FDB];
	_ =	sdelay $0x1  }
0x99: {  	s4 =	simm.s32 $_scs_section_size  }
0x9a: {  	s5 =	simm.s32 $_size__tile_overlayer_lowered;
	s6 =	simm.s32 $_tile_overlayer_lowered  }
0x9b: {  	s22 =	simm.s32 $0x1BFF;
	s21 =	sshll.u32 s6, $0x1;
	s3 =	sadd.s32 s4, s19  }
0x9c: {  	s7 =	simm.s32 $0x0;
	s20 =	sshll.u32 s5, $0x1;
	s5 =	sadd.s32 s21, s3  }
0x9d: {  	[timem:s7], [sflag:s22] =	dma.local [hbm:s5], s20  }
0x9e: {  	_ =	swait.ge [sflag:s22], s20  }
0x9f: {  	s4 =	ssub.s32 $0x0, s20;
	[sflag:s22] =	ssyncset.done $0x0  }
0xa0: {  	[sflag:s22] =	ssyncadd.s32 s4;
	_ =	sdelay $0x1  }
0xa1: {  	s23 =	simm.s32 $0x1B8B  }
0xa2: {  	_ =	swait.ge [sflag:s23], $0x1  }
0xa3: {  	[sflag:s23] =	ssyncset.done $0x0  }
0xa4: {  	s25 =	simm.s32 $0x1B8E;
	s24 =	sld [smem:$0x3FFE];
	[sflag:s23] =	ssyncadd.s32 $0xFFFFFFFF  }
0xa5: {  	s26 =	simm.s32 $execute0_lowered;
	[smem:$0x3FD2] =	sst s25  }
0xa6: {  	s5 =	sshll.u32 s26, $0x1;
	_ =	strace $0x80000046;
	[dreg:$0x1] =	wrdreg $0xFFFFFFFF  }
0xa7: {  	s28 =	simm.s32 $_size_execute0_lowered;
	s3 =	sadd.s32 s3, s5;
	[dreg:$0x0] =	wrdreg $0x0  }
0xa8: {  	s5 =	sshll.u32 s28, $0x1;
	[dreg:$0x2] =	wrdreg s3  }
0xa9: {  	[dreg:$0x3] =	wrdreg s5  }
0xaa: {  	[dreg:$0x4] =	wrdreg $0xC0  }
0xab: {  	_ =	task [dreg:s7], $0x5FFFF  }
0xac: {  	[dreg:$0x1] =	wrdreg $0xFFFFFFFF  }
0xad: {  	[dreg:$0x0] =	wrdreg $0x60  }
0xae: {  	[dreg:$0x2] =	wrdreg s24  }
0xaf: {  	[dreg:$0x3] =	wrdreg s2  }
0xb0: {  	[dreg:$0x4] =	wrdreg $0x130000  }
0xb1: {  	[dreg:$0x5] =	wrdreg $0x180000  }
0xb2: {  	[dreg:$0x6] =	wrdreg $0x158000  }
0xb3: {  	[dreg:$0x7] =	wrdreg $0x9  }
0xb4: {  	_ =	task.clear_ibuf [dreg:s7], $0x8FFFF;
	_ =	strace $0x90000046  }
0xb5: {  	s29 =	simm.s32 $0x9;
	_ =	strace $0x80000048  }
0xb6: {  	_ =	swait.ge [sflag:s29], $0x1  }
0xb7: {  	[sflag:s29] =	ssyncadd.s32 $0xFFFFFFFF  }
0xb8: {  	_ =	strace $0x90000048  }
0xb9: {  	_ =	sfence  }
0xba: {  	s30 =	sld [smem:$0x0];
	_ =	sdelay $0x2  }
0xbb: {  	s31 =	sshll.u32 s1, $0xD;
	s1 =	sshrl.u32 s1, $0x2  }
0xbc: {  	s3 =	sand.u32 $0x4000, s31;
	s1 =	sadd.s32 s1, s30  }
0xbd: {  	s0 =	sor.u32 s3, s0;
	s1 =	sshll.u32 s1, $0x11  }
0xbe: {  	s0 =	sor.u32 s1, s0  }
0xbf: {  	s0 =	sadd.s32 $0x8F2B, s0  }
0xc0: {  	[sflag:s0] =	ssyncadd.remote.s32 $0x1  }
0xc1: {  	_ =	sfence.sel $0xFFFF  }
0xc2: {  	[dreg:$0x0] =	wrdreg $0xFFFFFFFF;
	(pc) =	sbr.abs _section_cstart, $3  }
0xc3: {  	[dreg:$0x1] =	wrdreg $0xFFFFFFFF  }
0xc4: {  	_ =	task.clear_ibuf [dreg:s7], $0x2FFFF;
	_ =	strace $0x9FFFFFFF  }
0xc5: {  	(tm) =	ssettm $0x7FFFFFFF  }
tec
execute0_lowered:
.L_overlay_start_1:
0x0: {  	(tag) =	ssettag $0x1  }
0x1: {  	s0 =	rddreg [dreg:$0x0]  }
0x2: {  	s2 =	rddreg [dreg:$0x1]  }
0x3: {  	s3 =	srdreg.scid;
	s1 =	rddreg [dreg:$0x2]  }
0x4: {  	s17 =	stileid.u32;
	s4 =	rddreg [dreg:$0x4]  }
0x5: {  	s28 =	simm.s32 $0x11;
	s29 =	simm.s32 $0x80;
	s10 =	smul.u32 $0x2800, s17  }
0x6: {  	s6 =	sand.u32 $0x1, s3;
	s3 =	rddreg [dreg:$0x3];
	s16 =	smul.u32 $0xA00, s17  }
0x7: {  	s12 =	sadd.s32 $0x1800, s0;
	s26 =	smul.u32 $0x5000, s17;
	s5 =	sshll.u32 s6, $0x4  }
0x8: {  	s23 =	ssub.s32 $0x2, s6;
	s31 =	smul.u32 $0x28000, s6;
	p0 =	sne.s32 s6, $0x0  }
0x9: {  	s7 =	sor.u32 s17, s5;
	s5 =	simm.s32 $0x0;
	s8 =	sshrl.u32 s10, $0x3  }
0xa: {  	s13 =	sshrl.u32 s23, $0x1;
	s14 =	sadd.s32 $0x800, s10;
	s24 =	sadd.s32 $0x1000, s10  }
0xb: {  	s30 =	sadd.s32 $0x1800, s10;
	s16 =	sadd.s32 s12, s16;
	s19 =	sadd.s32 $0x2000, s10  }
0xc: {  	s9 =	smul.u32 $0x500, s7;
	[smem:$0x7FF] =	sst s5;
	s15 =	sadd.s32 s14, s1  }
0xd: {  	s14 =	sadd.s32 s14, s3;
	_ =	strace $0x80000047;
	[dreg:$0x6] =	wrdreg s15  }
0xe: {  	s13 =	ssub.s32 s23, s13;
	s25 =	sadd.s32 s24, s1;
	[dreg:$0x7] =	wrdreg s14  }
0xf: {  	s23 =	smul.u32 $0x280, s17;
	s18 =	sadd.s32 s30, s1;
	[dreg:$0x8] =	wrdreg s25  }
0x10: {  	s7 =	sadd.s32 s10, s1;
	s21 =	sadd.s32 s19, s1;
	[dreg:$0xa] =	wrdreg s18  }
0x11: {  	s22 =	sadd.s32 s19, s3;
	s17 =	simm.s32 $0xB000;
	[dreg:$0xc] =	wrdreg s16  }
0x12: {  	s19 =	simm.s32 $0xA;
	s15 =	sadd.s32 s24, s3;
	[dreg:$0xf] =	wrdreg s21  }
0x13: {  	s14 =	sshrl.u32 s26, $0x3;
	s18 =	sadd.s32 s10, s31;
	[dreg:$0x10] =	wrdreg s22  }
0x14: {  	s31 =	smax.u32 s13, $0x1;
	s13 =	simm.s32 $0x6;
	s11 =	sadd.s32 s9, s0  }
0x15: {  	s0 =	sadd.s32 s8, s0;
	s8 =	sadd.s32 s10, s3;
	[dreg:$0x9] =	wrdreg s15  }
0x16: {  	s15 =	sadd.s32 s30, s3;
	s14 =	sadd.s32 s12, s14;
	[dreg:$0x16] =	wrdreg s31  }
0x17: {  	s9 =	sadd.s32 s12, s9;
	s20 =	sshrl.u32 s18, $0x3;
	[dreg:$0xb] =	wrdreg s15  }
0x18: {  	s30 =	sadd.s32 s10, s4;
	s10 =	simm.s32 $0x3;
	[dreg:$0xd] =	wrdreg s9  }
0x19: {  	s12 =	simm.s32 $0x5;
	s2 =	sadd.s32 s2, s20;
	[dreg:$0x14] =	wrdreg s30  }
0x1a: {  	s18 =	simm.s32 $0x9;
	s24 =	sadd.s32 $0x500, s14;
	[dreg:$0xe] =	wrdreg s2  }
0x1b: {  	s25 =	sadd.s32 $0xB800, s11;
	s26 =	sadd.s32 $0x15800, s0;
	[dreg:$0x11] =	wrdreg s24  }
0x1c: {  	s0 =	sadd.s32 $0x1A800, s0;
	s9 =	simm.s32 $0x2;
	[dreg:$0x12] =	wrdreg s25  }
0x1d: {  	s11 =	simm.s32 $0x4;
	s14 =	simm.s32 $0x7;
	[dreg:$0x13] =	wrdreg s26  }
0x1e: {  	s15 =	simm.s32 $0x8;
	s20 =	simm.s32 $0xB;
	[dreg:$0x15] =	wrdreg s0  }
0x1f: {  	v0 =	vimm.f32 $0.0e+00;
	v1 =	vimm.f32 $1.000000000e+00;
	vm0 =	vcmask $0xF14;
	s26 =	simm.s32 $0xA000;
	s25 =	simm.s32 $0x5000;
	s0 =	simm.s32 $0x1  }
.LBB2_1:
0x20: {  	s2 =	simm.s32 $0x40;
	s6 =	simm.s32 $0x0  }
.LBB2_2:
0x21: {  	p1 =	sne.s32 s2, $0x1FC0;
	[tilespmem:s6+$0xA000] =	vst v0;
	s6 =	smov.u32 s2;
	s2 =	sadd.s32 $0x40, s2  }
.Ltmp0:
0x22: {  	(pc) =	sbr.rel @p1 .LBB2_2-.Ltmp0, $2  }
0x23: {  	_ =	sdelay $0x2  }
0x24: {  	s6 =	sshra.s32 s6, $0x2  }
0x25: {  	[tilespmem:s6+$0xA000] =	vst v0  }
0x26: {  	[spmem:s7] =	stream.linear.scatter [tilespmem:s26], [sflag:$0x11], $0x800, $0x38;
	[tilespmem:$0x1A800] =	vst v63  }
0x27: {  	_ =	swait.ge [sflag:s28], $0x800  }
0x28: {  	[sflag:s28] =	ssyncset.done $0x0  }
0x29: {  	[sflag:s28] =	ssyncadd.s32 $0xFFFFF800  }
0x2a: {  	[spmem:s8] =	stream.linear.scatter [tilespmem:s26], [sflag:$0x11], $0x800, $0x38;
	[tilespmem:$0x1A800] =	vst v63  }
0x2b: {  	_ =	swait.ge [sflag:s28], $0x800  }
0x2c: {  	[sflag:s28] =	ssyncset.done $0x0  }
0x2d: {  	s2 =	rddreg [dreg:$0x6];
	[sflag:s28] =	ssyncadd.s32 $0xFFFFF800  }
0x2e: {  	[spmem:s2] =	stream.linear.scatter [tilespmem:s26], [sflag:$0x11], $0x800, $0x38;
	[tilespmem:$0x1A800] =	vst v63  }
0x2f: {  	_ =	swait.ge [sflag:s28], $0x800  }
0x30: {  	[sflag:s28] =	ssyncset.done $0x0  }
0x31: {  	s6 =	rddreg [dreg:$0x7];
	[sflag:s28] =	ssyncadd.s32 $0xFFFFF800  }
0x32: {  	[spmem:s6] =	stream.linear.scatter [tilespmem:s26], [sflag:$0x11], $0x800, $0x38;
	[tilespmem:$0x1A800] =	vst v63  }
0x33: {  	_ =	swait.ge [sflag:s28], $0x800  }
0x34: {  	[sflag:s28] =	ssyncset.done $0x0  }
0x35: {  	s16 =	rddreg [dreg:$0x8];
	[sflag:s28] =	ssyncadd.s32 $0xFFFFF800  }
0x36: {  	[spmem:s16] =	stream.linear.scatter [tilespmem:s26], [sflag:$0x11], $0x800, $0x38;
	[tilespmem:$0x1A800] =	vst v63  }
0x37: {  	_ =	swait.ge [sflag:s28], $0x800  }
0x38: {  	[sflag:s28] =	ssyncset.done $0x0  }
0x39: {  	s21 =	rddreg [dreg:$0x9];
	[sflag:s28] =	ssyncadd.s32 $0xFFFFF800  }
0x3a: {  	[spmem:s21] =	stream.linear.scatter [tilespmem:s26], [sflag:$0x11], $0x800, $0x38;
	[tilespmem:$0x1A800] =	vst v63  }
0x3b: {  	_ =	swait.ge [sflag:s28], $0x800  }
0x3c: {  	[sflag:s28] =	ssyncset.done $0x0  }
0x3d: {  	s22 =	rddreg [dreg:$0xa];
	[sflag:s28] =	ssyncadd.s32 $0xFFFFF800  }
0x3e: {  	[spmem:s22] =	stream.linear.scatter [tilespmem:s26], [sflag:$0x11], $0x800, $0x38;
	[tilespmem:$0x1A800] =	vst v63  }
0x3f: {  	_ =	swait.ge [sflag:s28], $0x800  }
0x40: {  	[sflag:s28] =	ssyncset.done $0x0  }
0x41: {  	s24 =	rddreg [dreg:$0xb];
	[sflag:s28] =	ssyncadd.s32 $0xFFFFF800  }
0x42: {  	[spmem:s24] =	stream.linear.scatter [tilespmem:s26], [sflag:$0x11], $0x800, $0x38;
	[tilespmem:$0x1A800] =	vst v63  }
0x43: {  	_ =	swait.ge [sflag:s28], $0x800  }
0x44: {  	[sflag:s28] =	ssyncset.done $0x0  }
0x45: {  	s30 =	rddreg [dreg:$0xf];
	[sflag:s28] =	ssyncadd.s32 $0xFFFFF800  }
0x46: {  	[spmem:s30] =	stream.linear.scatter [tilespmem:s26], [sflag:$0x11], $0x800, $0x38;
	[tilespmem:$0x1A800] =	vst v63  }
0x47: {  	_ =	swait.ge [sflag:s28], $0x800  }
0x48: {  	[sflag:s28] =	ssyncset.done $0x0  }
0x49: {  	s31 =	rddreg [dreg:$0x10];
	[sflag:s28] =	ssyncadd.s32 $0xFFFFF800  }
0x4a: {  	[spmem:s31] =	stream.linear.scatter [tilespmem:s26], [sflag:$0x11], $0x800, $0x38;
	[tilespmem:$0x1A800] =	vst v63  }
0x4b: {  	_ =	swait.ge [sflag:s28], $0x800  }
0x4c: {  	[sflag:s28] =	ssyncset.done $0x0  }
0x4d: {  	s2 =	simm.s32 $0x40;
	s6 =	simm.s32 $0x0;
	[sflag:s28] =	ssyncadd.s32 $0xFFFFF800  }
.LBB2_4:
0x4e: {  	p1 =	sne.s32 s2, $0x1FC0;
	[tilespmem:s6+$0xA000] =	vst v1;
	s6 =	smov.u32 s2;
	s2 =	sadd.s32 $0x40, s2  }
.Ltmp1:
0x4f: {  	(pc) =	sbr.rel @p1 .LBB2_4-.Ltmp1, $2  }
0x50: {  	_ =	sdelay $0x2  }
0x51: {  	s6 =	sshra.s32 s6, $0x2  }
0x52: {  	[tilespmem:s6+$0xA000] =	vst v1;
	s2 =	simm.s32 $0x0;
	s30 =	rddreg [dreg:$0xc]  }
0x53: {  	[tilespmem:s2], [sflag:$0x11] =	stream.linear.gather [hbm4b:s30+s2], $0x2800, $0x38;
	[tilespmem:$0x1A800] =	vst v63  }
0x54: {  	_ =	swait.ge [sflag:s28], $0x2800  }
0x55: {  	[sflag:s28] =	ssyncset.done $0x0  }
0x56: {  	s16 =	simm.s32 $0x2800;
	s31 =	rddreg [dreg:$0x11];
	[sflag:s28] =	ssyncadd.s32 $0xFFFFD800  }
0x57: {  	[tilespmem:s16], [sflag:$0x11] =	stream.linear.gather [hbm4b:s31+s2], $0x2800, $0x38;
	[tilespmem:$0x1A800] =	vst v63  }
0x58: {  	_ =	swait.ge [sflag:s28], $0x2800  }
0x59: {  	[sflag:s28] =	ssyncset.done $0x0  }
0x5a: {  	s21 =	rddreg [dreg:$0x12];
	[sflag:s28] =	ssyncadd.s32 $0xFFFFD800  }
0x5b: {  	[tilespmem:s25], [sflag:$0x11] =	stream.linear.gather [hbm4b:s21+s2], $0x2800, $0x38;
	[tilespmem:$0x1A800] =	vst v63  }
0x5c: {  	_ =	swait.ge [sflag:s28], $0x2800  }
0x5d: {  	[sflag:s28] =	ssyncset.done $0x0  }
0x5e: {  	s24 =	simm.s32 $0x7800;
	s22 =	rddreg [dreg:$0xd];
	[sflag:s28] =	ssyncadd.s32 $0xFFFFD800  }
0x5f: {  	[tilespmem:s24], [sflag:$0x11] =	stream.linear.gather [hbm4b:s22+s2], $0x2800, $0x38;
	[tilespmem:$0x1A800] =	vst v63  }
0x60: {  	_ =	swait.ge [sflag:s28], $0x2800  }
0x61: {  	[sflag:s28] =	ssyncset.done $0x0  }
0x62: {  	s31 =	simm.s32 $0xE000;
	s30 =	rddreg [dreg:$0x13];
	[sflag:s28] =	ssyncadd.s32 $0xFFFFD800  }
0x63: {  	[tilespmem:s31], [sflag:$0x11] =	stream.linear.gather [hbm4b:s30+s2], $0x2800, $0x38;
	[tilespmem:$0x1A800] =	vst v63  }
0x64: {  	_ =	swait.ge [sflag:s28], $0x2800  }
0x65: {  	[sflag:s28] =	ssyncset.done $0x0  }
0x66: {  	p1 =	por $0x1, $0x1;
	s21 =	sand.u32 $0x7, s2;
	[sflag:s28] =	ssyncadd.s32 $0xFFFFD800  }
0x67: {  	s22 =	sadd.s32 @!p1 $0x1, s21;
	[bflag:$0x0] =	sbarrier.arrive $0xFFFF  }
0x68: {  	_ =	swait.ge @!p1 [sflag:s22], $0x800  }
0x69: {  	s6 =	simm.s32 $0x1;
	[sflag:s22] =	ssyncset.done @!p1 $0x0  }
0x6a: {  	[sflag:s22] =	ssyncadd.s32 @!p1 $0xFFFFF800;
	s22 =	sadd.s32 $0x1, s21;
	s21 =	simm.s32 $0x80  }
.LBB2_6:
0x6b: {  	[spmem:s1] =	stream.indirect.scatter.add.f32 [tilespmem:s26], [sflag:s22], $0x10, s2, s29, $0xb8;
	[tilespmem:$0x1A800] =	vst v63  }
0x6c: {  	s22 =	sand.u32 $0x7, s6;
	p1 =	slt.u32 s6, $0x8;
	s6 =	sadd.s32 $0x1, s6  }
0x6d: {  	p2 =	sne.s32 s6, $0xA0  }
.Ltmp2:
0x6e: {  	(pc) =	sbr.rel @p2 .LBB2_6-.Ltmp2, $4  }
0x6f: {  	s2 =	smov.u32 s21;
	s24 =	sadd.s32 @!p1 $0x1, s22  }
0x70: {  	_ =	swait.ge @!p1 [sflag:s24], $0x800  }
0x71: {  	[sflag:s24] =	ssyncset.done @!p1 $0x0  }
0x72: {  	s21 =	sadd.s32 $0x80, s21;
	s22 =	sadd.s32 $0x1, s22;
	[sflag:s24] =	ssyncadd.s32 @!p1 $0xFFFFF800  }
0x73: {  	[spmem:s1] =	stream.indirect.scatter.add.f32 [tilespmem:s26], [sflag:s22], $0x10, s2, s29, $0xb8;
	[tilespmem:$0x1A800] =	vst v63  }
0x74: {  	_ =	swait.ge [sflag:s0], $0x800  }
0x75: {  	[sflag:s0] =	ssyncset.done $0x0  }
0x76: {  	[sflag:s0] =	ssyncadd.s32 $0xFFFFF800  }
0x77: {  	_ =	swait.ge [sflag:s9], $0x800  }
0x78: {  	[sflag:s9] =	ssyncset.done $0x0  }
0x79: {  	[sflag:s9] =	ssyncadd.s32 $0xFFFFF800  }
0x7a: {  	_ =	swait.ge [sflag:s10], $0x800  }
0x7b: {  	[sflag:s10] =	ssyncset.done $0x0  }
0x7c: {  	[sflag:s10] =	ssyncadd.s32 $0xFFFFF800  }
0x7d: {  	_ =	swait.ge [sflag:s11], $0x800  }
0x7e: {  	[sflag:s11] =	ssyncset.done $0x0  }
0x7f: {  	[sflag:s11] =	ssyncadd.s32 $0xFFFFF800  }
0x80: {  	_ =	swait.ge [sflag:s12], $0x800  }
0x81: {  	[sflag:s12] =	ssyncset.done $0x0  }
0x82: {  	[sflag:s12] =	ssyncadd.s32 $0xFFFFF800  }
0x83: {  	_ =	swait.ge [sflag:s13], $0x800  }
0x84: {  	[sflag:s13] =	ssyncset.done $0x0  }
0x85: {  	[sflag:s13] =	ssyncadd.s32 $0xFFFFF800  }
0x86: {  	_ =	swait.ge [sflag:s14], $0x800  }
0x87: {  	[sflag:s14] =	ssyncset.done $0x0  }
0x88: {  	[sflag:s14] =	ssyncadd.s32 $0xFFFFF800  }
0x89: {  	_ =	swait.ge [sflag:s15], $0x800  }
0x8a: {  	[sflag:s15] =	ssyncset.done $0x0  }
0x8b: {  	[sflag:s15] =	ssyncadd.s32 $0xFFFFF800  }
0x8c: {  	s24 =	simm.s32 $0x10800;
	[bflag:$0x0] =	sbarrier.arrive $0xFFFF  }
0x8d: {  	[tilespmem:s24], [sflag:$0x11] =	stream.linear.gather [spmem:s7], $0x2800, $0x38;
	[tilespmem:$0x1A800] =	vst v63  }
0x8e: {  	_ =	swait.ge [sflag:s28], $0x2800  }
0x8f: {  	[sflag:s28] =	ssyncset.done $0x0  }
0x90: {  	s22 =	simm.s32 $0x0;
	[sflag:s28] =	ssyncadd.s32 $0xFFFFD800  }
0x91: {  	v2 =	vld [tilespmem:s22+$0x10800];
	_ =	sdelay $0x4  }
0x92: {  	v2 =	vadd.f32 $1.000000000e+00, v2  }
0x93: {  	s31 =	simm.s32 $0x10  }
0x94: {  	v4 =	vld [tilespmem:s31+$0x10800];
	v3 =	vmul.f32 $5.000000000e-01, v2;
	v2 =	vshrl.u32 v2, $0x1  }
0x95: {  	v2 =	vsub.s32 $0x5F3759DF, v2  }
0x96: {  	v5 =	vmul.f32 v2, v3;
	_ =	sdelay $0x1  }
0x97: {  	v5 =	vmul.f32 v2, v5  }
0x98: {  	v4 =	vadd.f32 $1.000000000e+00, v4  }
0x99: {  	v5 =	vsub.f32 $1.500000000e+00, v5  }
0x9a: {  	v6 =	vmul.f32 $5.000000000e-01, v4;
	v4 =	vshrl.u32 v4, $0x1  }
0x9b: {  	v4 =	vsub.s32 $0x5F3759DF, v4;
	v2 =	vmul.f32 v2, v5  }
0x9c: {  	v8 =	vmul.f32 v4, v6  }
0x9d: {  	s21 =	simm.s32 $0x20;
	v7 =	vmul.f32 v2, v3  }
0x9e: {  	v8 =	vmul.f32 v4, v8;
	v5 =	vld [tilespmem:s21+$0x10800]  }
0x9f: {  	v7 =	vmul.f32 v7, v2  }
0xa0: {  	v8 =	vsub.f32 $1.500000000e+00, v8  }
0xa1: {  	v7 =	vsub.f32 $1.500000000e+00, v7  }
0xa2: {  	v4 =	vmul.f32 v4, v8  }
0xa3: {  	v5 =	vadd.f32 $1.000000000e+00, v5;
	v7 =	vmul.f32 v7, v2  }
0xa4: {  	s30 =	simm.s32 $0x30;
	v9 =	vmul.f32 v4, v6  }
0xa5: {  	v8 =	vld [tilespmem:s30+$0x10800];
	v2 =	vmul.f32 $5.000000000e-01, v5;
	v5 =	vshrl.u32 v5, $0x1;
	v3 =	vmul.f32 v7, v3  }
0xa6: {  	v9 =	vmul.f32 v9, v4;
	v5 =	vsub.s32 $0x5F3759DF, v5  }
0xa7: {  	v10 =	vmul.f32 v5, v2;
	v3 =	vmul.f32 v3, v7;
	_ =	sdelay $0x1  }
0xa8: {  	v11 =	vld [tilespmem:s22+$0xE000];
	v9 =	vsub.f32 $1.500000000e+00, v9;
	v10 =	vmul.f32 v5, v10;
	v3 =	vsub.f32 $1.500000000e+00, v3  }
0xa9: {  	v12 =	vadd.f32 $1.000000000e+00, v8  }
0xaa: {  	v4 =	vmul.f32 v9, v4;
	v8 =	vsub.f32 $1.500000000e+00, v10;
	v7 =	vmul.f32 v3, v7  }
0xab: {  	p1 =	slt.u32 s23, $0x2710  }
0xac: {  	v9 =	vmul.f32 v4, v6;
	v5 =	vmul.f32 v5, v8;
	v8 =	vpsel !p1, $0x0, v7  }
0xad: {  	s2 =	simm.s32 $0x40;
	v3 =	vmul.f32 $5.000000000e-01, v12;
	v12 =	vshrl.u32 v12, $0x1;
	v10 =	vmul.f32 v8, v11  }
0xae: {  	s6 =	smov.u32 s23;
	s24 =	simm.s32 $0x140;
	v6 =	vsub.s32 $0x5F3759DF, v12;
	v7 =	vld [tilespmem:s2+$0x10800];
	v11 =	vmul.f32 v5, v2  }
.LBB2_8:
0xaf: {  	p1 =	sne.s32 s24, $0x9FC0;
	v12 =	vmul.f32 v6, v3;
	v9 =	vmul.f32 v9, v4;
	v8 =	vsel vm0, v10, v8  }
0xb0: {  	v10 =	vmul.f32 v11, v5;
	[tilespmem:s22+$0xE000] =	vst v8;
	s22 =	smov.u32 s31;
	s31 =	smov.u32 s21;
	s21 =	smov.u32 s30  }
0xb1: {  	s30 =	smov.u32 s2;
	v8 =	vmul.f32 v6, v12;
	v9 =	vsub.f32 $1.500000000e+00, v9;
	v11 =	vld [tilespmem:s22+$0xE000]  }
0xb2: {  	v10 =	vsub.f32 $1.500000000e+00, v10  }
.Ltmp3:
0xb3: {  	s6 =	sadd.s32 $0x1, s6;
	v7 =	vadd.f32 $1.000000000e+00, v7;
	v8 =	vsub.f32 $1.500000000e+00, v8;
	v9 =	vmul.f32 v9, v4;
	(pc) =	sbr.rel @p1 .LBB2_8-.Ltmp3, $4  }
0xb4: {  	p2 =	slt.u32 s6, $0x2710;
	v4 =	vmul.f32 v10, v5  }
0xb5: {  	v12 =	vmul.f32 $5.000000000e-01, v7;
	v5 =	vmul.f32 v6, v8;
	v8 =	vpsel !p2, $0x0, v9  }
0xb6: {  	s2 =	sshra.s32 s24, $0x2;
	v6 =	vshrl.u32 v7, $0x1;
	v9 =	vmul.f32 v4, v2;
	v10 =	vmul.f32 v8, v11;
	v2 =	vmovc v3  }
0xb7: {  	s24 =	sadd.s32 $0x40, s24;
	v6 =	vsub.s32 $0x5F3759DF, v6;
	v7 =	vld [tilespmem:s2+$0x10800];
	v11 =	vmul.f32 v5, v2;
	v3 =	vmov v12  }
0xb8: {  	v12 =	vmul.f32 v6, v3;
	v9 =	vmul.f32 v9, v4;
	v8 =	vsel vm0, v10, v8  }
0xb9: {  	v47 =	vmul.f32 v11, v5;
	[tilespmem:s22+$0xE000] =	vst v8  }
0xba: {  	v48 =	vmul.f32 v6, v12;
	v9 =	vsub.f32 $1.500000000e+00, v9;
	v49 =	vld [tilespmem:s31+$0xE000]  }
0xbb: {  	v10 =	vsub.f32 $1.500000000e+00, v47  }
0xbc: {  	s6 =	sadd.s32 $0x1, s6;
	v7 =	vadd.f32 $1.000000000e+00, v7;
	v8 =	vsub.f32 $1.500000000e+00, v48;
	v50 =	vmul.f32 v9, v4  }
0xbd: {  	p1 =	slt.u32 s6, $0x2710;
	v51 =	vmul.f32 v10, v5  }
0xbe: {  	v52 =	vmul.f32 $5.000000000e-01, v7;
	v53 =	vmul.f32 v6, v8;
	v4 =	vpsel !p1, $0x0, v50  }
0xbf: {  	v7 =	vshrl.u32 v7, $0x1;
	v2 =	vmul.f32 v51, v2;
	v54 =	vmul.f32 v4, v49  }
0xc0: {  	v7 =	vsub.s32 $0x5F3759DF, v7;
	v55 =	vmul.f32 v53, v3  }
0xc1: {  	v56 =	vmul.f32 v7, v52;
	v2 =	vmul.f32 v2, v51;
	v4 =	vsel vm0, v54, v4  }
0xc2: {  	v57 =	vmul.f32 v55, v53;
	[tilespmem:s31+$0xE000] =	vst v4  }
0xc3: {  	v58 =	vmul.f32 v7, v56;
	v2 =	vsub.f32 $1.500000000e+00, v2;
	v59 =	vld [tilespmem:s21+$0xE000]  }
0xc4: {  	v8 =	vsub.f32 $1.500000000e+00, v57  }
0xc5: {  	s6 =	sadd.s32 $0x1, s6;
	v4 =	vsub.f32 $1.500000000e+00, v58;
	v2 =	vmul.f32 v2, v51  }
0xc6: {  	p4 =	slt.u32 s6, $0x2710;
	v60 =	vmul.f32 v8, v53  }
0xc7: {  	v4 =	vmul.f32 v7, v4;
	v2 =	vpsel !p4, $0x0, v2  }
0xc8: {  	v3 =	vmul.f32 v60, v3;
	v61 =	vmul.f32 v2, v59  }
0xc9: {  	v7 =	vmul.f32 v4, v52  }
0xca: {  	v3 =	vmul.f32 v3, v60;
	v2 =	vsel vm0, v61, v2  }
0xcb: {  	v62 =	vmul.f32 v7, v4;
	[tilespmem:s21+$0xE000] =	vst v2  }
0xcc: {  	v2 =	vsub.f32 $1.500000000e+00, v3;
	v3 =	vld [tilespmem:s30+$0xE000]  }
0xcd: {  	v6 =	vsub.f32 $1.500000000e+00, v62  }
0xce: {  	s6 =	sadd.s32 $0x1, s6;
	v2 =	vmul.f32 v2, v60  }
0xcf: {  	p5 =	slt.u32 s6, $0x2710;
	v4 =	vmul.f32 v6, v4  }
0xd0: {  	v2 =	vpsel !p5, $0x0, v2  }
0xd1: {  	v63 =	vmul.f32 v4, v52;
	v3 =	vmul.f32 v2, v3;
	_ =	sdelay $0x1  }
0xd2: {  	v5 =	vmul.f32 v63, v4;
	v2 =	vsel vm0, v3, v2  }
0xd3: {  	[tilespmem:s30+$0xE000] =	vst v2  }
0xd4: {  	v2 =	vsub.f32 $1.500000000e+00, v5;
	v3 =	vld [tilespmem:s2+$0xE000];
	_ =	sdelay $0x1  }
0xd5: {  	s6 =	sadd.s32 $0x1, s6;
	v2 =	vmul.f32 v2, v4  }
0xd6: {  	p6 =	slt.u32 s6, $0x2710  }
0xd7: {  	v2 =	vpsel !p6, $0x0, v2  }
0xd8: {  	v3 =	vmul.f32 v2, v3;
	_ =	sdelay $0x1  }
0xd9: {  	v2 =	vsel vm0, v3, v2  }
0xda: {  	s22 =	simm.s32 $0xE000;
	s21 =	rddreg [dreg:$0x14];
	[tilespmem:s2+$0xE000] =	vst v2  }
0xdb: {  	[spmem:s21] =	stream.linear.scatter [tilespmem:s22], [sflag:$0x11], $0x2800, $0x38;
	[tilespmem:$0x1A800] =	vst v63  }
0xdc: {  	_ =	swait.ge [sflag:s28], $0x2800  }
0xdd: {  	s6 =	simm.s32 @!p0 $0xE000;
	[sflag:s28] =	ssyncset.done $0x0  }
0xde: {  	s2 =	simm.s32 @!p0 $0x0;
	s16 =	rddreg [dreg:$0x15];
	[sflag:s28] =	ssyncadd.s32 $0xFFFFD800  }
0xdf: {  	[hbm4b:s16+s2] =	stream.linear.scatter @!p0 [tilespmem:s6], [sflag:$0x11], $0x2800, $0x38;
	[tilespmem:$0x1A800] =	vst v63  }
0xe0: {  	s2 =	simm.s32 @!p0 $0x11  }
0xe1: {  	_ =	swait.ge @!p0 [sflag:s2], $0x2800  }
0xe2: {  	[sflag:s2] =	ssyncset.done @!p0 $0x0  }
0xe3: {  	[sflag:s2] =	ssyncadd.s32 @!p0 $0xFFFFD800  }
0xe4: {  	[bflag:$0x0] =	sbarrier.arrive $0xFFFF  }
0xe5: {  	[tilespmem:s26], [sflag:$0x9] =	stream.indirect.gather [spmem:s4], $0x10, s25, s29, $0xb8;
	[tilespmem:$0x1A800] =	vst v63  }
0xe6: {  	s24 =	simm.s32 $0x5080;
	s6 =	simm.s32 $0xA800  }
0xe7: {  	[tilespmem:s6], [sflag:$0xA] =	stream.indirect.gather [spmem:s4], $0x10, s24, s29, $0xb8;
	[tilespmem:$0x1A800] =	vst v63  }
0xe8: {  	s25 =	simm.s32 $0x5100  }
0xe9: {  	[tilespmem:s17], [sflag:$0xB] =	stream.indirect.gather [spmem:s4], $0x10, s25, s29, $0xb8;
	[tilespmem:$0x1A800] =	vst v63  }
0xea: {  	s21 =	simm.s32 $0xB800;
	s16 =	simm.s32 $0x5180  }
0xeb: {  	[tilespmem:s21], [sflag:$0xC] =	stream.indirect.gather [spmem:s4], $0x10, s16, s29, $0xb8;
	[tilespmem:$0x1A800] =	vst v63  }
0xec: {  	s22 =	simm.s32 $0x5200;
	s24 =	simm.s32 $0xC000  }
0xed: {  	[tilespmem:s24], [sflag:$0xD] =	stream.indirect.gather [spmem:s4], $0x10, s22, s29, $0xb8;
	[tilespmem:$0x1A800] =	vst v63  }
0xee: {  	_ =	swait.ge [sflag:s18], $0x800  }
0xef: {  	[sflag:s18] =	ssyncset.done $0x0  }
0xf0: {  	s25 =	simm.s32 $0x7800;
	[sflag:s18] =	ssyncadd.s32 $0xFFFFF800  }
0xf1: {  	[spmem:s3] =	stream.indirect.scatter.add.f32 [tilespmem:s26], [sflag:$0x1], $0x10, s25, s29, $0xb8;
	[tilespmem:$0x1A800] =	vst v63  }
0xf2: {  	s16 =	simm.s32 $0x5280;
	s21 =	simm.s32 $0xC800  }
0xf3: {  	[tilespmem:s21], [sflag:$0xE] =	stream.indirect.gather [spmem:s4], $0x10, s16, s29, $0xb8;
	[tilespmem:$0x1A800] =	vst v63  }
0xf4: {  	_ =	swait.ge [sflag:s19], $0x800  }
0xf5: {  	[sflag:s19] =	ssyncset.done $0x0  }
0xf6: {  	s22 =	simm.s32 $0x7880;
	[sflag:s19] =	ssyncadd.s32 $0xFFFFF800  }
0xf7: {  	[spmem:s3] =	stream.indirect.scatter.add.f32 [tilespmem:s6], [sflag:$0x2], $0x10, s22, s29, $0xb8;
	[tilespmem:$0x1A800] =	vst v63  }
0xf8: {  	s24 =	simm.s32 $0x5300;
	s25 =	simm.s32 $0xD000  }
0xf9: {  	[tilespmem:s25], [sflag:$0xF] =	stream.indirect.gather [spmem:s4], $0x10, s24, s29, $0xb8;
	[tilespmem:$0x1A800] =	vst v63  }
0xfa: {  	p1 =	por $0x0, $0x0;
	s2 =	simm.s32 $0x5400;
	_ =	swait.ge [sflag:s20], $0x800  }
0xfb: {  	s16 =	simm.s32 $0x7900;
	s24 =	simm.s32 $0x3;
	[sflag:s20] =	ssyncset.done $0x0  }
0xfc: {  	s21 =	simm.s32 $0x5380;
	s25 =	sand.u32 $0x7, s24;
	[sflag:s20] =	ssyncadd.s32 $0xFFFFF800  }
0xfd: {  	[spmem:s3] =	stream.indirect.scatter.add.f32 [tilespmem:s17], [sflag:$0x3], $0x10, s16, s29, $0xb8;
	[tilespmem:$0x1A800] =	vst v63  }
0xfe: {  	s22 =	simm.s32 $0xD800;
	s6 =	simm.s32 $0x8;
	s16 =	sadd.s32 $0x9, s25  }
0xff: {  	[tilespmem:s22], [sflag:$0x10] =	stream.indirect.gather [spmem:s4], $0x10, s21, s29, $0xb8;
	[tilespmem:$0x1A800] =	vst v63  }
0x100: {  	s6 =	sand.u32 @!p1 $0x7, s6;
	s24 =	simm.s32 $0x7980;
	_ =	swait.ge [sflag:s16], $0x800  }
0x101: {  	s30 =	sshll.u32 s25, $0xB;
	s21 =	simm.s32 $0x9;
	[sflag:s16] =	ssyncset.done $0x0  }
0x102: {  	s22 =	sadd.s32 $0x1, s25;
	[sflag:s16] =	ssyncadd.s32 $0xFFFFF800;
	s16 =	sadd.s32 $0xA000, s30  }
0x103: {  	[spmem:s3] =	stream.indirect.scatter.add.f32 [tilespmem:s16], [sflag:s22], $0x10, s24, s29, $0xb8;
	[tilespmem:$0x1A800] =	vst v63  }
0x104: {  	s25 =	simm.s32 @!p1 $0x80;
	s30 =	sadd.s32 @!p1 $0x1, s6;
	s22 =	sshll.u32 @!p1 s6, $0xB  }
0x105: {  	s24 =	sadd.s32 @!p1 $0x9, s6;
	s6 =	simm.s32 $0x7A00;
	_ =	swait.ge @!p1 [sflag:s30], $0x800  }
0x106: {  	s31 =	sadd.s32 @!p1 $0xA000, s22;
	s22 =	simm.s32 $0x5480;
	[sflag:s30] =	ssyncset.done @!p1 $0x0  }
.LBB2_10:
0x107: {  	s16 =	sadd.s32 $0xFFFFFFFB, s21  }
0x108: {  	[sflag:s30] =	ssyncadd.s32 @!p1 $0xFFFFF800;
	s30 =	smov.u32 s21;
	s21 =	sadd.s32 $0x1, s21  }
0x109: {  	[tilespmem:s31], [sflag:s24] =	stream.indirect.gather @!p1 [spmem:s4], $0x10, s2, s25, $0xb8;
	[tilespmem:$0x1A800] =	vst v63  }
0x10a: {  	s24 =	sand.u32 $0x7, s16;
	p2 =	sne.s32 s21, $0x55;
	s2 =	smov.u32 s22  }
0x10b: {  	s25 =	sadd.s32 $0x9, s24;
	s31 =	sshll.u32 s24, $0xB  }
0x10c: {  	p1 =	sgt.u32 s16, $0x4A;
	_ =	swait.ge [sflag:s25], $0x800  }
0x10d: {  	s24 =	sadd.s32 $0x1, s24;
	s16 =	sadd.s32 $0xA000, s31;
	[sflag:s25] =	ssyncset.done $0x0  }
.Ltmp4:
0x10e: {  	[sflag:s25] =	ssyncadd.s32 $0xFFFFF800;
	s25 =	sand.u32 @!p1 $0x7, s30;
	(pc) =	sbr.rel @p2 .LBB2_10-.Ltmp4, $4  }
0x10f: {  	[spmem:s3] =	stream.indirect.scatter.add.f32 [tilespmem:s16], [sflag:s24], $0x10, s6, s29, $0xb8;
	[tilespmem:$0x1A800] =	vst v63  }
0x110: {  	s30 =	sadd.s32 @!p1 $0x1, s25;
	s16 =	sshll.u32 @!p1 s25, $0xB;
	s24 =	sadd.s32 @!p1 $0x9, s25  }
0x111: {  	s6 =	sadd.s32 $0x80, s6;
	s31 =	sadd.s32 @!p1 $0xA000, s16;
	_ =	swait.ge @!p1 [sflag:s30], $0x800  }
0x112: {  	s22 =	sadd.s32 $0x80, s22;
	s25 =	simm.s32 @!p1 $0x80;
	[sflag:s30] =	ssyncset.done @!p1 $0x0  }
0x113: {  	[sflag:s30] =	ssyncadd.s32 @!p1 $0xFFFFF800  }
0x114: {  	[tilespmem:s31], [sflag:s24] =	stream.indirect.gather @!p1 [spmem:s4], $0x10, s2, s25, $0xb8;
	[tilespmem:$0x1A800] =	vst v63  }
0x115: {  	_ =	swait.ge [sflag:s0], $0x800  }
0x116: {  	[sflag:s0] =	ssyncset.done $0x0  }
0x117: {  	[sflag:s0] =	ssyncadd.s32 $0xFFFFF800  }
0x118: {  	_ =	swait.ge [sflag:s9], $0x800  }
0x119: {  	[sflag:s9] =	ssyncset.done $0x0  }
0x11a: {  	[sflag:s9] =	ssyncadd.s32 $0xFFFFF800  }
0x11b: {  	_ =	swait.ge [sflag:s10], $0x800  }
0x11c: {  	[sflag:s10] =	ssyncset.done $0x0  }
0x11d: {  	[sflag:s10] =	ssyncadd.s32 $0xFFFFF800  }
0x11e: {  	_ =	swait.ge [sflag:s11], $0x800  }
0x11f: {  	[sflag:s11] =	ssyncset.done $0x0  }
0x120: {  	[sflag:s11] =	ssyncadd.s32 $0xFFFFF800  }
0x121: {  	_ =	swait.ge [sflag:s12], $0x800  }
0x122: {  	[sflag:s12] =	ssyncset.done $0x0  }
0x123: {  	[sflag:s12] =	ssyncadd.s32 $0xFFFFF800  }
0x124: {  	_ =	swait.ge [sflag:s13], $0x800  }
0x125: {  	[sflag:s13] =	ssyncset.done $0x0  }
0x126: {  	[sflag:s13] =	ssyncadd.s32 $0xFFFFF800  }
0x127: {  	_ =	swait.ge [sflag:s14], $0x800  }
0x128: {  	[sflag:s14] =	ssyncset.done $0x0  }
0x129: {  	[sflag:s14] =	ssyncadd.s32 $0xFFFFF800  }
0x12a: {  	_ =	swait.ge [sflag:s15], $0x800  }
0x12b: {  	[sflag:s15] =	ssyncset.done $0x0  }
0x12c: {  	s30 =	stileid.u32;
	[sflag:s15] =	ssyncadd.s32 $0xFFFFF800  }
0x12d: {  	s2 =	sshll.u32 s30, $0x6;
	[bflag:$0x0] =	sbarrier.arrive $0xFFFF  }
0x12e: {  	s6 =	sshrl.u32 s8, $0x3;
	s2 =	sor.u32 $0x1C11, s2;
	s16 =	rddreg [dreg:$0xe]  }
0x12f: {  	[hbm:s16], [sflag:s2] =	dma.local [spmem:s6], $0x500  }
0x130: {  	_ =	swait.ge [sflag:s28], $0x500  }
0x131: {  	s5 =	sadd.s32 $0x1, s5;
	s31 =	rddreg [dreg:$0x16]  }
0x132: {  	p1 =	sne.s32 s5, s31  }
.Ltmp5:
0x133: {  	_ = 	snop;
	(pc) =	sbr.rel @p1 .LBB2_1-.Ltmp5, $3  }
0x134: {  	_ =	sdelay $0x1  }
0x135: {  	[sflag:s28] =	ssyncset.done $0x0  }
0x136: {  	s25 =	simm.s32 $0x5000;
	[sflag:s28] =	ssyncadd.s32 $0xFFFFFB00  }
0x137: {  	_ =	sfence.sel $0x180000  }
0x138: {  	[bflag:$0x0] =	sbarrier.arrive $0xFFFF  }
0x139: {  	_ =	strace $0x90000047  }
0x13a: {  	s0 =	stileid.u32;
	[bflag:$0x2] =	sbarrier.arrive $0xFFFF  }
0x13b: {  	p0 =	sne.s32 s0, $0x0;
	s0 =	rddreg [dreg:$0x5]  }
0x13c: {  	s0 =	sadd.s32 @!p0 $0x100000, s0  }
0x13d: {  	[sflag:s0] =	ssyncadd.tile.s32 @!p0 $0x1;
	_ =	shalt  }
.Lfunc_end2:
_tile_overlayer_lowered:
.L_overlay_start_2:
0x13e: {  	(tag) =	ssettag $0x2  }
0x13f: {  	s0 =	rddreg [dreg:$0x0];
	s2 =	stileid.u32  }
0x140: {  	s1 =	rddreg [dreg:$0x1];
	p0 =	sne.s32 s2, $0x0  }
0x141: {  	s3 =	rddreg [dreg:$0x2];
	[bflag:$0x3] =	sbarrier.arrive $0xFFFF;
	s2 =	simm.s32 @!p0 $0x1C11  }
0x142: {  	[timem:s3], [sflag:s2] =	dma.local @!p0 [hbm:s0], s1  }
0x143: {  	s0 =	simm.s32 @!p0 $0x11  }
0x144: {  	_ =	swait.ge @!p0 [sflag:s0], s1  }
0x145: {  	s1 =	ssub.s32 @!p0 $0x0, s1;
	[sflag:s0] =	ssyncset.done @!p0 $0x0  }
0x146: {  	[sflag:s0] =	ssyncadd.s32 @!p0 s1  }
0x147: {  	[bflag:$0x3] =	sbarrier.arrive $0xFFFF  }
0x148: {  	_ =	shalt  }

// kernel: _run.9.cloned.1.call-start
scs
__scs_entry_jumppad:
0x0: {  	(pc) =	sbr.rel $0x88, $3  }
0x1: {  	(tag) =	ssettag $0x0;
	lr =	simm.s32 $0x1  }
0x2: {  	[smem:$0x3F9B] =	sst lr;
	_ =	strace $0xD0000000  }
0x3: {  	_ = 	snop  }
0x4: {  	_ = 	snop  }
0x5: {  	_ = 	snop  }
0x6: {  	_ = 	snop  }
0x7: {  	_ = 	snop  }
__scs_overlays_trampoline_lowered:
0x8: {  	[smem:$0x3FAA] =	sst s0  }
0x9: {  	[smem:$0x3FAB] =	sst s1  }
0xa: {  	[smem:$0x3FAC] =	sst s2  }
0xb: {  	[smem:$0x3FAD] =	sst s3  }
0xc: {  	[smem:$0x3FAE] =	sst s4  }
0xd: {  	[smem:$0x3FAF] =	sst s5  }
0xe: {  	[smem:$0x3FB0] =	sst s6  }
0xf: {  	[smem:$0x3FB1] =	sst s7  }
0x10: {  	[smem:$0x3FB2] =	sst s8  }
0x11: {  	[smem:$0x3FB3] =	sst s9;
	s0 =	simm.s32 @!p0 $0x0  }
0x12: {  	s1 =	sld [smem:$0x3F99];
	s0 =	simm.s32 @p0 $0x1  }
0x13: {  	[smem:$0x3FB4] =	sst s0;
	s0 =	simm.s32 @!p1 $0x0  }
0x14: {  	s2 =	sld [smem:$0x3F98];
	s0 =	simm.s32 @p1 $0x1  }
0x15: {  	[smem:$0x3FB5] =	sst s0;
	s0 =	simm.s32 @!p2 $0x0  }
0x16: {  	s3 =	sld [smem:$0x3FDB];
	s0 =	simm.s32 @p2 $0x1  }
0x17: {  	s4 =	simm.s32 $0x1BF5;
	[smem:$0x3FB7] =	sst s0  }
0x18: {  	s0 =	sld [smem:$0x3F9A];
	_ =	swait.ge [sflag:s4], $0x0  }
0x19: {  	s7 =	sld [smem:$0x3F9B]  }
0x1a: {  	s8 =	sadd.s32 $0xFFFFE003, lr  }
0x1b: {  	s9 =	sadd.s32 $0xFFFFFEF7, lr;
	s5 =	simm.s32 $0xFFFFFFFF;
	p2 =	slt.u32 s8, $0xFFFFF086  }
0x1c: {  	p1 =	slt.u32 s9, $0xF7A;
	s5 =	simm.s32 @!p2 $0x0  }
0x1d: {  	s5 =	simm.s32 @p1 $0x1;
	p0 =	seq.s32 s7, s2  }
0x1e: {  	s7 =	smul.u32 @!p0 $0xF7A, s2;
	p2 =	seq.s32 @!p0 s5, $0x0  }
0x1f: {  	s9 =	smul.u32 $0xF7A, s1;
	s8 =	simm.s32 @!p0 $0x1BF5;
	p2 =	por !p2, p0  }
0x20: {  	[sflag:s8] =	ssyncset.s32 @!p0 $0xFFFFF086;
	s6 =	sadd.s32 @!p0 s3, s7;
	s7 =	simm.s32 @!p0 $0x108  }
0x21: {  	s3 =	sadd.s32 s3, s9;
	s6 =	sadd.s32 @!p0 $0x88, s6;
	s7 =	simm.s32 @p2 $0x1082  }
0x22: {  	[simem:s7], [sflag:s8] =	dma.local @!p0 [hbm:s6], $0xF7A  }
0x23: {  	s9 =	sor.u32 $0xD0000000, s2;
	s6 =	simm.s32 $0x108;
	_ =	swait.ge @!p0 [sflag:s8], $0x0  }
0x24: {  	s3 =	sadd.s32 $0x88, s3;
	s6 =	simm.s32 @!p1 $0x1082;
	[sflag:s4] =	ssyncset.s32 $0xFFFFF086  }
0x25: {  	[simem:s6], [sflag:s4] =	dma.local [hbm:s3], $0xF7A  }
0x26: {  	[smem:$0x3F9B] =	sst s1;
	(tag) =	ssettag s2;
	_ =	strace s9  }
0x27: {  	s1 =	sld [smem:$0x3FAB]  }
0x28: {  	s2 =	sld [smem:$0x3FAC]  }
0x29: {  	s4 =	sld [smem:$0x3FAE]  }
0x2a: {  	p0 =	seq.s32 s5, $0x0;
	s5 =	sld [smem:$0x3FAF]  }
0x2b: {  	s6 =	sld [smem:$0x3FB0]  }
0x2c: {  	s7 =	sld [smem:$0x3FB1]  }
0x2d: {  	s3 =	simm.s32 $0x108;
	s8 =	sld [smem:$0x3FB2]  }
0x2e: {  	s3 =	simm.s32 @!p0 $0x1082;
	s9 =	sld [smem:$0x3FB3]  }
0x2f: {  	lr =	sadd.s32 s0, s3;
	s0 =	sld [smem:$0x3FAA]  }
0x30: {  	s3 =	sld [smem:$0x3FAD]  }
0x31: {  	[smem:$0x3FB6] =	sst s10  }
0x32: {  	s10 =	sld [smem:$0x3FB4];
	_ =	sdelay $0x3  }
0x33: {  	p0 =	seq.s32 s10, $0x1;
	s10 =	sld [smem:$0x3FB6];
	_ =	sdelay $0x3  }
0x34: {  	[smem:$0x3FB6] =	sst s10  }
0x35: {  	s10 =	sld [smem:$0x3FB5];
	_ =	sdelay $0x3  }
0x36: {  	p1 =	seq.s32 s10, $0x1;
	s10 =	sld [smem:$0x3FB6];
	_ =	sdelay $0x3  }
0x37: {  	[smem:$0x3FB6] =	sst s10  }
0x38: {  	s10 =	sld [smem:$0x3FB7]  }
0x39: {  	_ = 	snop;
	(pc) =	sbr.ind lr, $3  }
0x3a: {  	_ = 	snop  }
0x3b: {  	_ = 	snop  }
0x3c: {  	p2 =	seq.s32 s10, $0x1;
	s10 =	sld [smem:$0x3FB6]  }
0x3d: {  	_ =	shalt  }
0x3e: {  	_ =	shalt  }
0x3f: {  	_ =	shalt  }
0x40: {  	_ =	shalt  }
0x41: {  	_ =	shalt  }
0x42: {  	_ =	shalt  }
0x43: {  	_ =	shalt  }
0x44: {  	_ =	shalt  }
0x45: {  	_ =	shalt  }
0x46: {  	_ =	shalt  }
0x47: {  	_ =	shalt  }
0x48: {  	_ =	shalt  }
0x49: {  	_ =	shalt  }
0x4a: {  	_ =	shalt  }
0x4b: {  	_ =	shalt  }
0x4c: {  	_ =	shalt  }
0x4d: {  	_ =	shalt  }
0x4e: {  	_ =	shalt  }
0x4f: {  	_ =	shalt  }
0x50: {  	_ =	shalt  }
0x51: {  	_ =	shalt  }
0x52: {  	_ =	shalt  }
0x53: {  	_ =	shalt  }
0x54: {  	_ =	shalt  }
0x55: {  	_ =	shalt  }
0x56: {  	_ =	shalt  }
0x57: {  	_ =	shalt  }
0x58: {  	_ =	shalt  }
0x59: {  	_ =	shalt  }
0x5a: {  	_ =	shalt  }
0x5b: {  	_ =	shalt  }
0x5c: {  	_ =	shalt  }
0x5d: {  	_ =	shalt  }
0x5e: {  	_ =	shalt  }
0x5f: {  	_ =	shalt  }
0x60: {  	_ =	shalt  }
0x61: {  	_ =	shalt  }
0x62: {  	_ =	shalt  }
0x63: {  	_ =	shalt  }
0x64: {  	_ =	shalt  }
0x65: {  	_ =	shalt  }
0x66: {  	_ =	shalt  }
0x67: {  	_ =	shalt  }
0x68: {  	_ =	shalt  }
0x69: {  	_ =	shalt  }
0x6a: {  	_ =	shalt  }
0x6b: {  	_ =	shalt  }
0x6c: {  	_ =	shalt  }
0x6d: {  	_ =	shalt  }
0x6e: {  	_ =	shalt  }
0x6f: {  	_ =	shalt  }
0x70: {  	_ =	shalt  }
0x71: {  	_ =	shalt  }
0x72: {  	_ =	shalt  }
0x73: {  	_ =	shalt  }
0x74: {  	_ =	shalt  }
0x75: {  	_ =	shalt  }
0x76: {  	_ =	shalt  }
0x77: {  	_ =	shalt  }
0x78: {  	_ =	shalt  }
0x79: {  	_ =	shalt  }
0x7a: {  	_ =	shalt  }
0x7b: {  	_ =	shalt  }
0x7c: {  	_ =	shalt  }
0x7d: {  	_ =	shalt  }
0x7e: {  	_ =	shalt  }
0x7f: {  	_ =	shalt  }
0x80: {  	_ =	shalt  }
0x81: {  	_ =	shalt  }
0x82: {  	_ =	shalt  }
0x83: {  	_ =	shalt  }
0x84: {  	_ =	shalt  }
0x85: {  	_ =	shalt  }
0x86: {  	_ =	shalt  }
0x87: {  	_ =	shalt  }
.Lfunc_end0:
.L_simem_size_0:
called_computation.1_lowered:
.L_overlay_start_0:
0x88: {  	s2 =	sld [smem:$0x3FD9]  }
0x89: {  	s3 =	sld [smem:$0x3FFE];
	_ =	sdelay $0x1  }
0x8a: {  	s1 =	srdreg.scid  }
0x8b: {  	s0 =	sand.u32 $0x1, s1  }
0x8c: {  	s17 =	sshll.u32 s0, $0xA;
	s2 =	sadd.s32 s3, s2  }
0x8d: {  	s2 =	sadd.s32 s2, s17  }
0x8e: {  	[smem:$0x3FC2] =	sst s2  }
0x8f: {  	_ = 	snop  }
0x90: {  	s2 =	sld [smem:$0x3FD0];
	(tm) =	ssettm $0x1  }
0x91: {  	s18 =	sld [smem:$0x3FFB];
	_ =	sdelay $0x3  }
0x92: {  	_ =	strace s18  }
0x93: {  	s3 =	sld [smem:$0x3FFC];
	_ =	sdelay $0x3  }
0x94: {  	_ =	strace s3  }
0x95: {  	s3 =	sld [smem:$0x3FFD];
	_ =	sdelay $0x3  }
0x96: {  	_ =	strace s3  }
0x97: {  	_ =	strace $0x8FFFFFFF  }
0x98: {  	s19 =	sld [smem:$0x3FDB];
	_ =	sdelay $0x1  }
0x99: {  	s4 =	simm.s32 $_scs_section_size  }
0x9a: {  	s5 =	simm.s32 $_size__tile_overlayer_lowered;
	s6 =	simm.s32 $_tile_overlayer_lowered  }
0x9b: {  	s22 =	simm.s32 $0x1BFF;
	s21 =	sshll.u32 s6, $0x1;
	s3 =	sadd.s32 s4, s19  }
0x9c: {  	s7 =	simm.s32 $0x0;
	s20 =	sshll.u32 s5, $0x1;
	s5 =	sadd.s32 s21, s3  }
0x9d: {  	[timem:s7], [sflag:s22] =	dma.local [hbm:s5], s20  }
0x9e: {  	_ =	swait.ge [sflag:s22], s20  }
0x9f: {  	s4 =	ssub.s32 $0x0, s20;
	[sflag:s22] =	ssyncset.done $0x0  }
0xa0: {  	[sflag:s22] =	ssyncadd.s32 s4;
	_ =	sdelay $0x1  }
0xa1: {  	s23 =	simm.s32 $0x1B8B  }
0xa2: {  	_ =	swait.ge [sflag:s23], $0x1  }
0xa3: {  	[sflag:s23] =	ssyncset.done $0x0  }
0xa4: {  	s25 =	simm.s32 $0x1B8E;
	s24 =	sld [smem:$0x3FFE];
	[sflag:s23] =	ssyncadd.s32 $0xFFFFFFFF  }
0xa5: {  	s26 =	simm.s32 $execute0_lowered;
	[smem:$0x3FD2] =	sst s25  }
0xa6: {  	s5 =	sshll.u32 s26, $0x1;
	_ =	strace $0x80000049;
	[dreg:$0x1] =	wrdreg $0xFFFFFFFF  }
0xa7: {  	s28 =	simm.s32 $_size_execute0_lowered;
	s3 =	sadd.s32 s3, s5;
	[dreg:$0x0] =	wrdreg $0x0  }
0xa8: {  	s5 =	sshll.u32 s28, $0x1;
	[dreg:$0x2] =	wrdreg s3  }
0xa9: {  	[dreg:$0x3] =	wrdreg s5  }
0xaa: {  	[dreg:$0x4] =	wrdreg $0xC0  }
0xab: {  	_ =	task [dreg:s7], $0x5FFFF  }
0xac: {  	[dreg:$0x1] =	wrdreg $0xFFFFFFFF  }
0xad: {  	[dreg:$0x0] =	wrdreg $0x60  }
0xae: {  	[dreg:$0x2] =	wrdreg s2  }
0xaf: {  	[dreg:$0x3] =	wrdreg s24  }
0xb0: {  	[dreg:$0x4] =	wrdreg $0xB0000  }
0xb1: {  	[dreg:$0x5] =	wrdreg $0x150000  }
0xb2: {  	[dreg:$0x6] =	wrdreg $0x9  }
0xb3: {  	_ =	task.clear_ibuf [dreg:s7], $0x7FFFF;
	_ =	strace $0x90000049  }
0xb4: {  	s29 =	simm.s32 $0x9;
	_ =	strace $0x8000004B  }
0xb5: {  	_ =	swait.ge [sflag:s29], $0x1  }
0xb6: {  	[sflag:s29] =	ssyncadd.s32 $0xFFFFFFFF  }
0xb7: {  	_ =	strace $0x9000004B  }
0xb8: {  	_ =	sfence  }
0xb9: {  	s30 =	sld [smem:$0x0];
	_ =	sdelay $0x2  }
0xba: {  	s31 =	sshll.u32 s1, $0xD;
	s1 =	sshrl.u32 s1, $0x2  }
0xbb: {  	s3 =	sand.u32 $0x4000, s31;
	s1 =	sadd.s32 s1, s30  }
0xbc: {  	s0 =	sor.u32 s3, s0;
	s1 =	sshll.u32 s1, $0x11  }
0xbd: {  	s0 =	sor.u32 s1, s0  }
0xbe: {  	s0 =	sadd.s32 $0x8F2B, s0  }
0xbf: {  	[sflag:s0] =	ssyncadd.remote.s32 $0x1  }
0xc0: {  	_ =	sfence.sel $0xFFFF  }
0xc1: {  	[dreg:$0x0] =	wrdreg $0xFFFFFFFF;
	(pc) =	sbr.abs _section_cstart, $3  }
0xc2: {  	[dreg:$0x1] =	wrdreg $0xFFFFFFFF  }
0xc3: {  	_ =	task.clear_ibuf [dreg:s7], $0x2FFFF;
	_ =	strace $0x9FFFFFFF  }
0xc4: {  	(tm) =	ssettm $0x7FFFFFFF  }
0xc5: {  	_ =	shalt  }
tec
execute0_lowered:
.L_overlay_start_1:
0x0: {  	(tag) =	ssettag $0x1  }
0x1: {  	s0 =	rddreg [dreg:$0x0]  }
0x2: {  	s1 =	rddreg [dreg:$0x1]  }
0x3: {  	s2 =	rddreg [dreg:$0x2]  }
0x4: {  	s3 =	rddreg [dreg:$0x3];
	s4 =	srdreg.scid  }
0x5: {  	s8 =	stileid.u32;
	s7 =	simm.s32 $0x0;
	s18 =	simm.s32 $0x7  }
0x6: {  	s20 =	simm.s32 $0x5000;
	s21 =	simm.s32 $0x80;
	s22 =	simm.s32 $0x7000  }
0x7: {  	s23 =	simm.s32 $0x1;
	s24 =	simm.s32 $0x2;
	s25 =	simm.s32 $0x3  }
0x8: {  	s26 =	simm.s32 $0x0;
	s4 =	sand.u32 $0x1, s4;
	s5 =	smul.u32 $0xA000, s8  }
0x9: {  	[smem:$0x7FF] =	sst s7;
	s6 =	sshll.u32 s4, $0x4;
	s28 =	smul.u32 $0xA0000, s4  }
0xa: {  	_ =	strace $0x8000004A;
	s4 =	ssub.s32 $0x2, s4;
	s6 =	sor.u32 s8, s6  }
0xb: {  	s12 =	sshrl.u32 s5, $0x3;
	s8 =	smul.u32 $0x28000, s8;
	s29 =	sshrl.u32 s4, $0x1  }
0xc: {  	s6 =	smul.u32 $0x500, s6;
	s13 =	sadd.s32 s12, s1;
	s7 =	sadd.s32 s5, s28  }
0xd: {  	s4 =	ssub.s32 s4, s29;
	s0 =	sadd.s32 s0, s12;
	s7 =	sshrl.u32 s7, $0x3  }
0xe: {  	s8 =	sshrl.u32 s8, $0x2;
	[dreg:$0x8] =	wrdreg s0;
	s15 =	sadd.s32 $0x15800, s13  }
0xf: {  	s17 =	smax.u32 s4, $0x1;
	s6 =	sadd.s32 s6, s1;
	s1 =	sadd.s32 s7, s1  }
0x10: {  	s11 =	sadd.s32 s8, s2;
	s7 =	sadd.s32 s5, s2;
	s5 =	sadd.s32 s5, s3  }
0x11: {  	s30 =	sadd.s32 $0xB800, s6;
	s6 =	sadd.s32 $0x1800, s6;
	[dreg:$0x7] =	wrdreg s5  }
0x12: {  	s8 =	sadd.s32 $0x2000, s11;
	s9 =	sadd.s32 $0x4000, s11;
	[dreg:$0x5] =	wrdreg s30  }
0x13: {  	s10 =	sadd.s32 $0x6000, s11;
	s31 =	sadd.s32 $0x51800, s1;
	[dreg:$0x6] =	wrdreg s6  }
0x14: {  	v0 =	vimm.f32 $0.0e+00;
	s11 =	sadd.s32 $0x8000, s11;
	s16 =	sadd.s32 $0x29800, s1;
	[dreg:$0x9] =	wrdreg s31  }
.LBB2_1:
0x15: {  	s0 =	simm.s32 $0x0;
	s1 =	rddreg [dreg:$0x5]  }
0x16: {  	[tilespmem:s0], [sflag:$0x7] =	stream.linear.gather [hbm4b:s1+s0], $0x2800, $0x38;
	[tilespmem:$0x1F000] =	vst v63  }
0x17: {  	_ =	swait.ge [sflag:s18], $0x2800  }
0x18: {  	[sflag:s18] =	ssyncset.done $0x0  }
0x19: {  	s4 =	simm.s32 $0x2800;
	s31 =	rddreg [dreg:$0x6];
	[sflag:s18] =	ssyncadd.s32 $0xFFFFD800  }
0x1a: {  	[tilespmem:s4], [sflag:$0x7] =	stream.linear.gather [hbm4b:s31+s0], $0x2800, $0x38;
	[tilespmem:$0x1F000] =	vst v63  }
0x1b: {  	_ =	swait.ge [sflag:s18], $0x2800  }
0x1c: {  	[sflag:s18] =	ssyncset.done $0x0  }
0x1d: {  	s1 =	simm.s32 $0x100;
	s0 =	simm.s32 $0x0;
	[sflag:s18] =	ssyncadd.s32 $0xFFFFD800  }
.LBB2_2:
0x1e: {  	p0 =	sne.s32 s1, $0x7F00;
	[tilespmem:s0+$0x5030] =	vst v0;
	s4 =	smov.u32 s1;
	s1 =	sadd.s32 $0x100, s1  }
.Ltmp0:
0x1f: {  	[tilespmem:s0+$0x5020] =	vst v0;
	(pc) =	sbr.rel @p0 .LBB2_2-.Ltmp0, $3  }
0x20: {  	[tilespmem:s0+$0x5000] =	vst v0  }
0x21: {  	[tilespmem:s0+$0x5010] =	vst v0;
	_ =	sdelay $0x1  }
0x22: {  	s0 =	sshra.s32 s4, $0x2  }
0x23: {  	[tilespmem:s0+$0x5030] =	vst v0  }
0x24: {  	[tilespmem:s0+$0x5020] =	vst v0  }
0x25: {  	[tilespmem:s0+$0x5000] =	vst v0  }
0x26: {  	[tilespmem:s0+$0x5010] =	vst v0  }
0x27: {  	[spmem:s7] =	stream.linear.scatter [tilespmem:s20], [sflag:$0x7], $0x2000, $0x38;
	[tilespmem:$0x1F000] =	vst v63  }
0x28: {  	_ =	swait.ge [sflag:s18], $0x2000  }
0x29: {  	[sflag:s18] =	ssyncset.done $0x0  }
0x2a: {  	[sflag:s18] =	ssyncadd.s32 $0xFFFFE000  }
0x2b: {  	[spmem:s8] =	stream.linear.scatter [tilespmem:s20], [sflag:$0x7], $0x2000, $0x38;
	[tilespmem:$0x1F000] =	vst v63  }
0x2c: {  	_ =	swait.ge [sflag:s18], $0x2000  }
0x2d: {  	[sflag:s18] =	ssyncset.done $0x0  }
0x2e: {  	[sflag:s18] =	ssyncadd.s32 $0xFFFFE000  }
0x2f: {  	[spmem:s9] =	stream.linear.scatter [tilespmem:s20], [sflag:$0x7], $0x2000, $0x38;
	[tilespmem:$0x1F000] =	vst v63  }
0x30: {  	s6 =	stileid.u32;
	s14 =	simm.s32 $0x0;
	_ =	swait.ge [sflag:s18], $0x2000  }
0x31: {  	p1 =	por $0x0, $0x0;
	s1 =	simm.s32 $0x2;
	[sflag:s18] =	ssyncset.done $0x0  }
0x32: {  	s5 =	simm.s32 $0x2800;
	s31 =	simm.s32 $0x1;
	[sflag:s18] =	ssyncadd.s32 $0xFFFFE000  }
0x33: {  	[spmem:s10] =	stream.linear.scatter [tilespmem:s20], [sflag:$0x7], $0x2000, $0x38;
	[tilespmem:$0x1F000] =	vst v63  }
0x34: {  	s30 =	simm.s32 $0x180;
	s0 =	sshll.u32 s6, $0x6;
	_ =	swait.ge [sflag:s18], $0x2000  }
0x35: {  	p2 =	por @!p1 $0x1, $0x1;
	s28 =	sor.u32 $0x1C07, s0;
	[sflag:s18] =	ssyncset.done $0x0  }
0x36: {  	s0 =	smul.u32 $0xAB, s14;
	p0 =	por p2, p1;
	[sflag:s18] =	ssyncadd.s32 $0xFFFFE000  }
0x37: {  	[spmem:s11] =	stream.linear.scatter [tilespmem:s20], [sflag:$0x7], $0x2000, $0x38;
	[tilespmem:$0x1F000] =	vst v63  }
0x38: {  	s4 =	smul.u32 @!p0 $0xAB, s1;
	s0 =	sshrl.u32 s0, $0x9;
	_ =	swait.ge [sflag:s18], $0x2000  }
0x39: {  	s0 =	sand.u32 $0x7F, s0;
	[sflag:s18] =	ssyncset.done $0x0;
	s12 =	rddreg [dreg:$0x7]  }
0x3a: {  	s13 =	rddreg [dreg:$0x8];
	[sflag:s18] =	ssyncadd.s32 $0xFFFFE000;
	s29 =	sshrl.u32 s12, $0x3  }
0x3b: {  	[spmem:s29], [sflag:s28] =	dma.local [hbm:s13], $0x1400  }
0x3c: {  	p2 =	por !p2, p1;
	s0 =	smul.u32 $0x3, s0;
	_ =	swait.ge [sflag:s18], $0x1400  }
0x3d: {  	p1 =	por p1, p1;
	s1 =	simm.s32 $0x100;
	[sflag:s18] =	ssyncset.done $0x0  }
0x3e: {  	s4 =	sshrl.u32 @!p0 s4, $0x9;
	s0 =	ssub.s32 $0x0, s0;
	[sflag:s18] =	ssyncadd.s32 $0xFFFFEC00  }
0x3f: {  	s4 =	sand.u32 @!p0 $0x7F, s4;
	s0 =	sand.u32 $0xFF, s0;
	[bflag:$0x0] =	sbarrier.arrive $0xFFFF  }
0x40: {  	[tilespmem:s20], [sflag:$0x4] =	stream.indirect.gather [spmem:s3], $0x40, s14, s21, $0xb8;
	[tilespmem:$0x1F000] =	vst v63  }
0x41: {  	s4 =	smul.u32 @!p0 $0x3, s4;
	s6 =	sor.u32 $0x4, s0;
	s12 =	sshll.u32 s0, $0xD  }
0x42: {  	[tilespmem:s22], [sflag:$0x5] =	stream.indirect.gather [spmem:s3], $0x40, s21, s21, $0xb8;
	[tilespmem:$0x1F000] =	vst v63  }
0x43: {  	s0 =	sadd.s32 $0x1, s0;
	s19 =	sadd.s32 $0x5000, s12;
	_ =	swait.ge [sflag:s6], $0x2000  }
0x44: {  	s12 =	ssub.s32 @!p0 $0x2, s4;
	s4 =	simm.s32 $0x2;
	[sflag:s6] =	ssyncset.done $0x0  }
0x45: {  	s13 =	smul.u32 $0xAB, s31;
	[sflag:s6] =	ssyncadd.s32 $0xFFFFE000;
	s6 =	sand.u32 @!p0 $0xFF, s12  }
0x46: {  	[spmem:s2] =	stream.indirect.scatter.add.f32 [tilespmem:s19], [sflag:s0], $0x40, s5, s21, $0xb8;
	[tilespmem:$0x1F000] =	vst v63  }
0x47: {  	s5 =	sadd.s32 @!p0 $0x1, s6;
	s0 =	simm.s32 $0x2880;
	s6 =	simm.s32 @!p2 $0x2  }
0x48: {  	s19 =	simm.s32 $0x3;
	_ =	swait.ge @!p0 [sflag:s5], $0x2000;
	s12 =	sadd.s32 @!p1 $0x4, s6  }
.LBB2_4:
0x49: {  	[sflag:s5] =	ssyncset.done @!p0 $0x0;
	s6 =	sshll.u32 @!p1 s6, $0xD;
	s14 =	simm.s32 @!p1 $0x80  }
0x4a: {  	p4 =	sgt.u32 s31, $0x4D;
	s13 =	sshrl.u32 s13, $0x9;
	[sflag:s5] =	ssyncadd.s32 @!p0 $0xFFFFE000  }
0x4b: {  	p2 =	seq.s32 @!p4 s31, $0x0;
	s6 =	sadd.s32 @!p1 $0x5000, s6;
	s5 =	sand.u32 $0x7F, s13  }
0x4c: {  	[tilespmem:s6], [sflag:s12] =	stream.indirect.gather @!p1 [spmem:s3], $0x40, s1, s14, $0xb8;
	[tilespmem:$0x1F000] =	vst v63  }
0x4d: {  	p0 =	por p2, p4;
	p2 =	por !p2, p4;
	s1 =	smul.u32 $0x3, s5  }
0x4e: {  	s5 =	smul.u32 @!p0 $0xAB, s19;
	s6 =	smov.u32 s4;
	s4 =	sadd.s32 $0x1, s4  }
0x4f: {  	p3 =	sne.s32 s4, $0x50  }
0x50: {  	s1 =	ssub.s32 s31, s1;
	s31 =	smov.u32 s6;
	s5 =	sshrl.u32 @!p0 s5, $0x9  }
0x51: {  	s6 =	sand.u32 $0xFF, s1;
	s1 =	smov.u32 s30;
	s5 =	sand.u32 @!p0 $0x7F, s5  }
0x52: {  	s12 =	sor.u32 $0x4, s6;
	s13 =	sshll.u32 s6, $0xD;
	s5 =	smul.u32 @!p0 $0x3, s5  }
0x53: {  	p1 =	por p4, p4;
	_ =	swait.ge [sflag:s12], $0x2000  }
0x54: {  	s6 =	sadd.s32 $0x1, s6;
	s5 =	ssub.s32 @!p0 s19, s5;
	[sflag:s12] =	ssyncset.done $0x0  }
.Ltmp1:
0x55: {  	[sflag:s12] =	ssyncadd.s32 $0xFFFFE000;
	s12 =	sadd.s32 $0x5000, s13;
	(pc) =	sbr.rel @p3 .LBB2_4-.Ltmp1, $4  }
0x56: {  	[spmem:s2] =	stream.indirect.scatter.add.f32 [tilespmem:s12], [sflag:s6], $0x40, s0, s21, $0xb8;
	[tilespmem:$0x1F000] =	vst v63  }
0x57: {  	s30 =	sadd.s32 $0x80, s30;
	s6 =	sand.u32 @!p0 $0xFF, s5;
	s0 =	sadd.s32 $0x80, s0  }
0x58: {  	s19 =	sadd.s32 $0x2, s31;
	s5 =	sadd.s32 @!p0 $0x1, s6;
	s6 =	simm.s32 @!p2 $0x2  }
0x59: {  	s13 =	smul.u32 $0xAB, s31;
	s12 =	sadd.s32 @!p1 $0x4, s6;
	_ =	swait.ge @!p0 [sflag:s5], $0x2000  }
0x5a: {  	[sflag:s5] =	ssyncset.done @!p0 $0x0;
	s4 =	sshll.u32 @!p1 s6, $0xD;
	s6 =	simm.s32 @!p1 $0x80  }
0x5b: {  	p2 =	sgt.u32 s31, $0x4D;
	s13 =	sshrl.u32 s13, $0x9;
	[sflag:s5] =	ssyncadd.s32 @!p0 $0xFFFFE000  }
0x5c: {  	p3 =	seq.s32 @!p2 s31, $0x0;
	s4 =	sadd.s32 @!p1 $0x5000, s4;
	s14 =	sand.u32 $0x7F, s13  }
0x5d: {  	[tilespmem:s4], [sflag:s12] =	stream.indirect.gather @!p1 [spmem:s3], $0x40, s1, s6, $0xb8;
	[tilespmem:$0x1F000] =	vst v63  }
0x5e: {  	p0 =	por p3, p2;
	s6 =	smul.u32 $0x3, s14  }
0x5f: {  	s4 =	smul.u32 @!p0 $0xAB, s19  }
0x60: {  	s1 =	ssub.s32 s31, s6  }
0x61: {  	s4 =	sshrl.u32 @!p0 s4, $0x9;
	s1 =	sand.u32 $0xFF, s1  }
0x62: {  	s4 =	sand.u32 @!p0 $0x7F, s4;
	s12 =	sor.u32 $0x4, s1  }
0x63: {  	s4 =	smul.u32 @!p0 $0x3, s4;
	_ =	swait.ge [sflag:s12], $0x2000  }
0x64: {  	s13 =	sshll.u32 s1, $0xD;
	s1 =	sadd.s32 $0x1, s1;
	[sflag:s12] =	ssyncset.done $0x0  }
0x65: {  	s14 =	sadd.s32 $0x5000, s13;
	s4 =	ssub.s32 @!p0 s19, s4;
	[sflag:s12] =	ssyncadd.s32 $0xFFFFE000  }
0x66: {  	[spmem:s2] =	stream.indirect.scatter.add.f32 [tilespmem:s14], [sflag:s1], $0x40, s0, s21, $0xb8;
	[tilespmem:$0x1F000] =	vst v63  }
0x67: {  	s0 =	sand.u32 @!p0 $0xFF, s4  }
0x68: {  	p1 =	por !p3, p2;
	s1 =	sadd.s32 @!p0 $0x1, s0  }
0x69: {  	p2 =	por p2, p2;
	s0 =	simm.s32 @!p1 $0x2;
	_ =	swait.ge @!p0 [sflag:s1], $0x2000  }
0x6a: {  	s4 =	sadd.s32 @!p2 $0x4, s0;
	s0 =	sshll.u32 @!p2 s0, $0xD;
	[sflag:s1] =	ssyncset.done @!p0 $0x0  }
0x6b: {  	s5 =	simm.s32 @!p2 $0x80;
	s0 =	sadd.s32 @!p2 $0x5000, s0;
	[sflag:s1] =	ssyncadd.s32 @!p0 $0xFFFFE000  }
0x6c: {  	[tilespmem:s0], [sflag:s4] =	stream.indirect.gather @!p2 [spmem:s3], $0x40, s30, s5, $0xb8;
	[tilespmem:$0x1F000] =	vst v63  }
0x6d: {  	_ =	swait.ge [sflag:s23], $0x2000  }
0x6e: {  	[sflag:s23] =	ssyncset.done $0x0  }
0x6f: {  	[sflag:s23] =	ssyncadd.s32 $0xFFFFE000  }
0x70: {  	_ =	swait.ge [sflag:s24], $0x2000  }
0x71: {  	[sflag:s24] =	ssyncset.done $0x0  }
0x72: {  	[sflag:s24] =	ssyncadd.s32 $0xFFFFE000  }
0x73: {  	_ =	swait.ge [sflag:s25], $0x2000  }
0x74: {  	[sflag:s25] =	ssyncset.done $0x0  }
0x75: {  	[sflag:s25] =	ssyncadd.s32 $0xFFFFE000  }
0x76: {  	[bflag:$0x0] =	sbarrier.arrive $0xFFFF  }
0x77: {  	s30 =	sshrl.u32 s7, $0x3;
	s31 =	rddreg [dreg:$0x9]  }
0x78: {  	[hbm:s31], [sflag:s28] =	dma.local [spmem:s30], $0x1400  }
0x79: {  	_ =	swait.ge [sflag:s18], $0x1400  }
0x7a: {  	[sflag:s18] =	ssyncset.done $0x0  }
0x7b: {  	s1 =	simm.s32 $0x100;
	s0 =	simm.s32 $0x0;
	[sflag:s18] =	ssyncadd.s32 $0xFFFFEC00  }
.LBB2_6:
0x7c: {  	p0 =	sne.s32 s1, $0x7F00;
	[tilespmem:s0+$0x5030] =	vst v0;
	s4 =	smov.u32 s1;
	s1 =	sadd.s32 $0x100, s1  }
.Ltmp2:
0x7d: {  	[tilespmem:s0+$0x5020] =	vst v0;
	(pc) =	sbr.rel @p0 .LBB2_6-.Ltmp2, $3  }
0x7e: {  	[tilespmem:s0+$0x5000] =	vst v0  }
0x7f: {  	[tilespmem:s0+$0x5010] =	vst v0;
	_ =	sdelay $0x1  }
0x80: {  	s0 =	sshra.s32 s4, $0x2  }
0x81: {  	[tilespmem:s0+$0x5030] =	vst v0  }
0x82: {  	[tilespmem:s0+$0x5020] =	vst v0  }
0x83: {  	[tilespmem:s0+$0x5000] =	vst v0  }
0x84: {  	[tilespmem:s0+$0x5010] =	vst v0  }
0x85: {  	[spmem:s7] =	stream.linear.scatter [tilespmem:s20], [sflag:$0x7], $0x2000, $0x38;
	[tilespmem:$0x1F000] =	vst v63  }
0x86: {  	_ =	swait.ge [sflag:s18], $0x2000  }
0x87: {  	[sflag:s18] =	ssyncset.done $0x0  }
0x88: {  	[sflag:s18] =	ssyncadd.s32 $0xFFFFE000  }
0x89: {  	[spmem:s8] =	stream.linear.scatter [tilespmem:s20], [sflag:$0x7], $0x2000, $0x38;
	[tilespmem:$0x1F000] =	vst v63  }
0x8a: {  	_ =	swait.ge [sflag:s18], $0x2000  }
0x8b: {  	[sflag:s18] =	ssyncset.done $0x0  }
0x8c: {  	[sflag:s18] =	ssyncadd.s32 $0xFFFFE000  }
0x8d: {  	[spmem:s9] =	stream.linear.scatter [tilespmem:s20], [sflag:$0x7], $0x2000, $0x38;
	[tilespmem:$0x1F000] =	vst v63  }
0x8e: {  	_ =	swait.ge [sflag:s18], $0x2000  }
0x8f: {  	[sflag:s18] =	ssyncset.done $0x0  }
0x90: {  	[sflag:s18] =	ssyncadd.s32 $0xFFFFE000  }
0x91: {  	[spmem:s10] =	stream.linear.scatter [tilespmem:s20], [sflag:$0x7], $0x2000, $0x38;
	[tilespmem:$0x1F000] =	vst v63  }
0x92: {  	s14 =	simm.s32 $0x0;
	p1 =	por $0x0, $0x0;
	_ =	swait.ge [sflag:s18], $0x2000  }
0x93: {  	s1 =	simm.s32 $0x2;
	s5 =	simm.s32 $0x2800;
	[sflag:s18] =	ssyncset.done $0x0  }
0x94: {  	s31 =	simm.s32 $0x1;
	s0 =	smul.u32 $0xAB, s14;
	[sflag:s18] =	ssyncadd.s32 $0xFFFFE000  }
0x95: {  	[spmem:s11] =	stream.linear.scatter [tilespmem:s20], [sflag:$0x7], $0x2000, $0x38;
	[tilespmem:$0x1F000] =	vst v63  }
0x96: {  	p2 =	por @!p1 $0x1, $0x1;
	s13 =	smul.u32 $0xAB, s31;
	_ =	swait.ge [sflag:s18], $0x2000  }
0x97: {  	p0 =	por p2, p1;
	s0 =	sshrl.u32 s0, $0x9;
	[sflag:s18] =	ssyncset.done $0x0  }
0x98: {  	s4 =	smul.u32 @!p0 $0xAB, s1;
	s0 =	sand.u32 $0x7F, s0;
	[sflag:s18] =	ssyncadd.s32 $0xFFFFE000  }
0x99: {  	[spmem:s29], [sflag:s28] =	dma.local [hbm:s15], $0x1400  }
0x9a: {  	p2 =	por !p2, p1;
	s0 =	smul.u32 $0x3, s0;
	_ =	swait.ge [sflag:s18], $0x1400  }
0x9b: {  	p1 =	por p1, p1;
	s1 =	simm.s32 $0x100;
	[sflag:s18] =	ssyncset.done $0x0  }
0x9c: {  	s4 =	sshrl.u32 @!p0 s4, $0x9;
	s0 =	ssub.s32 $0x0, s0;
	[sflag:s18] =	ssyncadd.s32 $0xFFFFEC00  }
0x9d: {  	s4 =	sand.u32 @!p0 $0x7F, s4;
	s0 =	sand.u32 $0xFF, s0;
	[bflag:$0x0] =	sbarrier.arrive $0xFFFF  }
0x9e: {  	[tilespmem:s20], [sflag:$0x4] =	stream.indirect.gather [spmem:s3], $0x40, s14, s21, $0xb8;
	[tilespmem:$0x1F000] =	vst v63  }
0x9f: {  	s4 =	smul.u32 @!p0 $0x3, s4;
	s6 =	sor.u32 $0x4, s0;
	s12 =	sshll.u32 s0, $0xD  }
0xa0: {  	[tilespmem:s22], [sflag:$0x5] =	stream.indirect.gather [spmem:s3], $0x40, s21, s21, $0xb8;
	[tilespmem:$0x1F000] =	vst v63  }
0xa1: {  	s0 =	sadd.s32 $0x1, s0;
	s19 =	sadd.s32 $0x5000, s12;
	_ =	swait.ge [sflag:s6], $0x2000  }
0xa2: {  	s12 =	ssub.s32 @!p0 $0x2, s4;
	s4 =	simm.s32 $0x2;
	[sflag:s6] =	ssyncset.done $0x0  }
0xa3: {  	s29 =	simm.s32 $0x180;
	[sflag:s6] =	ssyncadd.s32 $0xFFFFE000;
	s6 =	sand.u32 @!p0 $0xFF, s12  }
0xa4: {  	[spmem:s2] =	stream.indirect.scatter.add.f32 [tilespmem:s19], [sflag:s0], $0x40, s5, s21, $0xb8;
	[tilespmem:$0x1F000] =	vst v63  }
0xa5: {  	s5 =	sadd.s32 @!p0 $0x1, s6;
	s0 =	simm.s32 $0x2880;
	s6 =	simm.s32 @!p2 $0x2  }
0xa6: {  	s19 =	simm.s32 $0x3;
	_ =	swait.ge @!p0 [sflag:s5], $0x2000;
	s12 =	sadd.s32 @!p1 $0x4, s6  }
.LBB2_8:
0xa7: {  	[sflag:s5] =	ssyncset.done @!p0 $0x0;
	s6 =	sshll.u32 @!p1 s6, $0xD;
	s14 =	simm.s32 @!p1 $0x80  }
0xa8: {  	p4 =	sgt.u32 s31, $0x4D;
	s13 =	sshrl.u32 s13, $0x9;
	[sflag:s5] =	ssyncadd.s32 @!p0 $0xFFFFE000  }
0xa9: {  	p2 =	seq.s32 @!p4 s31, $0x0;
	s6 =	sadd.s32 @!p1 $0x5000, s6;
	s5 =	sand.u32 $0x7F, s13  }
0xaa: {  	[tilespmem:s6], [sflag:s12] =	stream.indirect.gather @!p1 [spmem:s3], $0x40, s1, s14, $0xb8;
	[tilespmem:$0x1F000] =	vst v63  }
0xab: {  	p0 =	por p2, p4;
	p2 =	por !p2, p4;
	s1 =	smul.u32 $0x3, s5  }
0xac: {  	s5 =	smul.u32 @!p0 $0xAB, s19;
	s6 =	smov.u32 s4;
	s4 =	sadd.s32 $0x1, s4  }
0xad: {  	p3 =	sne.s32 s4, $0x50  }
0xae: {  	s1 =	ssub.s32 s31, s1;
	s31 =	smov.u32 s6;
	s5 =	sshrl.u32 @!p0 s5, $0x9  }
0xaf: {  	s6 =	sand.u32 $0xFF, s1;
	s1 =	smov.u32 s29;
	s5 =	sand.u32 @!p0 $0x7F, s5  }
0xb0: {  	s12 =	sor.u32 $0x4, s6;
	s13 =	sshll.u32 s6, $0xD;
	s5 =	smul.u32 @!p0 $0x3, s5  }
0xb1: {  	p1 =	por p4, p4;
	_ =	swait.ge [sflag:s12], $0x2000  }
0xb2: {  	s6 =	sadd.s32 $0x1, s6;
	s5 =	ssub.s32 @!p0 s19, s5;
	[sflag:s12] =	ssyncset.done $0x0  }
.Ltmp3:
0xb3: {  	[sflag:s12] =	ssyncadd.s32 $0xFFFFE000;
	s12 =	sadd.s32 $0x5000, s13;
	(pc) =	sbr.rel @p3 .LBB2_8-.Ltmp3, $4  }
0xb4: {  	[spmem:s2] =	stream.indirect.scatter.add.f32 [tilespmem:s12], [sflag:s6], $0x40, s0, s21, $0xb8;
	[tilespmem:$0x1F000] =	vst v63  }
0xb5: {  	s29 =	sadd.s32 $0x80, s29;
	s6 =	sand.u32 @!p0 $0xFF, s5;
	s0 =	sadd.s32 $0x80, s0  }
0xb6: {  	s19 =	sadd.s32 $0x2, s31;
	s5 =	sadd.s32 @!p0 $0x1, s6;
	s6 =	simm.s32 @!p2 $0x2  }
0xb7: {  	s13 =	smul.u32 $0xAB, s31;
	s12 =	sadd.s32 @!p1 $0x4, s6;
	_ =	swait.ge @!p0 [sflag:s5], $0x2000  }
0xb8: {  	[sflag:s5] =	ssyncset.done @!p0 $0x0;
	s4 =	sshll.u32 @!p1 s6, $0xD;
	s6 =	simm.s32 @!p1 $0x80  }
0xb9: {  	p2 =	sgt.u32 s31, $0x4D;
	s13 =	sshrl.u32 s13, $0x9;
	[sflag:s5] =	ssyncadd.s32 @!p0 $0xFFFFE000  }
0xba: {  	p3 =	seq.s32 @!p2 s31, $0x0;
	s4 =	sadd.s32 @!p1 $0x5000, s4;
	s14 =	sand.u32 $0x7F, s13  }
0xbb: {  	[tilespmem:s4], [sflag:s12] =	stream.indirect.gather @!p1 [spmem:s3], $0x40, s1, s6, $0xb8;
	[tilespmem:$0x1F000] =	vst v63  }
0xbc: {  	p0 =	por p3, p2;
	s12 =	smul.u32 $0x3, s14  }
0xbd: {  	s4 =	smul.u32 @!p0 $0xAB, s19  }
0xbe: {  	s1 =	ssub.s32 s31, s12  }
0xbf: {  	s4 =	sshrl.u32 @!p0 s4, $0x9;
	s1 =	sand.u32 $0xFF, s1  }
0xc0: {  	s4 =	sand.u32 @!p0 $0x7F, s4;
	s13 =	sor.u32 $0x4, s1  }
0xc1: {  	s4 =	smul.u32 @!p0 $0x3, s4;
	_ =	swait.ge [sflag:s13], $0x2000  }
0xc2: {  	s14 =	sshll.u32 s1, $0xD;
	s1 =	sadd.s32 $0x1, s1;
	[sflag:s13] =	ssyncset.done $0x0  }
0xc3: {  	s31 =	sadd.s32 $0x5000, s14;
	s4 =	ssub.s32 @!p0 s19, s4;
	[sflag:s13] =	ssyncadd.s32 $0xFFFFE000  }
0xc4: {  	[spmem:s2] =	stream.indirect.scatter.add.f32 [tilespmem:s31], [sflag:s1], $0x40, s0, s21, $0xb8;
	[tilespmem:$0x1F000] =	vst v63  }
0xc5: {  	s0 =	sand.u32 @!p0 $0xFF, s4  }
0xc6: {  	p1 =	por !p3, p2;
	s1 =	sadd.s32 @!p0 $0x1, s0  }
0xc7: {  	p2 =	por p2, p2;
	s0 =	simm.s32 @!p1 $0x2;
	_ =	swait.ge @!p0 [sflag:s1], $0x2000  }
0xc8: {  	s4 =	sadd.s32 @!p2 $0x4, s0;
	s0 =	sshll.u32 @!p2 s0, $0xD;
	[sflag:s1] =	ssyncset.done @!p0 $0x0  }
0xc9: {  	s5 =	simm.s32 @!p2 $0x80;
	s0 =	sadd.s32 @!p2 $0x5000, s0;
	[sflag:s1] =	ssyncadd.s32 @!p0 $0xFFFFE000  }
0xca: {  	[tilespmem:s0], [sflag:s4] =	stream.indirect.gather @!p2 [spmem:s3], $0x40, s29, s5, $0xb8;
	[tilespmem:$0x1F000] =	vst v63  }
0xcb: {  	_ =	swait.ge [sflag:s23], $0x2000  }
0xcc: {  	[sflag:s23] =	ssyncset.done $0x0  }
0xcd: {  	[sflag:s23] =	ssyncadd.s32 $0xFFFFE000  }
0xce: {  	_ =	swait.ge [sflag:s24], $0x2000  }
0xcf: {  	[sflag:s24] =	ssyncset.done $0x0  }
0xd0: {  	[sflag:s24] =	ssyncadd.s32 $0xFFFFE000  }
0xd1: {  	_ =	swait.ge [sflag:s25], $0x2000  }
0xd2: {  	s26 =	sadd.s32 $0x1, s26;
	[sflag:s25] =	ssyncset.done $0x0  }
0xd3: {  	p0 =	sne.s32 s26, s17;
	[sflag:s25] =	ssyncadd.s32 $0xFFFFE000  }
.Ltmp4:
0xd4: {  	[bflag:$0x0] =	sbarrier.arrive $0xFFFF;
	(pc) =	sbr.rel @p0 .LBB2_1-.Ltmp4, $4  }
0xd5: {  	[hbm:s16], [sflag:s28] =	dma.local [spmem:s30], $0x1400  }
0xd6: {  	_ =	swait.ge [sflag:s18], $0x1400  }
0xd7: {  	[sflag:s18] =	ssyncset.done $0x0  }
0xd8: {  	[sflag:s18] =	ssyncadd.s32 $0xFFFFEC00  }
0xd9: {  	_ =	sfence.sel $0x180000  }
0xda: {  	[bflag:$0x0] =	sbarrier.arrive $0xFFFF  }
0xdb: {  	_ =	strace $0x9000004A  }
0xdc: {  	s0 =	stileid.u32;
	[bflag:$0x2] =	sbarrier.arrive $0xFFFF  }
0xdd: {  	p0 =	sne.s32 s0, $0x0;
	s0 =	rddreg [dreg:$0x4]  }
0xde: {  	s0 =	sadd.s32 @!p0 $0x100000, s0  }
0xdf: {  	[sflag:s0] =	ssyncadd.tile.s32 @!p0 $0x1;
	_ =	shalt  }
.Lfunc_end2:
_tile_overlayer_lowered:
.L_overlay_start_2:
0xe0: {  	(tag) =	ssettag $0x2  }
0xe1: {  	s0 =	rddreg [dreg:$0x0];
	s2 =	stileid.u32  }
0xe2: {  	s1 =	rddreg [dreg:$0x1];
	p0 =	sne.s32 s2, $0x0  }
0xe3: {  	s3 =	rddreg [dreg:$0x2];
	[bflag:$0x3] =	sbarrier.arrive $0xFFFF;
	s2 =	simm.s32 @!p0 $0x1C07  }
0xe4: {  	[timem:s3], [sflag:s2] =	dma.local @!p0 [hbm:s0], s1  }
0xe5: {  	s0 =	simm.s32 @!p0 $0x7  }
0xe6: {  	_ =	swait.ge @!p0 [sflag:s0], s1  }
0xe7: {  	s1 =	ssub.s32 @!p0 $0x0, s1;
	[sflag:s0] =	ssyncset.done @!p0 $0x0  }
0xe8: {  	[sflag:s0] =	ssyncadd.s32 @!p0 s1  }
0xe9: {  	[bflag:$0x3] =	sbarrier.arrive $0xFFFF  }
0xea: {  	_ =	shalt  }

</sc_bundles>
